<compile_context>
chip_gen: v7x
topology: tpu7x:2x2x1
jax: 0.10.2.dev20260603
libtpu: 0.0.44.dev20260713+nightly
codegen_flags: <defaults>
</compile_context>

<pallas_src>
import functools

import jax
import jax.numpy as jnp
from jax import lax
from jax.experimental import pallas as pl
from jax.experimental.pallas import tpu as pltpu
from jax.experimental.pallas import tpu_sc as plsc


@functools.cache
def _make_embed(V, D, N, P, scale):
    info = plsc.get_sparse_core_info()
    NC, NS, L = info.num_cores, info.num_subcores, info.num_lanes
    NW = NC * NS
    assert N % NW == 0 and D % L == 0 and V % 2 == 0
    NPW = N // NW
    W = 256
    H = NPW // W
    assert H == 2
    E = NPW * P
    assert E % 128 == 0 and W % L == 0
    SR = E // 128
    G = W // L
    mesh = plsc.VectorSubcoreMesh(core_axis_name="c", subcore_axis_name="s")

    @functools.partial(
        pl.kernel,
        mesh=mesh,
        compiler_params=pltpu.CompilerParams(needs_layout_passes=False),
        out_type=jax.ShapeDtypeStruct((P, D, N), jnp.float32),
        scratch_types=[
            pltpu.VMEM((SR, 128), jnp.int32),
            pltpu.VMEM((W,), jnp.int32),
            pltpu.VMEM((W,), jnp.int32),
            pltpu.VMEM((W,), jnp.int32),
            pltpu.VMEM((W,), jnp.int32),
            pltpu.VMEM((W, 2 * D), jnp.float32),
            pltpu.VMEM((W, 2 * D), jnp.float32),
            pltpu.VMEM((D, W), jnp.float32),
            pltpu.VMEM((D, W), jnp.float32),
            pltpu.SemaphoreType.DMA,
            pltpu.SemaphoreType.DMA,
            pltpu.SemaphoreType.DMA,
            pltpu.SemaphoreType.DMA,
        ],
    )
    def k(idx_hbm, table_hbm, out_hbm, slab, gidx0, gidx1, colb0, colb1,
          rows0, rows1, outp0, outp1, gsem0, gsem1, wsem0, wsem1):
        wid = lax.axis_index("s") * NC + lax.axis_index("c")
        iota = lax.iota(jnp.int32, L)
        obase = wid * NPW
        pltpu.sync_copy(idx_hbm.at[wid], slab)
        gidx = (gidx0, gidx1)
        colb = (colb0, colb1)
        rows = (rows0, rows1)
        outp = (outp0, outp1)
        gsem = (gsem0, gsem1)
        wsem = (wsem0, wsem1)

        def build(p, half, buf):
            @plsc.parallel_loop(0, G, unroll=4)
            def _(g):
                e = (half * W + g * L + iota) * P + p
                v = plsc.load_gather(slab, [lax.shift_right_logical(e, 7),
                                            lax.bitwise_and(e, 127)])
                sl = pl.ds(g * L, L)
                gidx[buf][sl] = lax.shift_right_logical(v, 1)
                colb[buf][sl] = lax.bitwise_and(v, 1) * D

        def fire(buf):
            pltpu.async_copy(table_hbm.at[gidx[buf]], rows[buf], gsem[buf])

        def gwait(buf):
            pltpu.make_async_copy(table_hbm.at[gidx[buf]], rows[buf],
                                  gsem[buf]).wait()

        def trans(buf):
            cbs = [colb[buf][pl.ds(g * L, L)] for g in range(G)]
            rvs = [g * L + iota for g in range(G)]

            @plsc.parallel_loop(0, D, unroll=8)
            def _(d):
                for g in range(G):
                    x = plsc.load_gather(rows[buf], [rvs[g], cbs[g] + d])
                    outp[buf][d, pl.ds(g * L, L)] = x * scale

        def wfire(p, half, buf):
            pltpu.async_copy(outp[buf],
                             out_hbm.at[p, :, pl.ds(obase + half * W, W)],
                             wsem[buf])

        def wwait(buf):
            pltpu.make_async_copy(outp[buf],
                                  out_hbm.at[0, :, pl.ds(obase, W)],
                                  wsem[buf]).wait()

        build(0, 0, 0)
        fire(0)

        def plane_body(p, carry):
            build(p, 1, 1)
            fire(1)
            gwait(0)

            @pl.when(p > 0)
            def _():
                wwait(0)

            trans(0)
            wfire(p, 0, 0)

            @pl.when(p < P - 1)
            def _():
                build(p + 1, 0, 0)
                fire(0)

            gwait(1)

            @pl.when(p > 0)
            def _():
                wwait(1)

            trans(1)
            wfire(p, 1, 1)
            return carry

        lax.fori_loop(0, P, plane_body, 0, unroll=False)
        wwait(0)
        wwait(1)

    return k


def kernel(input, weight):
    V, D = weight.shape
    N, P = input.shape
    NW = 32
    scale = float(D) ** 0.5
    idx3 = input.reshape(NW, (N // NW) * P // 128, 128).astype(jnp.int32)
    table2 = weight.reshape(V // 2, 2 * D)
    out3 = _make_embed(V, D, N, P, scale)(idx3, table2)
    return jnp.transpose(out3, (2, 0, 1))

# --- scband reference (transcript-rebuilt; emitter-appended) ---
"""Pipeline reference for scband-embedding-33870112096317 (READ-ONLY COPY).

The authoritative reference and input builder live on the scoring server;
editing this copy changes nothing except your own understanding.
"""

import math
import jax, jax.numpy as jnp
import numpy as np

NUM_EMBEDDINGS = 1000000
EMBEDDING_DIM = 64
EMBEDDING_SCALE = math.sqrt(EMBEDDING_DIM)


def setup_inputs(seed: int = 0) -> dict:
    key = jax.random.key(seed)
    k_idx, k_w = jax.random.split(key)
    input = jax.random.randint(k_idx, (16384, 50), 0, NUM_EMBEDDINGS, dtype=jnp.int64 if jax.config.read('jax_enable_x64') else jnp.int32)
    std = 1.0 / EMBEDDING_SCALE
    weight = jax.random.normal(k_w, (NUM_EMBEDDINGS, EMBEDDING_DIM), dtype=jnp.float32) * std
    return {"input": input, "weight": weight}


def reference(input, weight):
    # F.embedding(input, weight) * embedding_scale
    emb = jnp.take(weight, input, axis=0)
    return emb * EMBEDDING_SCALE

if __name__ == "__main__":
    import jax
    _d = setup_inputs()
    print(jax.jit(kernel)(*tuple(_d.values())))

</pallas_src>

<mosaic_0001>
#map = affine_map<(d0, d1) -> (0, 0, 0)>
#map1 = affine_map<(d0, d1) -> (0, 0)>
module attributes {stable_mosaic.version = 14 : i64} {
  func.func @k(%arg0: i32, %arg1: i32, %arg2: memref<32x200x128xi32, #tpu.memory_space<hbm>>, %arg3: memref<500000x128xf32, #tpu.memory_space<hbm>>, %arg4: memref<50x64x16384xf32, #tpu.memory_space<hbm>>, %arg5: memref<200x128xi32, #tpu.memory_space<vmem>>, %arg6: memref<256xi32, #tpu.memory_space<vmem>>, %arg7: memref<256xi32, #tpu.memory_space<vmem>>, %arg8: memref<256xi32, #tpu.memory_space<vmem>>, %arg9: memref<256xi32, #tpu.memory_space<vmem>>, %arg10: memref<256x128xf32, #tpu.memory_space<vmem>>, %arg11: memref<256x128xf32, #tpu.memory_space<vmem>>, %arg12: memref<64x256xf32, #tpu.memory_space<vmem>>, %arg13: memref<64x256xf32, #tpu.memory_space<vmem>>, %arg14: memref<!tpu.dma_semaphore, #tpu.memory_space<semaphore_mem>>, %arg15: memref<!tpu.dma_semaphore, #tpu.memory_space<semaphore_mem>>, %arg16: memref<!tpu.dma_semaphore, #tpu.memory_space<semaphore_mem>>, %arg17: memref<!tpu.dma_semaphore, #tpu.memory_space<semaphore_mem>>) attributes {dimension_semantics = [#tpu.dimension_semantics<core_parallel>, #tpu.dimension_semantics<subcore_parallel>], iteration_bounds = array<i64: 2, 16>, scalar_prefetch = 0 : i64, scratch_operands = 13 : i64, tpu.core_type = #tpu.core_type<sc_vector_subcore>, window_params = [{transform_indices = #map}, {transform_indices = #map1}, {transform_indices = #map}]} {
    %mul3A = arith.constant 2 : i32
    %mul3A_0 = arith.muli %arg1, %mul3A : i32
    %add3A = arith.addi %mul3A_0, %arg0 : i32
    %iota3A = tpu.iota {dimensions = array<i32: 0>} : vector<16xi32>
    %mul3A_1 = arith.constant 512 : i32
    %mul3A_2 = arith.muli %add3A, %mul3A_1 : i32
    "tpu.region"() ({
      %run_scoped3A = tpu.sem_alloc : memref<!tpu.dma_semaphore, #tpu.memory_space<semaphore_mem>>
      %dma_start3A_25 = arith.constant 0 : i32
      %dma_start3A_26 = arith.constant 0 : i32
      %dma_start3A_27 = tpu.memref_slice %arg2[%add3A, %dma_start3A_25, %dma_start3A_26] : memref<32x200x128xi32, #tpu.memory_space<hbm>> -> memref<1x200x128xi32, #tpu.memory_space<hbm>>
      %dma_start3A_28 = tpu.memref_squeeze %dma_start3A_27 : memref<1x200x128xi32, #tpu.memory_space<hbm>> -> memref<200x128xi32, #tpu.memory_space<hbm>>
      %dma_start3A_29 = arith.constant 0 : i32
      %dma_start3A_30 = arith.constant 0 : i32
      %dma_start3A_31 = tpu.memref_slice %arg2[%add3A, %dma_start3A_29, %dma_start3A_30] : memref<32x200x128xi32, #tpu.memory_space<hbm>> -> memref<1x200x128xi32, #tpu.memory_space<hbm>>
      %dma_start3A_32 = tpu.memref_squeeze %dma_start3A_31 : memref<1x200x128xi32, #tpu.memory_space<hbm>> -> memref<200x128xi32, #tpu.memory_space<hbm>>
      tpu.enqueue_dma source(%dma_start3A_32 : memref<200x128xi32, #tpu.memory_space<hbm>>) target(%arg5 : memref<200x128xi32, #tpu.memory_space<vmem>>) target_semaphore(%run_scoped3A : memref<!tpu.dma_semaphore, #tpu.memory_space<semaphore_mem>>)
      %dma_wait3A_33 = arith.constant 0 : i32
      %dma_wait3A_34 = arith.constant 0 : i32
      %dma_wait3A_35 = tpu.memref_slice %arg2[%add3A, %dma_wait3A_33, %dma_wait3A_34] : memref<32x200x128xi32, #tpu.memory_space<hbm>> -> memref<1x200x128xi32, #tpu.memory_space<hbm>>
      %dma_wait3A_36 = tpu.memref_squeeze %dma_wait3A_35 : memref<1x200x128xi32, #tpu.memory_space<hbm>> -> memref<200x128xi32, #tpu.memory_space<hbm>>
      %dma_wait3A_37 = arith.constant 0 : i32
      %dma_wait3A_38 = arith.constant 0 : i32
      %dma_wait3A_39 = tpu.memref_slice %arg2[%add3A, %dma_wait3A_37, %dma_wait3A_38] : memref<32x200x128xi32, #tpu.memory_space<hbm>> -> memref<1x200x128xi32, #tpu.memory_space<hbm>>
      %dma_wait3A_40 = tpu.memref_squeeze %dma_wait3A_39 : memref<1x200x128xi32, #tpu.memory_space<hbm>> -> memref<200x128xi32, #tpu.memory_space<hbm>>
      tpu.wait_dma2 semaphore(%run_scoped3A : memref<!tpu.dma_semaphore, #tpu.memory_space<semaphore_mem>>) src(%dma_wait3A_40 : memref<200x128xi32, #tpu.memory_space<hbm>>) dst(%arg5 : memref<200x128xi32, #tpu.memory_space<vmem>>)
      tpu.yield
    }) : () -> ()
    %parallel_loop3A = arith.constant 0 : i32
    %parallel_loop3A_3 = arith.constant 16 : i32
    %parallel_loop3A_4 = arith.constant 1 : i32
    scf.for %parallel_loop3A_25 = %parallel_loop3A to %parallel_loop3A_3 step %parallel_loop3A_4  : i32 {
      %parallel_loop3A_26 = arith.constant 16 : i32
      %parallel_loop3A_27 = arith.muli %parallel_loop3A_25, %parallel_loop3A_26 : i32
      %parallel_loop3A_28 = arith.constant 0 : i32
      %parallel_loop3A_29 = arith.addi %parallel_loop3A_28, %parallel_loop3A_27 : i32
      %parallel_loop3A_30 = vector.broadcast %parallel_loop3A_29 : i32 to vector<16xi32>
      %parallel_loop3A_31 = arith.addi %parallel_loop3A_30, %iota3A : vector<16xi32>
      %parallel_loop3A_32 = arith.constant 50 : i32
      %parallel_loop3A_33 = vector.broadcast %parallel_loop3A_32 : i32 to vector<16xi32>
      %parallel_loop3A_34 = arith.muli %parallel_loop3A_31, %parallel_loop3A_33 : vector<16xi32>
      %parallel_loop3A_35 = arith.constant 0 : i32
      %parallel_loop3A_36 = vector.broadcast %parallel_loop3A_35 : i32 to vector<16xi32>
      %parallel_loop3A_37 = arith.addi %parallel_loop3A_34, %parallel_loop3A_36 : vector<16xi32>
      %parallel_loop3A_38 = arith.constant 7 : i32
      %parallel_loop3A_39 = vector.broadcast %parallel_loop3A_38 : i32 to vector<16xi32>
      %parallel_loop3A_40 = arith.shrui %parallel_loop3A_37, %parallel_loop3A_39 : vector<16xi32>
      %parallel_loop3A_41 = arith.constant 127 : i32
      %parallel_loop3A_42 = vector.broadcast %parallel_loop3A_41 : i32 to vector<16xi32>
      %parallel_loop3A_43 = arith.andi %parallel_loop3A_37, %parallel_loop3A_42 : vector<16xi32>
      %parallel_loop3A_44 = tpu.vector_load_idx %arg5[%parallel_loop3A_40, %parallel_loop3A_43] : memref<200x128xi32, #tpu.memory_space<vmem>>[vector<16xi32>, vector<16xi32>], vector<16xi32>,
      %parallel_loop3A_45 = arith.constant 16 : i32
      %parallel_loop3A_46 = arith.muli %parallel_loop3A_25, %parallel_loop3A_45 : i32
      %parallel_loop3A_47 = arith.constant 1 : i32
      %parallel_loop3A_48 = vector.broadcast %parallel_loop3A_47 : i32 to vector<16xi32>
      %parallel_loop3A_49 = arith.shrui %parallel_loop3A_44, %parallel_loop3A_48 : vector<16xi32>
      %parallel_loop3A_50 = arith.index_cast %parallel_loop3A_46 : i32 to index
      %parallel_loop3A_51 = tpu.vector_load %arg6[%parallel_loop3A_50] {strides = array<i32>} : memref<256xi32, #tpu.memory_space<vmem>>, vector<16xi32>,
      tpu.vector_store %arg6[%parallel_loop3A_50], %parallel_loop3A_49 {strides = array<i32>} : memref<256xi32, #tpu.memory_space<vmem>>, vector<16xi32>,
      %parallel_loop3A_52 = arith.constant 1 : i32
      %parallel_loop3A_53 = vector.broadcast %parallel_loop3A_52 : i32 to vector<16xi32>
      %parallel_loop3A_54 = arith.andi %parallel_loop3A_44, %parallel_loop3A_53 : vector<16xi32>
      %parallel_loop3A_55 = arith.constant 64 : i32
      %parallel_loop3A_56 = vector.broadcast %parallel_loop3A_55 : i32 to vector<16xi32>
      %parallel_loop3A_57 = arith.muli %parallel_loop3A_54, %parallel_loop3A_56 : vector<16xi32>
      %parallel_loop3A_58 = arith.index_cast %parallel_loop3A_46 : i32 to index
      %parallel_loop3A_59 = tpu.vector_load %arg8[%parallel_loop3A_58] {strides = array<i32>} : memref<256xi32, #tpu.memory_space<vmem>>, vector<16xi32>,
      tpu.vector_store %arg8[%parallel_loop3A_58], %parallel_loop3A_57 {strides = array<i32>} : memref<256xi32, #tpu.memory_space<vmem>>, vector<16xi32>,
    } {sc.loop_unroll_factor = 4 : i64, sc.parallel_access}
    %dma_start3A = arith.constant 0 : i32
    %dma_start3A_5 = arith.constant 0 : i32
    %dma_start3A_6 = tpu.memref_slice %arg3[%dma_start3A, %dma_start3A_5] : memref<500000x128xf32, #tpu.memory_space<hbm>> -> memref<500000x128xf32, #tpu.memory_space<hbm>>
    tpu.enqueue_indirect_dma source(%dma_start3A_6 : memref<500000x128xf32, #tpu.memory_space<hbm>>) target(%arg10 : memref<256x128xf32, #tpu.memory_space<vmem>>) offsets(%arg6 : memref<256xi32, #tpu.memory_space<vmem>>) semaphore(%arg14 : memref<!tpu.dma_semaphore, #tpu.memory_space<semaphore_mem>>)
    %scan3A = arith.constant 0 : i32
    %scan3A_7 = arith.constant 0 : i32
    %scan3A_8 = arith.constant 50 : i32
    %scan3A_9 = arith.addi %scan3A_7, %scan3A_8 : i32
    %scan3A_10 = arith.constant 1 : i32
    scf.for %scan3A_25 = %scan3A_7 to %scan3A_9 step %scan3A_10  : i32 {
      %parallel_loop3A_26 = arith.constant 0 : i32
      %parallel_loop3A_27 = arith.constant 16 : i32
      %parallel_loop3A_28 = arith.constant 1 : i32
      scf.for %parallel_loop3A_230 = %parallel_loop3A_26 to %parallel_loop3A_27 step %parallel_loop3A_28  : i32 {
        %parallel_loop3A_231 = arith.constant 16 : i32
        %parallel_loop3A_232 = arith.muli %parallel_loop3A_230, %parallel_loop3A_231 : i32
        %parallel_loop3A_233 = arith.constant 256 : i32
        %parallel_loop3A_234 = arith.addi %parallel_loop3A_233, %parallel_loop3A_232 : i32
        %parallel_loop3A_235 = vector.broadcast %parallel_loop3A_234 : i32 to vector<16xi32>
        %parallel_loop3A_236 = arith.addi %parallel_loop3A_235, %iota3A : vector<16xi32>
        %parallel_loop3A_237 = arith.constant 50 : i32
        %parallel_loop3A_238 = vector.broadcast %parallel_loop3A_237 : i32 to vector<16xi32>
        %parallel_loop3A_239 = arith.muli %parallel_loop3A_236, %parallel_loop3A_238 : vector<16xi32>
        %parallel_loop3A_240 = vector.broadcast %scan3A_25 : i32 to vector<16xi32>
        %parallel_loop3A_241 = arith.addi %parallel_loop3A_239, %parallel_loop3A_240 : vector<16xi32>
        %parallel_loop3A_242 = arith.constant 7 : i32
        %parallel_loop3A_243 = vector.broadcast %parallel_loop3A_242 : i32 to vector<16xi32>
        %parallel_loop3A_244 = arith.shrui %parallel_loop3A_241, %parallel_loop3A_243 : vector<16xi32>
        %parallel_loop3A_245 = arith.constant 127 : i32
        %parallel_loop3A_246 = vector.broadcast %parallel_loop3A_245 : i32 to vector<16xi32>
        %parallel_loop3A_247 = arith.andi %parallel_loop3A_241, %parallel_loop3A_246 : vector<16xi32>
        %parallel_loop3A_248 = tpu.vector_load_idx %arg5[%parallel_loop3A_244, %parallel_loop3A_247] : memref<200x128xi32, #tpu.memory_space<vmem>>[vector<16xi32>, vector<16xi32>], vector<16xi32>,
        %parallel_loop3A_249 = arith.constant 16 : i32
        %parallel_loop3A_250 = arith.muli %parallel_loop3A_230, %parallel_loop3A_249 : i32
        %parallel_loop3A_251 = arith.constant 1 : i32
        %parallel_loop3A_252 = vector.broadcast %parallel_loop3A_251 : i32 to vector<16xi32>
        %parallel_loop3A_253 = arith.shrui %parallel_loop3A_248, %parallel_loop3A_252 : vector<16xi32>
        %parallel_loop3A_254 = arith.index_cast %parallel_loop3A_250 : i32 to index
        %parallel_loop3A_255 = tpu.vector_load %arg7[%parallel_loop3A_254] {strides = array<i32>} : memref<256xi32, #tpu.memory_space<vmem>>, vector<16xi32>,
        tpu.vector_store %arg7[%parallel_loop3A_254], %parallel_loop3A_253 {strides = array<i32>} : memref<256xi32, #tpu.memory_space<vmem>>, vector<16xi32>,
        %parallel_loop3A_256 = arith.constant 1 : i32
        %parallel_loop3A_257 = vector.broadcast %parallel_loop3A_256 : i32 to vector<16xi32>
        %parallel_loop3A_258 = arith.andi %parallel_loop3A_248, %parallel_loop3A_257 : vector<16xi32>
        %parallel_loop3A_259 = arith.constant 64 : i32
        %parallel_loop3A_260 = vector.broadcast %parallel_loop3A_259 : i32 to vector<16xi32>
        %parallel_loop3A_261 = arith.muli %parallel_loop3A_258, %parallel_loop3A_260 : vector<16xi32>
        %parallel_loop3A_262 = arith.index_cast %parallel_loop3A_250 : i32 to index
        %parallel_loop3A_263 = tpu.vector_load %arg9[%parallel_loop3A_262] {strides = array<i32>} : memref<256xi32, #tpu.memory_space<vmem>>, vector<16xi32>,
        tpu.vector_store %arg9[%parallel_loop3A_262], %parallel_loop3A_261 {strides = array<i32>} : memref<256xi32, #tpu.memory_space<vmem>>, vector<16xi32>,
      } {sc.loop_unroll_factor = 4 : i64, sc.parallel_access}
      %dma_start3A_29 = arith.constant 0 : i32
      %dma_start3A_30 = arith.constant 0 : i32
      %dma_start3A_31 = tpu.memref_slice %arg3[%dma_start3A_29, %dma_start3A_30] : memref<500000x128xf32, #tpu.memory_space<hbm>> -> memref<500000x128xf32, #tpu.memory_space<hbm>>
      tpu.enqueue_indirect_dma source(%dma_start3A_31 : memref<500000x128xf32, #tpu.memory_space<hbm>>) target(%arg11 : memref<256x128xf32, #tpu.memory_space<vmem>>) offsets(%arg7 : memref<256xi32, #tpu.memory_space<vmem>>) semaphore(%arg15 : memref<!tpu.dma_semaphore, #tpu.memory_space<semaphore_mem>>)
      %dma_wait3A_32 = arith.constant 0 : i32
      %dma_wait3A_33 = arith.constant 0 : i32
      %dma_wait3A_34 = tpu.memref_slice %arg3[%dma_wait3A_32, %dma_wait3A_33] : memref<500000x128xf32, #tpu.memory_space<hbm>> -> memref<500000x128xf32, #tpu.memory_space<hbm>>
      tpu.wait_indirect_dma semaphore(%arg14 : memref<!tpu.dma_semaphore, #tpu.memory_space<semaphore_mem>>) src(%dma_wait3A_34 : memref<500000x128xf32, #tpu.memory_space<hbm>>) dst(%arg10 : memref<256x128xf32, #tpu.memory_space<vmem>>)
      %gt3A = arith.constant 0 : i32
      %gt3A_35 = arith.cmpi sgt, %scan3A_25, %gt3A : i32
      %convert_element_type3A = arith.extui %gt3A_35 : i1 to i32
      %cond3A = arith.constant 0 : i32
      %cond3A_36 = arith.cmpi ne, %convert_element_type3A, %cond3A : i32
      scf.if %cond3A_36 {
        %dma_wait3A_230 = arith.constant 0 : i32
        %dma_wait3A_231 = arith.constant 0 : i32
        %dma_wait3A_232 = tpu.memref_slice %arg4[%dma_wait3A_230, %dma_wait3A_231, %mul3A_2] : memref<50x64x16384xf32, #tpu.memory_space<hbm>> -> memref<1x64x256xf32, #tpu.memory_space<hbm>>
        %dma_wait3A_233 = tpu.memref_squeeze %dma_wait3A_232 : memref<1x64x256xf32, #tpu.memory_space<hbm>> -> memref<64x256xf32, #tpu.memory_space<hbm>>
        %dma_wait3A_234 = arith.constant 0 : i32
        %dma_wait3A_235 = tpu.memref_slice %arg4[%dma_wait3A_230, %dma_wait3A_234, %mul3A_2] : memref<50x64x16384xf32, #tpu.memory_space<hbm>> -> memref<1x64x256xf32, #tpu.memory_space<hbm>>
        %dma_wait3A_236 = tpu.memref_squeeze %dma_wait3A_235 : memref<1x64x256xf32, #tpu.memory_space<hbm>> -> memref<64x256xf32, #tpu.memory_space<hbm>>
        tpu.wait_dma2 semaphore(%arg16 : memref<!tpu.dma_semaphore, #tpu.memory_space<semaphore_mem>>) src(%arg12 : memref<64x256xf32, #tpu.memory_space<vmem>>) dst(%dma_wait3A_236 : memref<64x256xf32, #tpu.memory_space<hbm>>)
      } else {
      }
      %get3A = arith.constant 0 : index
      %get3A_37 = tpu.vector_load %arg8[%get3A] {strides = array<i32>} : memref<256xi32, #tpu.memory_space<vmem>>, vector<16xi32>,
      %get3A_38 = arith.constant 16 : index
      %get3A_39 = tpu.vector_load %arg8[%get3A_38] {strides = array<i32>} : memref<256xi32, #tpu.memory_space<vmem>>, vector<16xi32>,
      %get3A_40 = arith.constant 32 : index
      %get3A_41 = tpu.vector_load %arg8[%get3A_40] {strides = array<i32>} : memref<256xi32, #tpu.memory_space<vmem>>, vector<16xi32>,
      %get3A_42 = arith.constant 48 : index
      %get3A_43 = tpu.vector_load %arg8[%get3A_42] {strides = array<i32>} : memref<256xi32, #tpu.memory_space<vmem>>, vector<16xi32>,
      %get3A_44 = arith.constant 64 : index
      %get3A_45 = tpu.vector_load %arg8[%get3A_44] {strides = array<i32>} : memref<256xi32, #tpu.memory_space<vmem>>, vector<16xi32>,
      %get3A_46 = arith.constant 80 : index
      %get3A_47 = tpu.vector_load %arg8[%get3A_46] {strides = array<i32>} : memref<256xi32, #tpu.memory_space<vmem>>, vector<16xi32>,
      %get3A_48 = arith.constant 96 : index
      %get3A_49 = tpu.vector_load %arg8[%get3A_48] {strides = array<i32>} : memref<256xi32, #tpu.memory_space<vmem>>, vector<16xi32>,
      %get3A_50 = arith.constant 112 : index
      %get3A_51 = tpu.vector_load %arg8[%get3A_50] {strides = array<i32>} : memref<256xi32, #tpu.memory_space<vmem>>, vector<16xi32>,
      %get3A_52 = arith.constant 128 : index
      %get3A_53 = tpu.vector_load %arg8[%get3A_52] {strides = array<i32>} : memref<256xi32, #tpu.memory_space<vmem>>, vector<16xi32>,
      %get3A_54 = arith.constant 144 : index
      %get3A_55 = tpu.vector_load %arg8[%get3A_54] {strides = array<i32>} : memref<256xi32, #tpu.memory_space<vmem>>, vector<16xi32>,
      %get3A_56 = arith.constant 160 : index
      %get3A_57 = tpu.vector_load %arg8[%get3A_56] {strides = array<i32>} : memref<256xi32, #tpu.memory_space<vmem>>, vector<16xi32>,
      %get3A_58 = arith.constant 176 : index
      %get3A_59 = tpu.vector_load %arg8[%get3A_58] {strides = array<i32>} : memref<256xi32, #tpu.memory_space<vmem>>, vector<16xi32>,
      %get3A_60 = arith.constant 192 : index
      %get3A_61 = tpu.vector_load %arg8[%get3A_60] {strides = array<i32>} : memref<256xi32, #tpu.memory_space<vmem>>, vector<16xi32>,
      %get3A_62 = arith.constant 208 : index
      %get3A_63 = tpu.vector_load %arg8[%get3A_62] {strides = array<i32>} : memref<256xi32, #tpu.memory_space<vmem>>, vector<16xi32>,
      %get3A_64 = arith.constant 224 : index
      %get3A_65 = tpu.vector_load %arg8[%get3A_64] {strides = array<i32>} : memref<256xi32, #tpu.memory_space<vmem>>, vector<16xi32>,
      %get3A_66 = arith.constant 240 : index
      %get3A_67 = tpu.vector_load %arg8[%get3A_66] {strides = array<i32>} : memref<256xi32, #tpu.memory_space<vmem>>, vector<16xi32>,
      %add3A_68 = arith.constant 0 : i32
      %add3A_69 = vector.broadcast %add3A_68 : i32 to vector<16xi32>
      %add3A_70 = arith.addi %add3A_69, %iota3A : vector<16xi32>
      %add3A_71 = arith.constant 16 : i32
      %add3A_72 = vector.broadcast %add3A_71 : i32 to vector<16xi32>
      %add3A_73 = arith.addi %add3A_72, %iota3A : vector<16xi32>
      %add3A_74 = arith.constant 32 : i32
      %add3A_75 = vector.broadcast %add3A_74 : i32 to vector<16xi32>
      %add3A_76 = arith.addi %add3A_75, %iota3A : vector<16xi32>
      %add3A_77 = arith.constant 48 : i32
      %add3A_78 = vector.broadcast %add3A_77 : i32 to vector<16xi32>
      %add3A_79 = arith.addi %add3A_78, %iota3A : vector<16xi32>
      %add3A_80 = arith.constant 64 : i32
      %add3A_81 = vector.broadcast %add3A_80 : i32 to vector<16xi32>
      %add3A_82 = arith.addi %add3A_81, %iota3A : vector<16xi32>
      %add3A_83 = arith.constant 80 : i32
      %add3A_84 = vector.broadcast %add3A_83 : i32 to vector<16xi32>
      %add3A_85 = arith.addi %add3A_84, %iota3A : vector<16xi32>
      %add3A_86 = arith.constant 96 : i32
      %add3A_87 = vector.broadcast %add3A_86 : i32 to vector<16xi32>
      %add3A_88 = arith.addi %add3A_87, %iota3A : vector<16xi32>
      %add3A_89 = arith.constant 112 : i32
      %add3A_90 = vector.broadcast %add3A_89 : i32 to vector<16xi32>
      %add3A_91 = arith.addi %add3A_90, %iota3A : vector<16xi32>
      %add3A_92 = arith.constant 128 : i32
      %add3A_93 = vector.broadcast %add3A_92 : i32 to vector<16xi32>
      %add3A_94 = arith.addi %add3A_93, %iota3A : vector<16xi32>
      %add3A_95 = arith.constant 144 : i32
      %add3A_96 = vector.broadcast %add3A_95 : i32 to vector<16xi32>
      %add3A_97 = arith.addi %add3A_96, %iota3A : vector<16xi32>
      %add3A_98 = arith.constant 160 : i32
      %add3A_99 = vector.broadcast %add3A_98 : i32 to vector<16xi32>
      %add3A_100 = arith.addi %add3A_99, %iota3A : vector<16xi32>
      %add3A_101 = arith.constant 176 : i32
      %add3A_102 = vector.broadcast %add3A_101 : i32 to vector<16xi32>
      %add3A_103 = arith.addi %add3A_102, %iota3A : vector<16xi32>
      %add3A_104 = arith.constant 192 : i32
      %add3A_105 = vector.broadcast %add3A_104 : i32 to vector<16xi32>
      %add3A_106 = arith.addi %add3A_105, %iota3A : vector<16xi32>
      %add3A_107 = arith.constant 208 : i32
      %add3A_108 = vector.broadcast %add3A_107 : i32 to vector<16xi32>
      %add3A_109 = arith.addi %add3A_108, %iota3A : vector<16xi32>
      %add3A_110 = arith.constant 224 : i32
      %add3A_111 = vector.broadcast %add3A_110 : i32 to vector<16xi32>
      %add3A_112 = arith.addi %add3A_111, %iota3A : vector<16xi32>
      %add3A_113 = arith.constant 240 : i32
      %add3A_114 = vector.broadcast %add3A_113 : i32 to vector<16xi32>
      %add3A_115 = arith.addi %add3A_114, %iota3A : vector<16xi32>
      %parallel_loop3A_116 = arith.constant 0 : i32
      %parallel_loop3A_117 = arith.constant 64 : i32
      %parallel_loop3A_118 = arith.constant 1 : i32
      scf.for %parallel_loop3A_230 = %parallel_loop3A_116 to %parallel_loop3A_117 step %parallel_loop3A_118  : i32 {
        %parallel_loop3A_231 = vector.broadcast %parallel_loop3A_230 : i32 to vector<16xi32>
        %parallel_loop3A_232 = arith.addi %get3A_37, %parallel_loop3A_231 : vector<16xi32>
        %parallel_loop3A_233 = tpu.vector_load_idx %arg10[%add3A_70, %parallel_loop3A_232] : memref<256x128xf32, #tpu.memory_space<vmem>>[vector<16xi32>, vector<16xi32>], vector<16xf32>,
        %parallel_loop3A_234 = arith.constant 8.000000e+00 : f32
        %parallel_loop3A_235 = vector.broadcast %parallel_loop3A_234 : f32 to vector<16xf32>
        %parallel_loop3A_236 = arith.mulf %parallel_loop3A_233, %parallel_loop3A_235 : vector<16xf32>
        %parallel_loop3A_237 = arith.index_cast %parallel_loop3A_230 : i32 to index
        %parallel_loop3A_238 = arith.constant 0 : index
        %parallel_loop3A_239 = tpu.vector_load %arg12[%parallel_loop3A_237, %parallel_loop3A_238] {strides = array<i32>} : memref<64x256xf32, #tpu.memory_space<vmem>>, vector<16xf32>,
        tpu.vector_store %arg12[%parallel_loop3A_237, %parallel_loop3A_238], %parallel_loop3A_236 {strides = array<i32>} : memref<64x256xf32, #tpu.memory_space<vmem>>, vector<16xf32>,
        %parallel_loop3A_240 = vector.broadcast %parallel_loop3A_230 : i32 to vector<16xi32>
        %parallel_loop3A_241 = arith.addi %get3A_39, %parallel_loop3A_240 : vector<16xi32>
        %parallel_loop3A_242 = tpu.vector_load_idx %arg10[%add3A_73, %parallel_loop3A_241] : memref<256x128xf32, #tpu.memory_space<vmem>>[vector<16xi32>, vector<16xi32>], vector<16xf32>,
        %parallel_loop3A_243 = arith.constant 8.000000e+00 : f32
        %parallel_loop3A_244 = vector.broadcast %parallel_loop3A_243 : f32 to vector<16xf32>
        %parallel_loop3A_245 = arith.mulf %parallel_loop3A_242, %parallel_loop3A_244 : vector<16xf32>
        %parallel_loop3A_246 = arith.index_cast %parallel_loop3A_230 : i32 to index
        %parallel_loop3A_247 = arith.constant 16 : index
        %parallel_loop3A_248 = tpu.vector_load %arg12[%parallel_loop3A_246, %parallel_loop3A_247] {strides = array<i32>} : memref<64x256xf32, #tpu.memory_space<vmem>>, vector<16xf32>,
        tpu.vector_store %arg12[%parallel_loop3A_246, %parallel_loop3A_247], %parallel_loop3A_245 {strides = array<i32>} : memref<64x256xf32, #tpu.memory_space<vmem>>, vector<16xf32>,
        %parallel_loop3A_249 = vector.broadcast %parallel_loop3A_230 : i32 to vector<16xi32>
        %parallel_loop3A_250 = arith.addi %get3A_41, %parallel_loop3A_249 : vector<16xi32>
        %parallel_loop3A_251 = tpu.vector_load_idx %arg10[%add3A_76, %parallel_loop3A_250] : memref<256x128xf32, #tpu.memory_space<vmem>>[vector<16xi32>, vector<16xi32>], vector<16xf32>,
        %parallel_loop3A_252 = arith.constant 8.000000e+00 : f32
        %parallel_loop3A_253 = vector.broadcast %parallel_loop3A_252 : f32 to vector<16xf32>
        %parallel_loop3A_254 = arith.mulf %parallel_loop3A_251, %parallel_loop3A_253 : vector<16xf32>
        %parallel_loop3A_255 = arith.index_cast %parallel_loop3A_230 : i32 to index
        %parallel_loop3A_256 = arith.constant 32 : index
        %parallel_loop3A_257 = tpu.vector_load %arg12[%parallel_loop3A_255, %parallel_loop3A_256] {strides = array<i32>} : memref<64x256xf32, #tpu.memory_space<vmem>>, vector<16xf32>,
        tpu.vector_store %arg12[%parallel_loop3A_255, %parallel_loop3A_256], %parallel_loop3A_254 {strides = array<i32>} : memref<64x256xf32, #tpu.memory_space<vmem>>, vector<16xf32>,
        %parallel_loop3A_258 = vector.broadcast %parallel_loop3A_230 : i32 to vector<16xi32>
        %parallel_loop3A_259 = arith.addi %get3A_43, %parallel_loop3A_258 : vector<16xi32>
        %parallel_loop3A_260 = tpu.vector_load_idx %arg10[%add3A_79, %parallel_loop3A_259] : memref<256x128xf32, #tpu.memory_space<vmem>>[vector<16xi32>, vector<16xi32>], vector<16xf32>,
        %parallel_loop3A_261 = arith.constant 8.000000e+00 : f32
        %parallel_loop3A_262 = vector.broadcast %parallel_loop3A_261 : f32 to vector<16xf32>
        %parallel_loop3A_263 = arith.mulf %parallel_loop3A_260, %parallel_loop3A_262 : vector<16xf32>
        %parallel_loop3A_264 = arith.index_cast %parallel_loop3A_230 : i32 to index
        %parallel_loop3A_265 = arith.constant 48 : index
        %parallel_loop3A_266 = tpu.vector_load %arg12[%parallel_loop3A_264, %parallel_loop3A_265] {strides = array<i32>} : memref<64x256xf32, #tpu.memory_space<vmem>>, vector<16xf32>,
        tpu.vector_store %arg12[%parallel_loop3A_264, %parallel_loop3A_265], %parallel_loop3A_263 {strides = array<i32>} : memref<64x256xf32, #tpu.memory_space<vmem>>, vector<16xf32>,
        %parallel_loop3A_267 = vector.broadcast %parallel_loop3A_230 : i32 to vector<16xi32>
        %parallel_loop3A_268 = arith.addi %get3A_45, %parallel_loop3A_267 : vector<16xi32>
        %parallel_loop3A_269 = tpu.vector_load_idx %arg10[%add3A_82, %parallel_loop3A_268] : memref<256x128xf32, #tpu.memory_space<vmem>>[vector<16xi32>, vector<16xi32>], vector<16xf32>,
        %parallel_loop3A_270 = arith.constant 8.000000e+00 : f32
        %parallel_loop3A_271 = vector.broadcast %parallel_loop3A_270 : f32 to vector<16xf32>
        %parallel_loop3A_272 = arith.mulf %parallel_loop3A_269, %parallel_loop3A_271 : vector<16xf32>
        %parallel_loop3A_273 = arith.index_cast %parallel_loop3A_230 : i32 to index
        %parallel_loop3A_274 = arith.constant 64 : index
        %parallel_loop3A_275 = tpu.vector_load %arg12[%parallel_loop3A_273, %parallel_loop3A_274] {strides = array<i32>} : memref<64x256xf32, #tpu.memory_space<vmem>>, vector<16xf32>,
        tpu.vector_store %arg12[%parallel_loop3A_273, %parallel_loop3A_274], %parallel_loop3A_272 {strides = array<i32>} : memref<64x256xf32, #tpu.memory_space<vmem>>, vector<16xf32>,
        %parallel_loop3A_276 = vector.broadcast %parallel_loop3A_230 : i32 to vector<16xi32>
        %parallel_loop3A_277 = arith.addi %get3A_47, %parallel_loop3A_276 : vector<16xi32>
        %parallel_loop3A_278 = tpu.vector_load_idx %arg10[%add3A_85, %parallel_loop3A_277] : memref<256x128xf32, #tpu.memory_space<vmem>>[vector<16xi32>, vector<16xi32>], vector<16xf32>,
        %parallel_loop3A_279 = arith.constant 8.000000e+00 : f32
        %parallel_loop3A_280 = vector.broadcast %parallel_loop3A_279 : f32 to vector<16xf32>
        %parallel_loop3A_281 = arith.mulf %parallel_loop3A_278, %parallel_loop3A_280 : vector<16xf32>
        %parallel_loop3A_282 = arith.index_cast %parallel_loop3A_230 : i32 to index
        %parallel_loop3A_283 = arith.constant 80 : index
        %parallel_loop3A_284 = tpu.vector_load %arg12[%parallel_loop3A_282, %parallel_loop3A_283] {strides = array<i32>} : memref<64x256xf32, #tpu.memory_space<vmem>>, vector<16xf32>,
        tpu.vector_store %arg12[%parallel_loop3A_282, %parallel_loop3A_283], %parallel_loop3A_281 {strides = array<i32>} : memref<64x256xf32, #tpu.memory_space<vmem>>, vector<16xf32>,
        %parallel_loop3A_285 = vector.broadcast %parallel_loop3A_230 : i32 to vector<16xi32>
        %parallel_loop3A_286 = arith.addi %get3A_49, %parallel_loop3A_285 : vector<16xi32>
        %parallel_loop3A_287 = tpu.vector_load_idx %arg10[%add3A_88, %parallel_loop3A_286] : memref<256x128xf32, #tpu.memory_space<vmem>>[vector<16xi32>, vector<16xi32>], vector<16xf32>,
        %parallel_loop3A_288 = arith.constant 8.000000e+00 : f32
        %parallel_loop3A_289 = vector.broadcast %parallel_loop3A_288 : f32 to vector<16xf32>
        %parallel_loop3A_290 = arith.mulf %parallel_loop3A_287, %parallel_loop3A_289 : vector<16xf32>
        %parallel_loop3A_291 = arith.index_cast %parallel_loop3A_230 : i32 to index
        %parallel_loop3A_292 = arith.constant 96 : index
        %parallel_loop3A_293 = tpu.vector_load %arg12[%parallel_loop3A_291, %parallel_loop3A_292] {strides = array<i32>} : memref<64x256xf32, #tpu.memory_space<vmem>>, vector<16xf32>,
        tpu.vector_store %arg12[%parallel_loop3A_291, %parallel_loop3A_292], %parallel_loop3A_290 {strides = array<i32>} : memref<64x256xf32, #tpu.memory_space<vmem>>, vector<16xf32>,
        %parallel_loop3A_294 = vector.broadcast %parallel_loop3A_230 : i32 to vector<16xi32>
        %parallel_loop3A_295 = arith.addi %get3A_51, %parallel_loop3A_294 : vector<16xi32>
        %parallel_loop3A_296 = tpu.vector_load_idx %arg10[%add3A_91, %parallel_loop3A_295] : memref<256x128xf32, #tpu.memory_space<vmem>>[vector<16xi32>, vector<16xi32>], vector<16xf32>,
        %parallel_loop3A_297 = arith.constant 8.000000e+00 : f32
        %parallel_loop3A_298 = vector.broadcast %parallel_loop3A_297 : f32 to vector<16xf32>
        %parallel_loop3A_299 = arith.mulf %parallel_loop3A_296, %parallel_loop3A_298 : vector<16xf32>
        %parallel_loop3A_300 = arith.index_cast %parallel_loop3A_230 : i32 to index
        %parallel_loop3A_301 = arith.constant 112 : index
        %parallel_loop3A_302 = tpu.vector_load %arg12[%parallel_loop3A_300, %parallel_loop3A_301] {strides = array<i32>} : memref<64x256xf32, #tpu.memory_space<vmem>>, vector<16xf32>,
        tpu.vector_store %arg12[%parallel_loop3A_300, %parallel_loop3A_301], %parallel_loop3A_299 {strides = array<i32>} : memref<64x256xf32, #tpu.memory_space<vmem>>, vector<16xf32>,
        %parallel_loop3A_303 = vector.broadcast %parallel_loop3A_230 : i32 to vector<16xi32>
        %parallel_loop3A_304 = arith.addi %get3A_53, %parallel_loop3A_303 : vector<16xi32>
        %parallel_loop3A_305 = tpu.vector_load_idx %arg10[%add3A_94, %parallel_loop3A_304] : memref<256x128xf32, #tpu.memory_space<vmem>>[vector<16xi32>, vector<16xi32>], vector<16xf32>,
        %parallel_loop3A_306 = arith.constant 8.000000e+00 : f32
        %parallel_loop3A_307 = vector.broadcast %parallel_loop3A_306 : f32 to vector<16xf32>
        %parallel_loop3A_308 = arith.mulf %parallel_loop3A_305, %parallel_loop3A_307 : vector<16xf32>
        %parallel_loop3A_309 = arith.index_cast %parallel_loop3A_230 : i32 to index
        %parallel_loop3A_310 = arith.constant 128 : index
        %parallel_loop3A_311 = tpu.vector_load %arg12[%parallel_loop3A_309, %parallel_loop3A_310] {strides = array<i32>} : memref<64x256xf32, #tpu.memory_space<vmem>>, vector<16xf32>,
        tpu.vector_store %arg12[%parallel_loop3A_309, %parallel_loop3A_310], %parallel_loop3A_308 {strides = array<i32>} : memref<64x256xf32, #tpu.memory_space<vmem>>, vector<16xf32>,
        %parallel_loop3A_312 = vector.broadcast %parallel_loop3A_230 : i32 to vector<16xi32>
        %parallel_loop3A_313 = arith.addi %get3A_55, %parallel_loop3A_312 : vector<16xi32>
        %parallel_loop3A_314 = tpu.vector_load_idx %arg10[%add3A_97, %parallel_loop3A_313] : memref<256x128xf32, #tpu.memory_space<vmem>>[vector<16xi32>, vector<16xi32>], vector<16xf32>,
        %parallel_loop3A_315 = arith.constant 8.000000e+00 : f32
        %parallel_loop3A_316 = vector.broadcast %parallel_loop3A_315 : f32 to vector<16xf32>
        %parallel_loop3A_317 = arith.mulf %parallel_loop3A_314, %parallel_loop3A_316 : vector<16xf32>
        %parallel_loop3A_318 = arith.index_cast %parallel_loop3A_230 : i32 to index
        %parallel_loop3A_319 = arith.constant 144 : index
        %parallel_loop3A_320 = tpu.vector_load %arg12[%parallel_loop3A_318, %parallel_loop3A_319] {strides = array<i32>} : memref<64x256xf32, #tpu.memory_space<vmem>>, vector<16xf32>,
        tpu.vector_store %arg12[%parallel_loop3A_318, %parallel_loop3A_319], %parallel_loop3A_317 {strides = array<i32>} : memref<64x256xf32, #tpu.memory_space<vmem>>, vector<16xf32>,
        %parallel_loop3A_321 = vector.broadcast %parallel_loop3A_230 : i32 to vector<16xi32>
        %parallel_loop3A_322 = arith.addi %get3A_57, %parallel_loop3A_321 : vector<16xi32>
        %parallel_loop3A_323 = tpu.vector_load_idx %arg10[%add3A_100, %parallel_loop3A_322] : memref<256x128xf32, #tpu.memory_space<vmem>>[vector<16xi32>, vector<16xi32>], vector<16xf32>,
        %parallel_loop3A_324 = arith.constant 8.000000e+00 : f32
        %parallel_loop3A_325 = vector.broadcast %parallel_loop3A_324 : f32 to vector<16xf32>
        %parallel_loop3A_326 = arith.mulf %parallel_loop3A_323, %parallel_loop3A_325 : vector<16xf32>
        %parallel_loop3A_327 = arith.index_cast %parallel_loop3A_230 : i32 to index
        %parallel_loop3A_328 = arith.constant 160 : index
        %parallel_loop3A_329 = tpu.vector_load %arg12[%parallel_loop3A_327, %parallel_loop3A_328] {strides = array<i32>} : memref<64x256xf32, #tpu.memory_space<vmem>>, vector<16xf32>,
        tpu.vector_store %arg12[%parallel_loop3A_327, %parallel_loop3A_328], %parallel_loop3A_326 {strides = array<i32>} : memref<64x256xf32, #tpu.memory_space<vmem>>, vector<16xf32>,
        %parallel_loop3A_330 = vector.broadcast %parallel_loop3A_230 : i32 to vector<16xi32>
        %parallel_loop3A_331 = arith.addi %get3A_59, %parallel_loop3A_330 : vector<16xi32>
        %parallel_loop3A_332 = tpu.vector_load_idx %arg10[%add3A_103, %parallel_loop3A_331] : memref<256x128xf32, #tpu.memory_space<vmem>>[vector<16xi32>, vector<16xi32>], vector<16xf32>,
        %parallel_loop3A_333 = arith.constant 8.000000e+00 : f32
        %parallel_loop3A_334 = vector.broadcast %parallel_loop3A_333 : f32 to vector<16xf32>
        %parallel_loop3A_335 = arith.mulf %parallel_loop3A_332, %parallel_loop3A_334 : vector<16xf32>
        %parallel_loop3A_336 = arith.index_cast %parallel_loop3A_230 : i32 to index
        %parallel_loop3A_337 = arith.constant 176 : index
        %parallel_loop3A_338 = tpu.vector_load %arg12[%parallel_loop3A_336, %parallel_loop3A_337] {strides = array<i32>} : memref<64x256xf32, #tpu.memory_space<vmem>>, vector<16xf32>,
        tpu.vector_store %arg12[%parallel_loop3A_336, %parallel_loop3A_337], %parallel_loop3A_335 {strides = array<i32>} : memref<64x256xf32, #tpu.memory_space<vmem>>, vector<16xf32>,
        %parallel_loop3A_339 = vector.broadcast %parallel_loop3A_230 : i32 to vector<16xi32>
        %parallel_loop3A_340 = arith.addi %get3A_61, %parallel_loop3A_339 : vector<16xi32>
        %parallel_loop3A_341 = tpu.vector_load_idx %arg10[%add3A_106, %parallel_loop3A_340] : memref<256x128xf32, #tpu.memory_space<vmem>>[vector<16xi32>, vector<16xi32>], vector<16xf32>,
        %parallel_loop3A_342 = arith.constant 8.000000e+00 : f32
        %parallel_loop3A_343 = vector.broadcast %parallel_loop3A_342 : f32 to vector<16xf32>
        %parallel_loop3A_344 = arith.mulf %parallel_loop3A_341, %parallel_loop3A_343 : vector<16xf32>
        %parallel_loop3A_345 = arith.index_cast %parallel_loop3A_230 : i32 to index
        %parallel_loop3A_346 = arith.constant 192 : index
        %parallel_loop3A_347 = tpu.vector_load %arg12[%parallel_loop3A_345, %parallel_loop3A_346] {strides = array<i32>} : memref<64x256xf32, #tpu.memory_space<vmem>>, vector<16xf32>,
        tpu.vector_store %arg12[%parallel_loop3A_345, %parallel_loop3A_346], %parallel_loop3A_344 {strides = array<i32>} : memref<64x256xf32, #tpu.memory_space<vmem>>, vector<16xf32>,
        %parallel_loop3A_348 = vector.broadcast %parallel_loop3A_230 : i32 to vector<16xi32>
        %parallel_loop3A_349 = arith.addi %get3A_63, %parallel_loop3A_348 : vector<16xi32>
        %parallel_loop3A_350 = tpu.vector_load_idx %arg10[%add3A_109, %parallel_loop3A_349] : memref<256x128xf32, #tpu.memory_space<vmem>>[vector<16xi32>, vector<16xi32>], vector<16xf32>,
        %parallel_loop3A_351 = arith.constant 8.000000e+00 : f32
        %parallel_loop3A_352 = vector.broadcast %parallel_loop3A_351 : f32 to vector<16xf32>
        %parallel_loop3A_353 = arith.mulf %parallel_loop3A_350, %parallel_loop3A_352 : vector<16xf32>
        %parallel_loop3A_354 = arith.index_cast %parallel_loop3A_230 : i32 to index
        %parallel_loop3A_355 = arith.constant 208 : index
        %parallel_loop3A_356 = tpu.vector_load %arg12[%parallel_loop3A_354, %parallel_loop3A_355] {strides = array<i32>} : memref<64x256xf32, #tpu.memory_space<vmem>>, vector<16xf32>,
        tpu.vector_store %arg12[%parallel_loop3A_354, %parallel_loop3A_355], %parallel_loop3A_353 {strides = array<i32>} : memref<64x256xf32, #tpu.memory_space<vmem>>, vector<16xf32>,
        %parallel_loop3A_357 = vector.broadcast %parallel_loop3A_230 : i32 to vector<16xi32>
        %parallel_loop3A_358 = arith.addi %get3A_65, %parallel_loop3A_357 : vector<16xi32>
        %parallel_loop3A_359 = tpu.vector_load_idx %arg10[%add3A_112, %parallel_loop3A_358] : memref<256x128xf32, #tpu.memory_space<vmem>>[vector<16xi32>, vector<16xi32>], vector<16xf32>,
        %parallel_loop3A_360 = arith.constant 8.000000e+00 : f32
        %parallel_loop3A_361 = vector.broadcast %parallel_loop3A_360 : f32 to vector<16xf32>
        %parallel_loop3A_362 = arith.mulf %parallel_loop3A_359, %parallel_loop3A_361 : vector<16xf32>
        %parallel_loop3A_363 = arith.index_cast %parallel_loop3A_230 : i32 to index
        %parallel_loop3A_364 = arith.constant 224 : index
        %parallel_loop3A_365 = tpu.vector_load %arg12[%parallel_loop3A_363, %parallel_loop3A_364] {strides = array<i32>} : memref<64x256xf32, #tpu.memory_space<vmem>>, vector<16xf32>,
        tpu.vector_store %arg12[%parallel_loop3A_363, %parallel_loop3A_364], %parallel_loop3A_362 {strides = array<i32>} : memref<64x256xf32, #tpu.memory_space<vmem>>, vector<16xf32>,
        %parallel_loop3A_366 = vector.broadcast %parallel_loop3A_230 : i32 to vector<16xi32>
        %parallel_loop3A_367 = arith.addi %get3A_67, %parallel_loop3A_366 : vector<16xi32>
        %parallel_loop3A_368 = tpu.vector_load_idx %arg10[%add3A_115, %parallel_loop3A_367] : memref<256x128xf32, #tpu.memory_space<vmem>>[vector<16xi32>, vector<16xi32>], vector<16xf32>,
        %parallel_loop3A_369 = arith.constant 8.000000e+00 : f32
        %parallel_loop3A_370 = vector.broadcast %parallel_loop3A_369 : f32 to vector<16xf32>
        %parallel_loop3A_371 = arith.mulf %parallel_loop3A_368, %parallel_loop3A_370 : vector<16xf32>
        %parallel_loop3A_372 = arith.index_cast %parallel_loop3A_230 : i32 to index
        %parallel_loop3A_373 = arith.constant 240 : index
        %parallel_loop3A_374 = tpu.vector_load %arg12[%parallel_loop3A_372, %parallel_loop3A_373] {strides = array<i32>} : memref<64x256xf32, #tpu.memory_space<vmem>>, vector<16xf32>,
        tpu.vector_store %arg12[%parallel_loop3A_372, %parallel_loop3A_373], %parallel_loop3A_371 {strides = array<i32>} : memref<64x256xf32, #tpu.memory_space<vmem>>, vector<16xf32>,
      } {sc.loop_unroll_factor = 8 : i64, sc.parallel_access}
      %add3A_119 = arith.constant 0 : i32
      %add3A_120 = arith.addi %mul3A_2, %add3A_119 : i32
      %dma_start3A_121 = arith.constant 0 : i32
      %dma_start3A_122 = tpu.memref_slice %arg4[%scan3A_25, %dma_start3A_121, %add3A_120] : memref<50x64x16384xf32, #tpu.memory_space<hbm>> -> memref<1x64x256xf32, #tpu.memory_space<hbm>>
      %dma_start3A_123 = tpu.memref_squeeze %dma_start3A_122 : memref<1x64x256xf32, #tpu.memory_space<hbm>> -> memref<64x256xf32, #tpu.memory_space<hbm>>
      %dma_start3A_124 = arith.constant 0 : i32
      %dma_start3A_125 = tpu.memref_slice %arg4[%scan3A_25, %dma_start3A_124, %add3A_120] : memref<50x64x16384xf32, #tpu.memory_space<hbm>> -> memref<1x64x256xf32, #tpu.memory_space<hbm>>
      %dma_start3A_126 = tpu.memref_squeeze %dma_start3A_125 : memref<1x64x256xf32, #tpu.memory_space<hbm>> -> memref<64x256xf32, #tpu.memory_space<hbm>>
      tpu.enqueue_dma source(%arg12 : memref<64x256xf32, #tpu.memory_space<vmem>>) target(%dma_start3A_126 : memref<64x256xf32, #tpu.memory_space<hbm>>) target_semaphore(%arg16 : memref<!tpu.dma_semaphore, #tpu.memory_space<semaphore_mem>>)
      %lt3A = arith.constant 49 : i32
      %lt3A_127 = arith.cmpi slt, %scan3A_25, %lt3A : i32
      %convert_element_type3A_128 = arith.extui %lt3A_127 : i1 to i32
      %cond3A_129 = arith.constant 0 : i32
      %cond3A_130 = arith.cmpi ne, %convert_element_type3A_128, %cond3A_129 : i32
      scf.if %cond3A_130 {
        %add3A_230 = arith.constant 1 : i32
        %add3A_231 = arith.addi %scan3A_25, %add3A_230 : i32
        %parallel_loop3A_232 = arith.constant 0 : i32
        %parallel_loop3A_233 = arith.constant 16 : i32
        %parallel_loop3A_234 = arith.constant 1 : i32
        scf.for %parallel_loop3A_238 = %parallel_loop3A_232 to %parallel_loop3A_233 step %parallel_loop3A_234  : i32 {
          %parallel_loop3A_239 = arith.constant 16 : i32
          %parallel_loop3A_240 = arith.muli %parallel_loop3A_238, %parallel_loop3A_239 : i32
          %parallel_loop3A_241 = arith.constant 0 : i32
          %parallel_loop3A_242 = arith.addi %parallel_loop3A_241, %parallel_loop3A_240 : i32
          %parallel_loop3A_243 = vector.broadcast %parallel_loop3A_242 : i32 to vector<16xi32>
          %parallel_loop3A_244 = arith.addi %parallel_loop3A_243, %iota3A : vector<16xi32>
          %parallel_loop3A_245 = arith.constant 50 : i32
          %parallel_loop3A_246 = vector.broadcast %parallel_loop3A_245 : i32 to vector<16xi32>
          %parallel_loop3A_247 = arith.muli %parallel_loop3A_244, %parallel_loop3A_246 : vector<16xi32>
          %parallel_loop3A_248 = vector.broadcast %add3A_231 : i32 to vector<16xi32>
          %parallel_loop3A_249 = arith.addi %parallel_loop3A_247, %parallel_loop3A_248 : vector<16xi32>
          %parallel_loop3A_250 = arith.constant 7 : i32
          %parallel_loop3A_251 = vector.broadcast %parallel_loop3A_250 : i32 to vector<16xi32>
          %parallel_loop3A_252 = arith.shrui %parallel_loop3A_249, %parallel_loop3A_251 : vector<16xi32>
          %parallel_loop3A_253 = arith.constant 127 : i32
          %parallel_loop3A_254 = vector.broadcast %parallel_loop3A_253 : i32 to vector<16xi32>
          %parallel_loop3A_255 = arith.andi %parallel_loop3A_249, %parallel_loop3A_254 : vector<16xi32>
          %parallel_loop3A_256 = tpu.vector_load_idx %arg5[%parallel_loop3A_252, %parallel_loop3A_255] : memref<200x128xi32, #tpu.memory_space<vmem>>[vector<16xi32>, vector<16xi32>], vector<16xi32>,
          %parallel_loop3A_257 = arith.constant 16 : i32
          %parallel_loop3A_258 = arith.muli %parallel_loop3A_238, %parallel_loop3A_257 : i32
          %parallel_loop3A_259 = arith.constant 1 : i32
          %parallel_loop3A_260 = vector.broadcast %parallel_loop3A_259 : i32 to vector<16xi32>
          %parallel_loop3A_261 = arith.shrui %parallel_loop3A_256, %parallel_loop3A_260 : vector<16xi32>
          %parallel_loop3A_262 = arith.index_cast %parallel_loop3A_258 : i32 to index
          %parallel_loop3A_263 = tpu.vector_load %arg6[%parallel_loop3A_262] {strides = array<i32>} : memref<256xi32, #tpu.memory_space<vmem>>, vector<16xi32>,
          tpu.vector_store %arg6[%parallel_loop3A_262], %parallel_loop3A_261 {strides = array<i32>} : memref<256xi32, #tpu.memory_space<vmem>>, vector<16xi32>,
          %parallel_loop3A_264 = arith.constant 1 : i32
          %parallel_loop3A_265 = vector.broadcast %parallel_loop3A_264 : i32 to vector<16xi32>
          %parallel_loop3A_266 = arith.andi %parallel_loop3A_256, %parallel_loop3A_265 : vector<16xi32>
          %parallel_loop3A_267 = arith.constant 64 : i32
          %parallel_loop3A_268 = vector.broadcast %parallel_loop3A_267 : i32 to vector<16xi32>
          %parallel_loop3A_269 = arith.muli %parallel_loop3A_266, %parallel_loop3A_268 : vector<16xi32>
          %parallel_loop3A_270 = arith.index_cast %parallel_loop3A_258 : i32 to index
          %parallel_loop3A_271 = tpu.vector_load %arg8[%parallel_loop3A_270] {strides = array<i32>} : memref<256xi32, #tpu.memory_space<vmem>>, vector<16xi32>,
          tpu.vector_store %arg8[%parallel_loop3A_270], %parallel_loop3A_269 {strides = array<i32>} : memref<256xi32, #tpu.memory_space<vmem>>, vector<16xi32>,
        } {sc.loop_unroll_factor = 4 : i64, sc.parallel_access}
        %dma_start3A_235 = arith.constant 0 : i32
        %dma_start3A_236 = arith.constant 0 : i32
        %dma_start3A_237 = tpu.memref_slice %arg3[%dma_start3A_235, %dma_start3A_236] : memref<500000x128xf32, #tpu.memory_space<hbm>> -> memref<500000x128xf32, #tpu.memory_space<hbm>>
        tpu.enqueue_indirect_dma source(%dma_start3A_237 : memref<500000x128xf32, #tpu.memory_space<hbm>>) target(%arg10 : memref<256x128xf32, #tpu.memory_space<vmem>>) offsets(%arg6 : memref<256xi32, #tpu.memory_space<vmem>>) semaphore(%arg14 : memref<!tpu.dma_semaphore, #tpu.memory_space<semaphore_mem>>)
      } else {
      }
      %dma_wait3A_131 = arith.constant 0 : i32
      %dma_wait3A_132 = arith.constant 0 : i32
      %dma_wait3A_133 = tpu.memref_slice %arg3[%dma_wait3A_131, %dma_wait3A_132] : memref<500000x128xf32, #tpu.memory_space<hbm>> -> memref<500000x128xf32, #tpu.memory_space<hbm>>
      tpu.wait_indirect_dma semaphore(%arg15 : memref<!tpu.dma_semaphore, #tpu.memory_space<semaphore_mem>>) src(%dma_wait3A_133 : memref<500000x128xf32, #tpu.memory_space<hbm>>) dst(%arg11 : memref<256x128xf32, #tpu.memory_space<vmem>>)
      %gt3A_134 = arith.constant 0 : i32
      %gt3A_135 = arith.cmpi sgt, %scan3A_25, %gt3A_134 : i32
      %convert_element_type3A_136 = arith.extui %gt3A_135 : i1 to i32
      %cond3A_137 = arith.constant 0 : i32
      %cond3A_138 = arith.cmpi ne, %convert_element_type3A_136, %cond3A_137 : i32
      scf.if %cond3A_138 {
        %dma_wait3A_230 = arith.constant 0 : i32
        %dma_wait3A_231 = arith.constant 0 : i32
        %dma_wait3A_232 = tpu.memref_slice %arg4[%dma_wait3A_230, %dma_wait3A_231, %mul3A_2] : memref<50x64x16384xf32, #tpu.memory_space<hbm>> -> memref<1x64x256xf32, #tpu.memory_space<hbm>>
        %dma_wait3A_233 = tpu.memref_squeeze %dma_wait3A_232 : memref<1x64x256xf32, #tpu.memory_space<hbm>> -> memref<64x256xf32, #tpu.memory_space<hbm>>
        %dma_wait3A_234 = arith.constant 0 : i32
        %dma_wait3A_235 = tpu.memref_slice %arg4[%dma_wait3A_230, %dma_wait3A_234, %mul3A_2] : memref<50x64x16384xf32, #tpu.memory_space<hbm>> -> memref<1x64x256xf32, #tpu.memory_space<hbm>>
        %dma_wait3A_236 = tpu.memref_squeeze %dma_wait3A_235 : memref<1x64x256xf32, #tpu.memory_space<hbm>> -> memref<64x256xf32, #tpu.memory_space<hbm>>
        tpu.wait_dma2 semaphore(%arg17 : memref<!tpu.dma_semaphore, #tpu.memory_space<semaphore_mem>>) src(%arg13 : memref<64x256xf32, #tpu.memory_space<vmem>>) dst(%dma_wait3A_236 : memref<64x256xf32, #tpu.memory_space<hbm>>)
      } else {
      }
      %get3A_139 = arith.constant 0 : index
      %get3A_140 = tpu.vector_load %arg9[%get3A_139] {strides = array<i32>} : memref<256xi32, #tpu.memory_space<vmem>>, vector<16xi32>,
      %get3A_141 = arith.constant 16 : index
      %get3A_142 = tpu.vector_load %arg9[%get3A_141] {strides = array<i32>} : memref<256xi32, #tpu.memory_space<vmem>>, vector<16xi32>,
      %get3A_143 = arith.constant 32 : index
      %get3A_144 = tpu.vector_load %arg9[%get3A_143] {strides = array<i32>} : memref<256xi32, #tpu.memory_space<vmem>>, vector<16xi32>,
      %get3A_145 = arith.constant 48 : index
      %get3A_146 = tpu.vector_load %arg9[%get3A_145] {strides = array<i32>} : memref<256xi32, #tpu.memory_space<vmem>>, vector<16xi32>,
      %get3A_147 = arith.constant 64 : index
      %get3A_148 = tpu.vector_load %arg9[%get3A_147] {strides = array<i32>} : memref<256xi32, #tpu.memory_space<vmem>>, vector<16xi32>,
      %get3A_149 = arith.constant 80 : index
      %get3A_150 = tpu.vector_load %arg9[%get3A_149] {strides = array<i32>} : memref<256xi32, #tpu.memory_space<vmem>>, vector<16xi32>,
      %get3A_151 = arith.constant 96 : index
      %get3A_152 = tpu.vector_load %arg9[%get3A_151] {strides = array<i32>} : memref<256xi32, #tpu.memory_space<vmem>>, vector<16xi32>,
      %get3A_153 = arith.constant 112 : index
      %get3A_154 = tpu.vector_load %arg9[%get3A_153] {strides = array<i32>} : memref<256xi32, #tpu.memory_space<vmem>>, vector<16xi32>,
      %get3A_155 = arith.constant 128 : index
      %get3A_156 = tpu.vector_load %arg9[%get3A_155] {strides = array<i32>} : memref<256xi32, #tpu.memory_space<vmem>>, vector<16xi32>,
      %get3A_157 = arith.constant 144 : index
      %get3A_158 = tpu.vector_load %arg9[%get3A_157] {strides = array<i32>} : memref<256xi32, #tpu.memory_space<vmem>>, vector<16xi32>,
      %get3A_159 = arith.constant 160 : index
      %get3A_160 = tpu.vector_load %arg9[%get3A_159] {strides = array<i32>} : memref<256xi32, #tpu.memory_space<vmem>>, vector<16xi32>,
      %get3A_161 = arith.constant 176 : index
      %get3A_162 = tpu.vector_load %arg9[%get3A_161] {strides = array<i32>} : memref<256xi32, #tpu.memory_space<vmem>>, vector<16xi32>,
      %get3A_163 = arith.constant 192 : index
      %get3A_164 = tpu.vector_load %arg9[%get3A_163] {strides = array<i32>} : memref<256xi32, #tpu.memory_space<vmem>>, vector<16xi32>,
      %get3A_165 = arith.constant 208 : index
      %get3A_166 = tpu.vector_load %arg9[%get3A_165] {strides = array<i32>} : memref<256xi32, #tpu.memory_space<vmem>>, vector<16xi32>,
      %get3A_167 = arith.constant 224 : index
      %get3A_168 = tpu.vector_load %arg9[%get3A_167] {strides = array<i32>} : memref<256xi32, #tpu.memory_space<vmem>>, vector<16xi32>,
      %get3A_169 = arith.constant 240 : index
      %get3A_170 = tpu.vector_load %arg9[%get3A_169] {strides = array<i32>} : memref<256xi32, #tpu.memory_space<vmem>>, vector<16xi32>,
      %add3A_171 = arith.constant 0 : i32
      %add3A_172 = vector.broadcast %add3A_171 : i32 to vector<16xi32>
      %add3A_173 = arith.addi %add3A_172, %iota3A : vector<16xi32>
      %add3A_174 = arith.constant 16 : i32
      %add3A_175 = vector.broadcast %add3A_174 : i32 to vector<16xi32>
      %add3A_176 = arith.addi %add3A_175, %iota3A : vector<16xi32>
      %add3A_177 = arith.constant 32 : i32
      %add3A_178 = vector.broadcast %add3A_177 : i32 to vector<16xi32>
      %add3A_179 = arith.addi %add3A_178, %iota3A : vector<16xi32>
      %add3A_180 = arith.constant 48 : i32
      %add3A_181 = vector.broadcast %add3A_180 : i32 to vector<16xi32>
      %add3A_182 = arith.addi %add3A_181, %iota3A : vector<16xi32>
      %add3A_183 = arith.constant 64 : i32
      %add3A_184 = vector.broadcast %add3A_183 : i32 to vector<16xi32>
      %add3A_185 = arith.addi %add3A_184, %iota3A : vector<16xi32>
      %add3A_186 = arith.constant 80 : i32
      %add3A_187 = vector.broadcast %add3A_186 : i32 to vector<16xi32>
      %add3A_188 = arith.addi %add3A_187, %iota3A : vector<16xi32>
      %add3A_189 = arith.constant 96 : i32
      %add3A_190 = vector.broadcast %add3A_189 : i32 to vector<16xi32>
      %add3A_191 = arith.addi %add3A_190, %iota3A : vector<16xi32>
      %add3A_192 = arith.constant 112 : i32
      %add3A_193 = vector.broadcast %add3A_192 : i32 to vector<16xi32>
      %add3A_194 = arith.addi %add3A_193, %iota3A : vector<16xi32>
      %add3A_195 = arith.constant 128 : i32
      %add3A_196 = vector.broadcast %add3A_195 : i32 to vector<16xi32>
      %add3A_197 = arith.addi %add3A_196, %iota3A : vector<16xi32>
      %add3A_198 = arith.constant 144 : i32
      %add3A_199 = vector.broadcast %add3A_198 : i32 to vector<16xi32>
      %add3A_200 = arith.addi %add3A_199, %iota3A : vector<16xi32>
      %add3A_201 = arith.constant 160 : i32
      %add3A_202 = vector.broadcast %add3A_201 : i32 to vector<16xi32>
      %add3A_203 = arith.addi %add3A_202, %iota3A : vector<16xi32>
      %add3A_204 = arith.constant 176 : i32
      %add3A_205 = vector.broadcast %add3A_204 : i32 to vector<16xi32>
      %add3A_206 = arith.addi %add3A_205, %iota3A : vector<16xi32>
      %add3A_207 = arith.constant 192 : i32
      %add3A_208 = vector.broadcast %add3A_207 : i32 to vector<16xi32>
      %add3A_209 = arith.addi %add3A_208, %iota3A : vector<16xi32>
      %add3A_210 = arith.constant 208 : i32
      %add3A_211 = vector.broadcast %add3A_210 : i32 to vector<16xi32>
      %add3A_212 = arith.addi %add3A_211, %iota3A : vector<16xi32>
      %add3A_213 = arith.constant 224 : i32
      %add3A_214 = vector.broadcast %add3A_213 : i32 to vector<16xi32>
      %add3A_215 = arith.addi %add3A_214, %iota3A : vector<16xi32>
      %add3A_216 = arith.constant 240 : i32
      %add3A_217 = vector.broadcast %add3A_216 : i32 to vector<16xi32>
      %add3A_218 = arith.addi %add3A_217, %iota3A : vector<16xi32>
      %parallel_loop3A_219 = arith.constant 0 : i32
      %parallel_loop3A_220 = arith.constant 64 : i32
      %parallel_loop3A_221 = arith.constant 1 : i32
      scf.for %parallel_loop3A_230 = %parallel_loop3A_219 to %parallel_loop3A_220 step %parallel_loop3A_221  : i32 {
        %parallel_loop3A_231 = vector.broadcast %parallel_loop3A_230 : i32 to vector<16xi32>
        %parallel_loop3A_232 = arith.addi %get3A_140, %parallel_loop3A_231 : vector<16xi32>
        %parallel_loop3A_233 = tpu.vector_load_idx %arg11[%add3A_173, %parallel_loop3A_232] : memref<256x128xf32, #tpu.memory_space<vmem>>[vector<16xi32>, vector<16xi32>], vector<16xf32>,
        %parallel_loop3A_234 = arith.constant 8.000000e+00 : f32
        %parallel_loop3A_235 = vector.broadcast %parallel_loop3A_234 : f32 to vector<16xf32>
        %parallel_loop3A_236 = arith.mulf %parallel_loop3A_233, %parallel_loop3A_235 : vector<16xf32>
        %parallel_loop3A_237 = arith.index_cast %parallel_loop3A_230 : i32 to index
        %parallel_loop3A_238 = arith.constant 0 : index
        %parallel_loop3A_239 = tpu.vector_load %arg13[%parallel_loop3A_237, %parallel_loop3A_238] {strides = array<i32>} : memref<64x256xf32, #tpu.memory_space<vmem>>, vector<16xf32>,
        tpu.vector_store %arg13[%parallel_loop3A_237, %parallel_loop3A_238], %parallel_loop3A_236 {strides = array<i32>} : memref<64x256xf32, #tpu.memory_space<vmem>>, vector<16xf32>,
        %parallel_loop3A_240 = vector.broadcast %parallel_loop3A_230 : i32 to vector<16xi32>
        %parallel_loop3A_241 = arith.addi %get3A_142, %parallel_loop3A_240 : vector<16xi32>
        %parallel_loop3A_242 = tpu.vector_load_idx %arg11[%add3A_176, %parallel_loop3A_241] : memref<256x128xf32, #tpu.memory_space<vmem>>[vector<16xi32>, vector<16xi32>], vector<16xf32>,
        %parallel_loop3A_243 = arith.constant 8.000000e+00 : f32
        %parallel_loop3A_244 = vector.broadcast %parallel_loop3A_243 : f32 to vector<16xf32>
        %parallel_loop3A_245 = arith.mulf %parallel_loop3A_242, %parallel_loop3A_244 : vector<16xf32>
        %parallel_loop3A_246 = arith.index_cast %parallel_loop3A_230 : i32 to index
        %parallel_loop3A_247 = arith.constant 16 : index
        %parallel_loop3A_248 = tpu.vector_load %arg13[%parallel_loop3A_246, %parallel_loop3A_247] {strides = array<i32>} : memref<64x256xf32, #tpu.memory_space<vmem>>, vector<16xf32>,
        tpu.vector_store %arg13[%parallel_loop3A_246, %parallel_loop3A_247], %parallel_loop3A_245 {strides = array<i32>} : memref<64x256xf32, #tpu.memory_space<vmem>>, vector<16xf32>,
        %parallel_loop3A_249 = vector.broadcast %parallel_loop3A_230 : i32 to vector<16xi32>
        %parallel_loop3A_250 = arith.addi %get3A_144, %parallel_loop3A_249 : vector<16xi32>
        %parallel_loop3A_251 = tpu.vector_load_idx %arg11[%add3A_179, %parallel_loop3A_250] : memref<256x128xf32, #tpu.memory_space<vmem>>[vector<16xi32>, vector<16xi32>], vector<16xf32>,
        %parallel_loop3A_252 = arith.constant 8.000000e+00 : f32
        %parallel_loop3A_253 = vector.broadcast %parallel_loop3A_252 : f32 to vector<16xf32>
        %parallel_loop3A_254 = arith.mulf %parallel_loop3A_251, %parallel_loop3A_253 : vector<16xf32>
        %parallel_loop3A_255 = arith.index_cast %parallel_loop3A_230 : i32 to index
        %parallel_loop3A_256 = arith.constant 32 : index
        %parallel_loop3A_257 = tpu.vector_load %arg13[%parallel_loop3A_255, %parallel_loop3A_256] {strides = array<i32>} : memref<64x256xf32, #tpu.memory_space<vmem>>, vector<16xf32>,
        tpu.vector_store %arg13[%parallel_loop3A_255, %parallel_loop3A_256], %parallel_loop3A_254 {strides = array<i32>} : memref<64x256xf32, #tpu.memory_space<vmem>>, vector<16xf32>,
        %parallel_loop3A_258 = vector.broadcast %parallel_loop3A_230 : i32 to vector<16xi32>
        %parallel_loop3A_259 = arith.addi %get3A_146, %parallel_loop3A_258 : vector<16xi32>
        %parallel_loop3A_260 = tpu.vector_load_idx %arg11[%add3A_182, %parallel_loop3A_259] : memref<256x128xf32, #tpu.memory_space<vmem>>[vector<16xi32>, vector<16xi32>], vector<16xf32>,
        %parallel_loop3A_261 = arith.constant 8.000000e+00 : f32
        %parallel_loop3A_262 = vector.broadcast %parallel_loop3A_261 : f32 to vector<16xf32>
        %parallel_loop3A_263 = arith.mulf %parallel_loop3A_260, %parallel_loop3A_262 : vector<16xf32>
        %parallel_loop3A_264 = arith.index_cast %parallel_loop3A_230 : i32 to index
        %parallel_loop3A_265 = arith.constant 48 : index
        %parallel_loop3A_266 = tpu.vector_load %arg13[%parallel_loop3A_264, %parallel_loop3A_265] {strides = array<i32>} : memref<64x256xf32, #tpu.memory_space<vmem>>, vector<16xf32>,
        tpu.vector_store %arg13[%parallel_loop3A_264, %parallel_loop3A_265], %parallel_loop3A_263 {strides = array<i32>} : memref<64x256xf32, #tpu.memory_space<vmem>>, vector<16xf32>,
        %parallel_loop3A_267 = vector.broadcast %parallel_loop3A_230 : i32 to vector<16xi32>
        %parallel_loop3A_268 = arith.addi %get3A_148, %parallel_loop3A_267 : vector<16xi32>
        %parallel_loop3A_269 = tpu.vector_load_idx %arg11[%add3A_185, %parallel_loop3A_268] : memref<256x128xf32, #tpu.memory_space<vmem>>[vector<16xi32>, vector<16xi32>], vector<16xf32>,
        %parallel_loop3A_270 = arith.constant 8.000000e+00 : f32
        %parallel_loop3A_271 = vector.broadcast %parallel_loop3A_270 : f32 to vector<16xf32>
        %parallel_loop3A_272 = arith.mulf %parallel_loop3A_269, %parallel_loop3A_271 : vector<16xf32>
        %parallel_loop3A_273 = arith.index_cast %parallel_loop3A_230 : i32 to index
        %parallel_loop3A_274 = arith.constant 64 : index
        %parallel_loop3A_275 = tpu.vector_load %arg13[%parallel_loop3A_273, %parallel_loop3A_274] {strides = array<i32>} : memref<64x256xf32, #tpu.memory_space<vmem>>, vector<16xf32>,
        tpu.vector_store %arg13[%parallel_loop3A_273, %parallel_loop3A_274], %parallel_loop3A_272 {strides = array<i32>} : memref<64x256xf32, #tpu.memory_space<vmem>>, vector<16xf32>,
        %parallel_loop3A_276 = vector.broadcast %parallel_loop3A_230 : i32 to vector<16xi32>
        %parallel_loop3A_277 = arith.addi %get3A_150, %parallel_loop3A_276 : vector<16xi32>
        %parallel_loop3A_278 = tpu.vector_load_idx %arg11[%add3A_188, %parallel_loop3A_277] : memref<256x128xf32, #tpu.memory_space<vmem>>[vector<16xi32>, vector<16xi32>], vector<16xf32>,
        %parallel_loop3A_279 = arith.constant 8.000000e+00 : f32
        %parallel_loop3A_280 = vector.broadcast %parallel_loop3A_279 : f32 to vector<16xf32>
        %parallel_loop3A_281 = arith.mulf %parallel_loop3A_278, %parallel_loop3A_280 : vector<16xf32>
        %parallel_loop3A_282 = arith.index_cast %parallel_loop3A_230 : i32 to index
        %parallel_loop3A_283 = arith.constant 80 : index
        %parallel_loop3A_284 = tpu.vector_load %arg13[%parallel_loop3A_282, %parallel_loop3A_283] {strides = array<i32>} : memref<64x256xf32, #tpu.memory_space<vmem>>, vector<16xf32>,
        tpu.vector_store %arg13[%parallel_loop3A_282, %parallel_loop3A_283], %parallel_loop3A_281 {strides = array<i32>} : memref<64x256xf32, #tpu.memory_space<vmem>>, vector<16xf32>,
        %parallel_loop3A_285 = vector.broadcast %parallel_loop3A_230 : i32 to vector<16xi32>
        %parallel_loop3A_286 = arith.addi %get3A_152, %parallel_loop3A_285 : vector<16xi32>
        %parallel_loop3A_287 = tpu.vector_load_idx %arg11[%add3A_191, %parallel_loop3A_286] : memref<256x128xf32, #tpu.memory_space<vmem>>[vector<16xi32>, vector<16xi32>], vector<16xf32>,
        %parallel_loop3A_288 = arith.constant 8.000000e+00 : f32
        %parallel_loop3A_289 = vector.broadcast %parallel_loop3A_288 : f32 to vector<16xf32>
        %parallel_loop3A_290 = arith.mulf %parallel_loop3A_287, %parallel_loop3A_289 : vector<16xf32>
        %parallel_loop3A_291 = arith.index_cast %parallel_loop3A_230 : i32 to index
        %parallel_loop3A_292 = arith.constant 96 : index
        %parallel_loop3A_293 = tpu.vector_load %arg13[%parallel_loop3A_291, %parallel_loop3A_292] {strides = array<i32>} : memref<64x256xf32, #tpu.memory_space<vmem>>, vector<16xf32>,
        tpu.vector_store %arg13[%parallel_loop3A_291, %parallel_loop3A_292], %parallel_loop3A_290 {strides = array<i32>} : memref<64x256xf32, #tpu.memory_space<vmem>>, vector<16xf32>,
        %parallel_loop3A_294 = vector.broadcast %parallel_loop3A_230 : i32 to vector<16xi32>
        %parallel_loop3A_295 = arith.addi %get3A_154, %parallel_loop3A_294 : vector<16xi32>
        %parallel_loop3A_296 = tpu.vector_load_idx %arg11[%add3A_194, %parallel_loop3A_295] : memref<256x128xf32, #tpu.memory_space<vmem>>[vector<16xi32>, vector<16xi32>], vector<16xf32>,
        %parallel_loop3A_297 = arith.constant 8.000000e+00 : f32
        %parallel_loop3A_298 = vector.broadcast %parallel_loop3A_297 : f32 to vector<16xf32>
        %parallel_loop3A_299 = arith.mulf %parallel_loop3A_296, %parallel_loop3A_298 : vector<16xf32>
        %parallel_loop3A_300 = arith.index_cast %parallel_loop3A_230 : i32 to index
        %parallel_loop3A_301 = arith.constant 112 : index
        %parallel_loop3A_302 = tpu.vector_load %arg13[%parallel_loop3A_300, %parallel_loop3A_301] {strides = array<i32>} : memref<64x256xf32, #tpu.memory_space<vmem>>, vector<16xf32>,
        tpu.vector_store %arg13[%parallel_loop3A_300, %parallel_loop3A_301], %parallel_loop3A_299 {strides = array<i32>} : memref<64x256xf32, #tpu.memory_space<vmem>>, vector<16xf32>,
        %parallel_loop3A_303 = vector.broadcast %parallel_loop3A_230 : i32 to vector<16xi32>
        %parallel_loop3A_304 = arith.addi %get3A_156, %parallel_loop3A_303 : vector<16xi32>
        %parallel_loop3A_305 = tpu.vector_load_idx %arg11[%add3A_197, %parallel_loop3A_304] : memref<256x128xf32, #tpu.memory_space<vmem>>[vector<16xi32>, vector<16xi32>], vector<16xf32>,
        %parallel_loop3A_306 = arith.constant 8.000000e+00 : f32
        %parallel_loop3A_307 = vector.broadcast %parallel_loop3A_306 : f32 to vector<16xf32>
        %parallel_loop3A_308 = arith.mulf %parallel_loop3A_305, %parallel_loop3A_307 : vector<16xf32>
        %parallel_loop3A_309 = arith.index_cast %parallel_loop3A_230 : i32 to index
        %parallel_loop3A_310 = arith.constant 128 : index
        %parallel_loop3A_311 = tpu.vector_load %arg13[%parallel_loop3A_309, %parallel_loop3A_310] {strides = array<i32>} : memref<64x256xf32, #tpu.memory_space<vmem>>, vector<16xf32>,
        tpu.vector_store %arg13[%parallel_loop3A_309, %parallel_loop3A_310], %parallel_loop3A_308 {strides = array<i32>} : memref<64x256xf32, #tpu.memory_space<vmem>>, vector<16xf32>,
        %parallel_loop3A_312 = vector.broadcast %parallel_loop3A_230 : i32 to vector<16xi32>
        %parallel_loop3A_313 = arith.addi %get3A_158, %parallel_loop3A_312 : vector<16xi32>
        %parallel_loop3A_314 = tpu.vector_load_idx %arg11[%add3A_200, %parallel_loop3A_313] : memref<256x128xf32, #tpu.memory_space<vmem>>[vector<16xi32>, vector<16xi32>], vector<16xf32>,
        %parallel_loop3A_315 = arith.constant 8.000000e+00 : f32
        %parallel_loop3A_316 = vector.broadcast %parallel_loop3A_315 : f32 to vector<16xf32>
        %parallel_loop3A_317 = arith.mulf %parallel_loop3A_314, %parallel_loop3A_316 : vector<16xf32>
        %parallel_loop3A_318 = arith.index_cast %parallel_loop3A_230 : i32 to index
        %parallel_loop3A_319 = arith.constant 144 : index
        %parallel_loop3A_320 = tpu.vector_load %arg13[%parallel_loop3A_318, %parallel_loop3A_319] {strides = array<i32>} : memref<64x256xf32, #tpu.memory_space<vmem>>, vector<16xf32>,
        tpu.vector_store %arg13[%parallel_loop3A_318, %parallel_loop3A_319], %parallel_loop3A_317 {strides = array<i32>} : memref<64x256xf32, #tpu.memory_space<vmem>>, vector<16xf32>,
        %parallel_loop3A_321 = vector.broadcast %parallel_loop3A_230 : i32 to vector<16xi32>
        %parallel_loop3A_322 = arith.addi %get3A_160, %parallel_loop3A_321 : vector<16xi32>
        %parallel_loop3A_323 = tpu.vector_load_idx %arg11[%add3A_203, %parallel_loop3A_322] : memref<256x128xf32, #tpu.memory_space<vmem>>[vector<16xi32>, vector<16xi32>], vector<16xf32>,
        %parallel_loop3A_324 = arith.constant 8.000000e+00 : f32
        %parallel_loop3A_325 = vector.broadcast %parallel_loop3A_324 : f32 to vector<16xf32>
        %parallel_loop3A_326 = arith.mulf %parallel_loop3A_323, %parallel_loop3A_325 : vector<16xf32>
        %parallel_loop3A_327 = arith.index_cast %parallel_loop3A_230 : i32 to index
        %parallel_loop3A_328 = arith.constant 160 : index
        %parallel_loop3A_329 = tpu.vector_load %arg13[%parallel_loop3A_327, %parallel_loop3A_328] {strides = array<i32>} : memref<64x256xf32, #tpu.memory_space<vmem>>, vector<16xf32>,
        tpu.vector_store %arg13[%parallel_loop3A_327, %parallel_loop3A_328], %parallel_loop3A_326 {strides = array<i32>} : memref<64x256xf32, #tpu.memory_space<vmem>>, vector<16xf32>,
        %parallel_loop3A_330 = vector.broadcast %parallel_loop3A_230 : i32 to vector<16xi32>
        %parallel_loop3A_331 = arith.addi %get3A_162, %parallel_loop3A_330 : vector<16xi32>
        %parallel_loop3A_332 = tpu.vector_load_idx %arg11[%add3A_206, %parallel_loop3A_331] : memref<256x128xf32, #tpu.memory_space<vmem>>[vector<16xi32>, vector<16xi32>], vector<16xf32>,
        %parallel_loop3A_333 = arith.constant 8.000000e+00 : f32
        %parallel_loop3A_334 = vector.broadcast %parallel_loop3A_333 : f32 to vector<16xf32>
        %parallel_loop3A_335 = arith.mulf %parallel_loop3A_332, %parallel_loop3A_334 : vector<16xf32>
        %parallel_loop3A_336 = arith.index_cast %parallel_loop3A_230 : i32 to index
        %parallel_loop3A_337 = arith.constant 176 : index
        %parallel_loop3A_338 = tpu.vector_load %arg13[%parallel_loop3A_336, %parallel_loop3A_337] {strides = array<i32>} : memref<64x256xf32, #tpu.memory_space<vmem>>, vector<16xf32>,
        tpu.vector_store %arg13[%parallel_loop3A_336, %parallel_loop3A_337], %parallel_loop3A_335 {strides = array<i32>} : memref<64x256xf32, #tpu.memory_space<vmem>>, vector<16xf32>,
        %parallel_loop3A_339 = vector.broadcast %parallel_loop3A_230 : i32 to vector<16xi32>
        %parallel_loop3A_340 = arith.addi %get3A_164, %parallel_loop3A_339 : vector<16xi32>
        %parallel_loop3A_341 = tpu.vector_load_idx %arg11[%add3A_209, %parallel_loop3A_340] : memref<256x128xf32, #tpu.memory_space<vmem>>[vector<16xi32>, vector<16xi32>], vector<16xf32>,
        %parallel_loop3A_342 = arith.constant 8.000000e+00 : f32
        %parallel_loop3A_343 = vector.broadcast %parallel_loop3A_342 : f32 to vector<16xf32>
        %parallel_loop3A_344 = arith.mulf %parallel_loop3A_341, %parallel_loop3A_343 : vector<16xf32>
        %parallel_loop3A_345 = arith.index_cast %parallel_loop3A_230 : i32 to index
        %parallel_loop3A_346 = arith.constant 192 : index
        %parallel_loop3A_347 = tpu.vector_load %arg13[%parallel_loop3A_345, %parallel_loop3A_346] {strides = array<i32>} : memref<64x256xf32, #tpu.memory_space<vmem>>, vector<16xf32>,
        tpu.vector_store %arg13[%parallel_loop3A_345, %parallel_loop3A_346], %parallel_loop3A_344 {strides = array<i32>} : memref<64x256xf32, #tpu.memory_space<vmem>>, vector<16xf32>,
        %parallel_loop3A_348 = vector.broadcast %parallel_loop3A_230 : i32 to vector<16xi32>
        %parallel_loop3A_349 = arith.addi %get3A_166, %parallel_loop3A_348 : vector<16xi32>
        %parallel_loop3A_350 = tpu.vector_load_idx %arg11[%add3A_212, %parallel_loop3A_349] : memref<256x128xf32, #tpu.memory_space<vmem>>[vector<16xi32>, vector<16xi32>], vector<16xf32>,
        %parallel_loop3A_351 = arith.constant 8.000000e+00 : f32
        %parallel_loop3A_352 = vector.broadcast %parallel_loop3A_351 : f32 to vector<16xf32>
        %parallel_loop3A_353 = arith.mulf %parallel_loop3A_350, %parallel_loop3A_352 : vector<16xf32>
        %parallel_loop3A_354 = arith.index_cast %parallel_loop3A_230 : i32 to index
        %parallel_loop3A_355 = arith.constant 208 : index
        %parallel_loop3A_356 = tpu.vector_load %arg13[%parallel_loop3A_354, %parallel_loop3A_355] {strides = array<i32>} : memref<64x256xf32, #tpu.memory_space<vmem>>, vector<16xf32>,
        tpu.vector_store %arg13[%parallel_loop3A_354, %parallel_loop3A_355], %parallel_loop3A_353 {strides = array<i32>} : memref<64x256xf32, #tpu.memory_space<vmem>>, vector<16xf32>,
        %parallel_loop3A_357 = vector.broadcast %parallel_loop3A_230 : i32 to vector<16xi32>
        %parallel_loop3A_358 = arith.addi %get3A_168, %parallel_loop3A_357 : vector<16xi32>
        %parallel_loop3A_359 = tpu.vector_load_idx %arg11[%add3A_215, %parallel_loop3A_358] : memref<256x128xf32, #tpu.memory_space<vmem>>[vector<16xi32>, vector<16xi32>], vector<16xf32>,
        %parallel_loop3A_360 = arith.constant 8.000000e+00 : f32
        %parallel_loop3A_361 = vector.broadcast %parallel_loop3A_360 : f32 to vector<16xf32>
        %parallel_loop3A_362 = arith.mulf %parallel_loop3A_359, %parallel_loop3A_361 : vector<16xf32>
        %parallel_loop3A_363 = arith.index_cast %parallel_loop3A_230 : i32 to index
        %parallel_loop3A_364 = arith.constant 224 : index
        %parallel_loop3A_365 = tpu.vector_load %arg13[%parallel_loop3A_363, %parallel_loop3A_364] {strides = array<i32>} : memref<64x256xf32, #tpu.memory_space<vmem>>, vector<16xf32>,
        tpu.vector_store %arg13[%parallel_loop3A_363, %parallel_loop3A_364], %parallel_loop3A_362 {strides = array<i32>} : memref<64x256xf32, #tpu.memory_space<vmem>>, vector<16xf32>,
        %parallel_loop3A_366 = vector.broadcast %parallel_loop3A_230 : i32 to vector<16xi32>
        %parallel_loop3A_367 = arith.addi %get3A_170, %parallel_loop3A_366 : vector<16xi32>
        %parallel_loop3A_368 = tpu.vector_load_idx %arg11[%add3A_218, %parallel_loop3A_367] : memref<256x128xf32, #tpu.memory_space<vmem>>[vector<16xi32>, vector<16xi32>], vector<16xf32>,
        %parallel_loop3A_369 = arith.constant 8.000000e+00 : f32
        %parallel_loop3A_370 = vector.broadcast %parallel_loop3A_369 : f32 to vector<16xf32>
        %parallel_loop3A_371 = arith.mulf %parallel_loop3A_368, %parallel_loop3A_370 : vector<16xf32>
        %parallel_loop3A_372 = arith.index_cast %parallel_loop3A_230 : i32 to index
        %parallel_loop3A_373 = arith.constant 240 : index
        %parallel_loop3A_374 = tpu.vector_load %arg13[%parallel_loop3A_372, %parallel_loop3A_373] {strides = array<i32>} : memref<64x256xf32, #tpu.memory_space<vmem>>, vector<16xf32>,
        tpu.vector_store %arg13[%parallel_loop3A_372, %parallel_loop3A_373], %parallel_loop3A_371 {strides = array<i32>} : memref<64x256xf32, #tpu.memory_space<vmem>>, vector<16xf32>,
      } {sc.loop_unroll_factor = 8 : i64, sc.parallel_access}
      %add3A_222 = arith.constant 256 : i32
      %add3A_223 = arith.addi %mul3A_2, %add3A_222 : i32
      %dma_start3A_224 = arith.constant 0 : i32
      %dma_start3A_225 = tpu.memref_slice %arg4[%scan3A_25, %dma_start3A_224, %add3A_223] : memref<50x64x16384xf32, #tpu.memory_space<hbm>> -> memref<1x64x256xf32, #tpu.memory_space<hbm>>
      %dma_start3A_226 = tpu.memref_squeeze %dma_start3A_225 : memref<1x64x256xf32, #tpu.memory_space<hbm>> -> memref<64x256xf32, #tpu.memory_space<hbm>>
      %dma_start3A_227 = arith.constant 0 : i32
      %dma_start3A_228 = tpu.memref_slice %arg4[%scan3A_25, %dma_start3A_227, %add3A_223] : memref<50x64x16384xf32, #tpu.memory_space<hbm>> -> memref<1x64x256xf32, #tpu.memory_space<hbm>>
      %dma_start3A_229 = tpu.memref_squeeze %dma_start3A_228 : memref<1x64x256xf32, #tpu.memory_space<hbm>> -> memref<64x256xf32, #tpu.memory_space<hbm>>
      tpu.enqueue_dma source(%arg13 : memref<64x256xf32, #tpu.memory_space<vmem>>) target(%dma_start3A_229 : memref<64x256xf32, #tpu.memory_space<hbm>>) target_semaphore(%arg17 : memref<!tpu.dma_semaphore, #tpu.memory_space<semaphore_mem>>)
    }
    %scan3A_11 = arith.constant 50 : i32
    %dma_wait3A = arith.constant 0 : i32
    %dma_wait3A_12 = arith.constant 0 : i32
    %dma_wait3A_13 = tpu.memref_slice %arg4[%dma_wait3A, %dma_wait3A_12, %mul3A_2] : memref<50x64x16384xf32, #tpu.memory_space<hbm>> -> memref<1x64x256xf32, #tpu.memory_space<hbm>>
    %dma_wait3A_14 = tpu.memref_squeeze %dma_wait3A_13 : memref<1x64x256xf32, #tpu.memory_space<hbm>> -> memref<64x256xf32, #tpu.memory_space<hbm>>
    %dma_wait3A_15 = arith.constant 0 : i32
    %dma_wait3A_16 = tpu.memref_slice %arg4[%dma_wait3A, %dma_wait3A_15, %mul3A_2] : memref<50x64x16384xf32, #tpu.memory_space<hbm>> -> memref<1x64x256xf32, #tpu.memory_space<hbm>>
    %dma_wait3A_17 = tpu.memref_squeeze %dma_wait3A_16 : memref<1x64x256xf32, #tpu.memory_space<hbm>> -> memref<64x256xf32, #tpu.memory_space<hbm>>
    tpu.wait_dma2 semaphore(%arg16 : memref<!tpu.dma_semaphore, #tpu.memory_space<semaphore_mem>>) src(%arg12 : memref<64x256xf32, #tpu.memory_space<vmem>>) dst(%dma_wait3A_17 : memref<64x256xf32, #tpu.memory_space<hbm>>)
    %dma_wait3A_18 = arith.constant 0 : i32
    %dma_wait3A_19 = arith.constant 0 : i32
    %dma_wait3A_20 = tpu.memref_slice %arg4[%dma_wait3A_18, %dma_wait3A_19, %mul3A_2] : memref<50x64x16384xf32, #tpu.memory_space<hbm>> -> memref<1x64x256xf32, #tpu.memory_space<hbm>>
    %dma_wait3A_21 = tpu.memref_squeeze %dma_wait3A_20 : memref<1x64x256xf32, #tpu.memory_space<hbm>> -> memref<64x256xf32, #tpu.memory_space<hbm>>
    %dma_wait3A_22 = arith.constant 0 : i32
    %dma_wait3A_23 = tpu.memref_slice %arg4[%dma_wait3A_18, %dma_wait3A_22, %mul3A_2] : memref<50x64x16384xf32, #tpu.memory_space<hbm>> -> memref<1x64x256xf32, #tpu.memory_space<hbm>>
    %dma_wait3A_24 = tpu.memref_squeeze %dma_wait3A_23 : memref<1x64x256xf32, #tpu.memory_space<hbm>> -> memref<64x256xf32, #tpu.memory_space<hbm>>
    tpu.wait_dma2 semaphore(%arg17 : memref<!tpu.dma_semaphore, #tpu.memory_space<semaphore_mem>>) src(%arg13 : memref<64x256xf32, #tpu.memory_space<vmem>>) dst(%dma_wait3A_24 : memref<64x256xf32, #tpu.memory_space<hbm>>)
    return
  }
}

</mosaic_0001>

<sc_bundles>
// kernel: kernel.3.cloned.1.call-start
scs
__scs_entry_jumppad:
0x0: {  	(pc) =	sbr.rel $0x88, $3  }
0x1: {  	(tag) =	ssettag $0x0;
	lr =	simm.s32 $0x1  }
0x2: {  	[smem:$0x3F9F] =	sst lr;
	_ =	strace $0xD0000000  }
0x3: {  	_ = 	snop  }
0x4: {  	_ = 	snop  }
0x5: {  	_ = 	snop  }
0x6: {  	_ = 	snop  }
0x7: {  	_ = 	snop  }
__scs_overlays_trampoline_lowered:
0x8: {  	[smem:$0x3FAE] =	sst s0  }
0x9: {  	[smem:$0x3FAF] =	sst s1  }
0xa: {  	[smem:$0x3FB0] =	sst s2  }
0xb: {  	[smem:$0x3FB1] =	sst s3  }
0xc: {  	[smem:$0x3FB2] =	sst s4  }
0xd: {  	[smem:$0x3FB3] =	sst s5  }
0xe: {  	[smem:$0x3FB4] =	sst s6  }
0xf: {  	[smem:$0x3FB5] =	sst s7  }
0x10: {  	[smem:$0x3FB6] =	sst s8  }
0x11: {  	[smem:$0x3FB7] =	sst s9;
	s0 =	simm.s32 @!p0 $0x0  }
0x12: {  	s1 =	sld [smem:$0x3F9D];
	s0 =	simm.s32 @p0 $0x1  }
0x13: {  	[smem:$0x3FB8] =	sst s0;
	s0 =	simm.s32 @!p1 $0x0  }
0x14: {  	s2 =	sld [smem:$0x3F9C];
	s0 =	simm.s32 @p1 $0x1  }
0x15: {  	[smem:$0x3FB9] =	sst s0;
	s0 =	simm.s32 @!p2 $0x0  }
0x16: {  	s3 =	sld [smem:$0x3FDB];
	s0 =	simm.s32 @p2 $0x1  }
0x17: {  	s4 =	simm.s32 $0x1BF5;
	[smem:$0x3FBB] =	sst s0  }
0x18: {  	s0 =	sld [smem:$0x3F9E];
	_ =	swait.ge [sflag:s4], $0x0  }
0x19: {  	s7 =	sld [smem:$0x3F9F]  }
0x1a: {  	s8 =	sadd.s32 $0xFFFFE003, lr  }
0x1b: {  	s9 =	sadd.s32 $0xFFFFFEF7, lr;
	s5 =	simm.s32 $0xFFFFFFFF;
	p2 =	slt.u32 s8, $0xFFFFF086  }
0x1c: {  	p1 =	slt.u32 s9, $0xF7A;
	s5 =	simm.s32 @!p2 $0x0  }
0x1d: {  	s5 =	simm.s32 @p1 $0x1;
	p0 =	seq.s32 s7, s2  }
0x1e: {  	s7 =	smul.u32 @!p0 $0xF7A, s2;
	p2 =	seq.s32 @!p0 s5, $0x0  }
0x1f: {  	s9 =	smul.u32 $0xF7A, s1;
	s8 =	simm.s32 @!p0 $0x1BF5;
	p2 =	por !p2, p0  }
0x20: {  	[sflag:s8] =	ssyncset.s32 @!p0 $0xFFFFF086;
	s6 =	sadd.s32 @!p0 s3, s7;
	s7 =	simm.s32 @!p0 $0x108  }
0x21: {  	s3 =	sadd.s32 s3, s9;
	s6 =	sadd.s32 @!p0 $0x88, s6;
	s7 =	simm.s32 @p2 $0x1082  }
0x22: {  	[simem:s7], [sflag:s8] =	dma.local @!p0 [hbm:s6], $0xF7A  }
0x23: {  	s9 =	sor.u32 $0xD0000000, s2;
	s6 =	simm.s32 $0x108;
	_ =	swait.ge @!p0 [sflag:s8], $0x0  }
0x24: {  	s3 =	sadd.s32 $0x88, s3;
	s6 =	simm.s32 @!p1 $0x1082;
	[sflag:s4] =	ssyncset.s32 $0xFFFFF086  }
0x25: {  	[simem:s6], [sflag:s4] =	dma.local [hbm:s3], $0xF7A  }
0x26: {  	[smem:$0x3F9F] =	sst s1;
	(tag) =	ssettag s2;
	_ =	strace s9  }
0x27: {  	s1 =	sld [smem:$0x3FAF]  }
0x28: {  	s2 =	sld [smem:$0x3FB0]  }
0x29: {  	s4 =	sld [smem:$0x3FB2]  }
0x2a: {  	p0 =	seq.s32 s5, $0x0;
	s5 =	sld [smem:$0x3FB3]  }
0x2b: {  	s6 =	sld [smem:$0x3FB4]  }
0x2c: {  	s7 =	sld [smem:$0x3FB5]  }
0x2d: {  	s3 =	simm.s32 $0x108;
	s8 =	sld [smem:$0x3FB6]  }
0x2e: {  	s3 =	simm.s32 @!p0 $0x1082;
	s9 =	sld [smem:$0x3FB7]  }
0x2f: {  	lr =	sadd.s32 s0, s3;
	s0 =	sld [smem:$0x3FAE]  }
0x30: {  	s3 =	sld [smem:$0x3FB1]  }
0x31: {  	[smem:$0x3FBA] =	sst s10  }
0x32: {  	s10 =	sld [smem:$0x3FB8];
	_ =	sdelay $0x3  }
0x33: {  	p0 =	seq.s32 s10, $0x1;
	s10 =	sld [smem:$0x3FBA];
	_ =	sdelay $0x3  }
0x34: {  	[smem:$0x3FBA] =	sst s10  }
0x35: {  	s10 =	sld [smem:$0x3FB9];
	_ =	sdelay $0x3  }
0x36: {  	p1 =	seq.s32 s10, $0x1;
	s10 =	sld [smem:$0x3FBA];
	_ =	sdelay $0x3  }
0x37: {  	[smem:$0x3FBA] =	sst s10  }
0x38: {  	s10 =	sld [smem:$0x3FBB]  }
0x39: {  	_ = 	snop;
	(pc) =	sbr.ind lr, $3  }
0x3a: {  	_ = 	snop  }
0x3b: {  	_ = 	snop  }
0x3c: {  	p2 =	seq.s32 s10, $0x1;
	s10 =	sld [smem:$0x3FBA]  }
0x3d: {  	_ =	shalt  }
0x3e: {  	_ =	shalt  }
0x3f: {  	_ =	shalt  }
0x40: {  	_ =	shalt  }
0x41: {  	_ =	shalt  }
0x42: {  	_ =	shalt  }
0x43: {  	_ =	shalt  }
0x44: {  	_ =	shalt  }
0x45: {  	_ =	shalt  }
0x46: {  	_ =	shalt  }
0x47: {  	_ =	shalt  }
0x48: {  	_ =	shalt  }
0x49: {  	_ =	shalt  }
0x4a: {  	_ =	shalt  }
0x4b: {  	_ =	shalt  }
0x4c: {  	_ =	shalt  }
0x4d: {  	_ =	shalt  }
0x4e: {  	_ =	shalt  }
0x4f: {  	_ =	shalt  }
0x50: {  	_ =	shalt  }
0x51: {  	_ =	shalt  }
0x52: {  	_ =	shalt  }
0x53: {  	_ =	shalt  }
0x54: {  	_ =	shalt  }
0x55: {  	_ =	shalt  }
0x56: {  	_ =	shalt  }
0x57: {  	_ =	shalt  }
0x58: {  	_ =	shalt  }
0x59: {  	_ =	shalt  }
0x5a: {  	_ =	shalt  }
0x5b: {  	_ =	shalt  }
0x5c: {  	_ =	shalt  }
0x5d: {  	_ =	shalt  }
0x5e: {  	_ =	shalt  }
0x5f: {  	_ =	shalt  }
0x60: {  	_ =	shalt  }
0x61: {  	_ =	shalt  }
0x62: {  	_ =	shalt  }
0x63: {  	_ =	shalt  }
0x64: {  	_ =	shalt  }
0x65: {  	_ =	shalt  }
0x66: {  	_ =	shalt  }
0x67: {  	_ =	shalt  }
0x68: {  	_ =	shalt  }
0x69: {  	_ =	shalt  }
0x6a: {  	_ =	shalt  }
0x6b: {  	_ =	shalt  }
0x6c: {  	_ =	shalt  }
0x6d: {  	_ =	shalt  }
0x6e: {  	_ =	shalt  }
0x6f: {  	_ =	shalt  }
0x70: {  	_ =	shalt  }
0x71: {  	_ =	shalt  }
0x72: {  	_ =	shalt  }
0x73: {  	_ =	shalt  }
0x74: {  	_ =	shalt  }
0x75: {  	_ =	shalt  }
0x76: {  	_ =	shalt  }
0x77: {  	_ =	shalt  }
0x78: {  	_ =	shalt  }
0x79: {  	_ =	shalt  }
0x7a: {  	_ =	shalt  }
0x7b: {  	_ =	shalt  }
0x7c: {  	_ =	shalt  }
0x7d: {  	_ =	shalt  }
0x7e: {  	_ =	shalt  }
0x7f: {  	_ =	shalt  }
0x80: {  	_ =	shalt  }
0x81: {  	_ =	shalt  }
0x82: {  	_ =	shalt  }
0x83: {  	_ =	shalt  }
0x84: {  	_ =	shalt  }
0x85: {  	_ =	shalt  }
0x86: {  	_ =	shalt  }
0x87: {  	_ =	shalt  }
.Lfunc_end0:
.L_simem_size_0:
called_computation_lowered:
.L_overlay_start_0:
0x88: {  	s2 =	sld [smem:$0x3FD9]  }
0x89: {  	s3 =	sld [smem:$0x3FFE];
	_ =	sdelay $0x1  }
0x8a: {  	s1 =	srdreg.scid  }
0x8b: {  	s0 =	sand.u32 $0x1, s1  }
0x8c: {  	s17 =	sshll.u32 s0, $0xA;
	s2 =	sadd.s32 s3, s2  }
0x8d: {  	s2 =	sadd.s32 s2, s17  }
0x8e: {  	[smem:$0x3FC6] =	sst s2  }
0x8f: {  	_ = 	snop  }
0x90: {  	s2 =	sld [smem:$0x3FD0];
	(tm) =	ssettm $0x1  }
0x91: {  	s18 =	sld [smem:$0x3FFB];
	_ =	sdelay $0x3  }
0x92: {  	_ =	strace s18  }
0x93: {  	s3 =	sld [smem:$0x3FFC];
	_ =	sdelay $0x3  }
0x94: {  	_ =	strace s3  }
0x95: {  	s3 =	sld [smem:$0x3FFD];
	_ =	sdelay $0x3  }
0x96: {  	_ =	strace s3  }
0x97: {  	_ =	strace $0x8FFFFFFF  }
0x98: {  	s19 =	sld [smem:$0x3FDB];
	_ =	sdelay $0x1  }
0x99: {  	s4 =	simm.s32 $_scs_section_size  }
0x9a: {  	s5 =	simm.s32 $_size__tile_overlayer_lowered;
	s6 =	simm.s32 $_tile_overlayer_lowered  }
0x9b: {  	s22 =	simm.s32 $0x1BFF;
	s21 =	sshll.u32 s6, $0x1;
	s3 =	sadd.s32 s4, s19  }
0x9c: {  	s7 =	simm.s32 $0x0;
	s20 =	sshll.u32 s5, $0x1;
	s5 =	sadd.s32 s21, s3  }
0x9d: {  	[timem:s7], [sflag:s22] =	dma.local [hbm:s5], s20  }
0x9e: {  	_ =	swait.ge [sflag:s22], s20  }
0x9f: {  	s4 =	ssub.s32 $0x0, s20;
	[sflag:s22] =	ssyncset.done $0x0  }
0xa0: {  	[sflag:s22] =	ssyncadd.s32 s4;
	_ =	sdelay $0x1  }
0xa1: {  	s23 =	simm.s32 $0x1B8B  }
0xa2: {  	_ =	swait.ge [sflag:s23], $0x1  }
0xa3: {  	[sflag:s23] =	ssyncset.done $0x0  }
0xa4: {  	s25 =	simm.s32 $0x1B8E;
	s24 =	sld [smem:$0x3FFE];
	[sflag:s23] =	ssyncadd.s32 $0xFFFFFFFF  }
0xa5: {  	s26 =	simm.s32 $execute0_lowered;
	[smem:$0x3FD2] =	sst s25  }
0xa6: {  	s5 =	sshll.u32 s26, $0x1;
	_ =	strace $0x80000046;
	[dreg:$0x1] =	wrdreg $0xFFFFFFFF  }
0xa7: {  	s28 =	simm.s32 $_size_execute0_lowered;
	s3 =	sadd.s32 s3, s5;
	[dreg:$0x0] =	wrdreg $0x0  }
0xa8: {  	s5 =	sshll.u32 s28, $0x1;
	[dreg:$0x2] =	wrdreg s3  }
0xa9: {  	[dreg:$0x3] =	wrdreg s5  }
0xaa: {  	[dreg:$0x4] =	wrdreg $0xC0  }
0xab: {  	_ =	task [dreg:s7], $0x5FFFF  }
0xac: {  	[dreg:$0x1] =	wrdreg $0xFFFFFFFF  }
0xad: {  	[dreg:$0x0] =	wrdreg $0x60  }
0xae: {  	[dreg:$0x2] =	wrdreg s24  }
0xaf: {  	[dreg:$0x3] =	wrdreg s2  }
0xb0: {  	[dreg:$0x4] =	wrdreg $0x9  }
0xb1: {  	_ =	task.clear_ibuf [dreg:s7], $0x5FFFF;
	_ =	strace $0x90000046  }
0xb2: {  	s29 =	simm.s32 $0x9;
	_ =	strace $0x80000048  }
0xb3: {  	_ =	swait.ge [sflag:s29], $0x1  }
0xb4: {  	[sflag:s29] =	ssyncadd.s32 $0xFFFFFFFF  }
0xb5: {  	_ =	strace $0x90000048  }
0xb6: {  	_ =	sfence  }
0xb7: {  	s30 =	sld [smem:$0x0];
	_ =	sdelay $0x2  }
0xb8: {  	s31 =	sshll.u32 s1, $0xD;
	s1 =	sshrl.u32 s1, $0x2  }
0xb9: {  	s3 =	sand.u32 $0x4000, s31;
	s1 =	sadd.s32 s1, s30  }
0xba: {  	s0 =	sor.u32 s3, s0;
	s1 =	sshll.u32 s1, $0x11  }
0xbb: {  	s0 =	sor.u32 s1, s0  }
0xbc: {  	s0 =	sadd.s32 $0x8F2B, s0  }
0xbd: {  	[sflag:s0] =	ssyncadd.remote.s32 $0x1  }
0xbe: {  	_ =	sfence.sel $0xFFFF  }
0xbf: {  	[dreg:$0x0] =	wrdreg $0xFFFFFFFF;
	(pc) =	sbr.abs _section_cstart, $3  }
0xc0: {  	[dreg:$0x1] =	wrdreg $0xFFFFFFFF  }
0xc1: {  	_ =	task.clear_ibuf [dreg:s7], $0x2FFFF;
	_ =	strace $0x9FFFFFFF  }
0xc2: {  	(tm) =	ssettm $0x7FFFFFFF  }
0xc3: {  	_ =	shalt  }
tec
execute0_lowered:
.L_overlay_start_1:
0x0: {  	(tag) =	ssettag $0x1  }
0x1: {  	s0 =	srdreg.scid;
	s2 =	stileid.u32  }
0x2: {  	s1 =	rddreg [dreg:$0x0];
	s3 =	simm.s32 $0x0;
	s12 =	simm.s32 $0x6800  }
0x3: {  	v1 =	vlaneseq.u32;
	s14 =	simm.s32 $0xE800;
	s15 =	simm.s32 $0x1;
	s16 =	simm.s32 $0x800  }
0x4: {  	s17 =	simm.s32 $0x20000;
	s0 =	sand.u32 $0x1, s0;
	s2 =	sshll.u32 s2, $0x1;
	v0 =	vmul.u32 $0x80, v1  }
0x5: {  	s19 =	simm.s32 $0x2;
	v1 =	vmul.u32 $0x32, v1;
	s2 =	sor.u32 s0, s2;
	s0 =	ssub.s32 $0x2, s0  }
0x6: {  	[smem:$0x7FF] =	sst s3;
	s4 =	smul.u32 $0xC80, s2;
	s5 =	sshrl.u32 s0, $0x1;
	v2 =	vor.u32 $0x800, v0;
	v3 =	vor.u32 $0x1000, v0;
	v4 =	vor.u32 $0x1800, v0  }
0x7: {  	s20 =	simm.s32 $0x4;
	_ =	strace $0x80000047;
	v5 =	vor.u32 $0x2000, v0;
	v6 =	vor.u32 $0x2800, v0;
	v7 =	vor.u32 $0x3000, v0;
	s0 =	ssub.s32 s0, s5  }
0x8: {  	v8 =	vor.u32 $0x3800, v0;
	v9 =	vor.u32 $0x4000, v0;
	v10 =	vor.u32 $0x4800, v0;
	s5 =	sshll.u32 s2, $0xC;
	s6 =	sadd.s32 s4, s1;
	s0 =	smax.u32 s0, $0x1  }
0x9: {  	v11 =	vor.u32 $0x5000, v0;
	v12 =	vor.u32 $0x5800, v0;
	v13 =	vor.u32 $0x6000, v0;
	s4 =	sadd.s32 $0xF42A00, s1;
	s31 =	sadd.s32 $0x600, s6;
	[dreg:$0x4] =	wrdreg s0  }
0xa: {  	v14 =	vor.u32 $0x6800, v0;
	v15 =	vor.u32 $0x7000, v0;
	v16 =	vor.u32 $0x7800, v0;
	s7 =	sor.u32 $0x800, s5;
	s1 =	simm.s32 $0x0;
	[dreg:$0x3] =	wrdreg s31  }
.LBB2_1:
0xb: {  	s0 =	simm.s32 $0x20  }
0xc: {  	s25 =	simm.s32 $0x10;
	v17 =	vmov s0  }
0xd: {  	v18 =	vmov s25;
	v17 =	vmul.u32 $0x32, v17  }
0xe: {  	v19 =	vmov s3;
	v18 =	vmul.u32 $0x32, v18  }
0xf: {  	s26 =	simm.s32 $0x30;
	v19 =	vmul.u32 $0x32, v19;
	v17 =	vbroadcast v17, $0x0  }
0x10: {  	[dreg:$0x5] =	wrdreg s1;
	v20 =	vmov s26;
	v18 =	vbroadcast v18, $0x0  }
0x11: {  	s28 =	rddreg [dreg:$0x3];
	s6 =	simm.s32 $0x5;
	v20 =	vmul.u32 $0x32, v20;
	v19 =	vbroadcast v19, $0x0;
	v17 =	vadd.s32 v1, v17  }
0x12: {  	[tilespmem:s3], [sflag:$0x5] =	stream.linear.gather [hbm4b:s28+s3], $0x6400, $0x38;
	v18 =	vadd.s32 v1, v18;
	[tilespmem:$0x1E800] =	vst v63  }
0x13: {  	s29 =	simm.s32 $0x50;
	_ =	swait.ge [sflag:s6], $0x6400;
	v20 =	vbroadcast v20, $0x0;
	v19 =	vadd.s32 v1, v19  }
0x14: {  	s2 =	simm.s32 $0x60;
	v21 =	vmov s29;
	[sflag:s6] =	ssyncset.done $0x0  }
0x15: {  	s30 =	simm.s32 $0x40;
	v23 =	vmov s2;
	v21 =	vmul.u32 $0x32, v21;
	[sflag:s6] =	ssyncadd.s32 $0xFFFF9C00;
	v20 =	vadd.s32 v1, v20  }
0x16: {  	s31 =	simm.s32 $0x70;
	v22 =	vmov s30;
	v23 =	vmul.u32 $0x32, v23;
	v24 =	vld.idx.msk [tilespmem:v17+s3+$0x0], $0xffff  }
0x17: {  	v17 =	vmul.u32 $0x32, v22;
	v26 =	vld.idx.msk [tilespmem:v18+s3+$0x0], $0xffff;
	v18 =	vbroadcast v21, $0x0;
	v21 =	vmov s31  }
0x18: {  	v19 =	vld.idx.msk [tilespmem:v19+s3+$0x0], $0xffff;
	v22 =	vbroadcast v23, $0x0;
	v23 =	vmul.u32 $0x32, v21  }
0x19: {  	v17 =	vbroadcast v17, $0x0  }
0x1a: {  	v20 =	vld.idx.msk [tilespmem:v20+s3+$0x0], $0xffff;
	v18 =	vadd.s32 v1, v18;
	v21 =	vadd.s32 v1, v22;
	v22 =	vbroadcast v23, $0x0  }
0x1b: {  	s8 =	simm.s32 $0x4;
	s9 =	simm.s32 $0x80;
	s6 =	simm.s32 $0x6420;
	v17 =	vadd.s32 v1, v17;
	v23 =	vshrl.u32 v24, $0x1;
	v27 =	vshll.u32 v24, $0x6  }
0x1c: {  	s1 =	simm.s32 $0x6460;
	s2 =	simm.s32 $0x6620;
	s0 =	simm.s32 $0x6660;
	v25 =	vshrl.u32 v26, $0x1;
	v24 =	vshll.u32 v26, $0x6;
	[tilespmem:s6+$0x0] =	vst v23;
	v23 =	vand.u32 $0x40, v27  }
.LBB2_2:
0x1d: {  	v26 =	vmov s9;
	s10 =	sadd.s32 $0x10, s9;
	s11 =	sadd.s32 $0x20, s9;
	s13 =	sadd.s32 $0x30, s9;
	v27 =	vshrl.u32 v19, $0x1;
	[tilespmem:s6+$0xFFFFFFF0] =	vst v25;
	v24 =	vand.u32 $0x40, v24;
	v25 =	vmovc v19  }
0x1e: {  	s8 =	sadd.s32 $0x4, s8;
	v22 =	vadd.s32 v1, v22;
	v19 =	vmov s10;
	v28 =	vmov s11;
	[tilespmem:s2+$0x0] =	vst v23  }
0x1f: {  	p0 =	slt.u32 s8, $0xC;
	v19 =	vmul.u32 $0x32, v19;
	v23 =	vmul.u32 $0x32, v28;
	v28 =	vld.idx.msk [tilespmem:v21+s3+$0x0], $0xffff;
	[tilespmem:s6+$0xFFFFFFE0] =	vst v27;
	v21 =	vshrl.u32 v20, $0x1  }
0x20: {  	v26 =	vmul.u32 $0x32, v26;
	v27 =	vmov s13;
	v29 =	vld.idx.msk [tilespmem:v18+s3+$0x0], $0xffff;
	[tilespmem:s2+$0xFFFFFFF0] =	vst v24;
	v18 =	vshll.u32 v20, $0x6  }
0x21: {  	v20 =	vbroadcast v19, $0x0;
	v23 =	vbroadcast v23, $0x0;
	v19 =	vld.idx.msk [tilespmem:v17+s3+$0x0], $0xffff;
	[tilespmem:s6+$0x10] =	vst v21;
	v17 =	vand.u32 $0x40, v18;
	s6 =	smov.u32 s1  }
.Ltmp0:
0x22: {  	v25 =	vshll.u32 v25, $0x6;
	v24 =	vbroadcast v26, $0x0;
	v26 =	vmul.u32 $0x32, v27;
	[tilespmem:s2+$0x10] =	vst v17;
	(pc) =	sbr.rel @p0 .LBB2_2-.Ltmp0, $4  }
0x23: {  	v18 =	vadd.s32 v1, v20;
	v21 =	vadd.s32 v1, v23;
	v20 =	vld.idx.msk [tilespmem:v22+s3+$0x0], $0xffff;
	v23 =	vand.u32 $0x40, v25  }
0x24: {  	v17 =	vadd.s32 v1, v24;
	v22 =	vbroadcast v26, $0x0;
	[tilespmem:s2+$0xFFFFFFE0] =	vst v23;
	s2 =	smov.u32 s0  }
0x25: {  	v23 =	vshrl.u32 v28, $0x1;
	v26 =	vshll.u32 v28, $0x6  }
0x26: {  	s9 =	sadd.s32 $0x40, s9;
	s1 =	sadd.s32 $0x40, s1;
	s0 =	sadd.s32 $0x40, s0;
	v25 =	vshrl.u32 v29, $0x1;
	v24 =	vshll.u32 v29, $0x6;
	[tilespmem:s6+$0x0] =	vst v23;
	v23 =	vand.u32 $0x40, v26  }
0x27: {  	_ =	sdelay $0x2  }
0x28: {  	[tilespmem:s6+$0xFFFFFFF0] =	vst v25  }
0x29: {  	v57 =	vshrl.u32 v19, $0x1;
	[tilespmem:s2+$0x0] =	vst v23;
	v21 =	vld.idx.msk [tilespmem:v21+s3+$0x0], $0xffff  }
0x2a: {  	v22 =	vadd.s32 v1, v22;
	v58 =	vand.u32 $0x40, v24;
	v18 =	vld.idx.msk [tilespmem:v18+s3+$0x0], $0xffff;
	[tilespmem:s6+$0xFFFFFFE0] =	vst v57  }
0x2b: {  	v17 =	vld.idx.msk [tilespmem:v17+s3+$0x0], $0xffff;
	v19 =	vshll.u32 v19, $0x6;
	v59 =	vshrl.u32 v20, $0x1;
	[tilespmem:s2+$0xFFFFFFF0] =	vst v58  }
0x2c: {  	v60 =	vshll.u32 v20, $0x6;
	v19 =	vand.u32 $0x40, v19;
	[tilespmem:s6+$0x10] =	vst v59  }
0x2d: {  	v20 =	vand.u32 $0x40, v60;
	[tilespmem:s2+$0xFFFFFFE0] =	vst v19  }
0x2e: {  	[tilespmem:s2+$0x10] =	vst v20;
	v19 =	vshrl.u32 v21, $0x1  }
0x2f: {  	v61 =	vld.idx.msk [tilespmem:v22+s3+$0x0], $0xffff;
	v62 =	vshrl.u32 v18, $0x1;
	[tilespmem:s1+$0x0] =	vst v19  }
0x30: {  	v21 =	vshll.u32 v21, $0x6;
	v63 =	vshrl.u32 v17, $0x1;
	[tilespmem:s1+$0xFFFFFFF0] =	vst v62  }
0x31: {  	v18 =	vshll.u32 v18, $0x6;
	v19 =	vand.u32 $0x40, v21;
	[tilespmem:s1+$0xFFFFFFE0] =	vst v63  }
0x32: {  	v17 =	vshll.u32 v17, $0x6;
	v18 =	vand.u32 $0x40, v18;
	[tilespmem:s0+$0x0] =	vst v19  }
0x33: {  	v17 =	vand.u32 $0x40, v17;
	[tilespmem:s0+$0xFFFFFFF0] =	vst v18  }
0x34: {  	[tilespmem:s0+$0xFFFFFFE0] =	vst v17;
	v19 =	vshrl.u32 v61, $0x1;
	v18 =	vshll.u32 v61, $0x6  }
0x35: {  	[tilespmem:s1+$0x10] =	vst v19;
	v18 =	vand.u32 $0x40, v18  }
0x36: {  	s30 =	simm.s32 $0x100;
	s31 =	simm.s32 $0x6400;
	s24 =	simm.s32 $0x0;
	[tilespmem:s0+$0x10] =	vst v18  }
0x37: {  	[tilespmem:s12], [sflag:$0x1] =	stream.indirect.gather [hbm4b:s4+s30], $0x80, s31, s30, $0xb8;
	[tilespmem:$0x1E800] =	vst v63  }
.LBB2_4:
0x38: {  	s0 =	simm.s32 $0x110  }
0x39: {  	s1 =	simm.s32 $0x100;
	v17 =	vmov s0  }
0x3a: {  	v19 =	vmov s1;
	v18 =	vmul.u32 $0x32, v17  }
0x3b: {  	v17 =	vmov s24;
	v19 =	vmul.u32 $0x32, v19  }
0x3c: {  	v18 =	vadd.s32 v17, v18  }
0x3d: {  	s26 =	simm.s32 $0x130;
	v19 =	vadd.s32 v17, v19;
	v18 =	vbroadcast v18, $0x0  }
0x3e: {  	s25 =	simm.s32 $0x120;
	v21 =	vmov s26;
	v19 =	vbroadcast v19, $0x0  }
0x3f: {  	v20 =	vmov s25;
	v21 =	vmul.u32 $0x32, v21;
	v18 =	vadd.s32 v1, v18  }
0x40: {  	v20 =	vmul.u32 $0x32, v20;
	v19 =	vadd.s32 v1, v19  }
0x41: {  	v21 =	vadd.s32 v17, v21  }
0x42: {  	v20 =	vadd.s32 v17, v20;
	v21 =	vbroadcast v21, $0x0  }
0x43: {  	s28 =	simm.s32 $0x150;
	s30 =	simm.s32 $0x140;
	v20 =	vbroadcast v20, $0x0  }
0x44: {  	s31 =	simm.s32 $0x170;
	v22 =	vmov s28;
	v24 =	vmov s30;
	v21 =	vadd.s32 v1, v21;
	v18 =	vld.idx.msk [tilespmem:v18+s3+$0x0], $0xffff  }
0x45: {  	s29 =	simm.s32 $0x160;
	v25 =	vmov s31;
	v23 =	vadd.s32 v1, v20;
	v26 =	vld.idx.msk [tilespmem:v19+s3+$0x0], $0xffff;
	v19 =	vmul.u32 $0x32, v24  }
0x46: {  	v22 =	vmul.u32 $0x32, v22;
	v20 =	vmov s29;
	v24 =	vmul.u32 $0x32, v25  }
0x47: {  	v20 =	vmul.u32 $0x32, v20;
	v19 =	vadd.s32 v17, v19  }
0x48: {  	v22 =	vadd.s32 v17, v22;
	v27 =	vbroadcast v19, $0x0;
	v19 =	vadd.s32 v17, v24  }
0x49: {  	s6 =	simm.s32 $0x6520;
	v20 =	vadd.s32 v17, v20;
	v28 =	vbroadcast v19, $0x0;
	v19 =	vld.idx.msk [tilespmem:v21+s3+$0x0], $0xffff;
	v24 =	vshrl.u32 v18, $0x1  }
0x4a: {  	v22 =	vbroadcast v22, $0x0;
	v25 =	vbroadcast v20, $0x0;
	[tilespmem:s6+$0xFFFFFFF0] =	vst v24;
	v24 =	vld.idx.msk [tilespmem:v23+s3+$0x0], $0xffff;
	_ =	sdelay $0x1  }
0x4b: {  	v20 =	vadd.s32 v1, v22;
	v21 =	vadd.s32 v1, v25  }
0x4c: {  	s8 =	simm.s32 $0x4;
	s9 =	simm.s32 $0x180;
	v22 =	vadd.s32 v1, v27;
	v27 =	vshrl.u32 v26, $0x1;
	v26 =	vshll.u32 v26, $0x6  }
0x4d: {  	s2 =	simm.s32 $0x6560;
	s1 =	simm.s32 $0x6720;
	s0 =	simm.s32 $0x6760;
	v18 =	vshll.u32 v18, $0x6;
	v23 =	vadd.s32 v1, v28;
	[tilespmem:s6+$0xFFFFFFE0] =	vst v27;
	v25 =	vand.u32 $0x40, v26  }
.LBB2_5:
0x4e: {  	s10 =	sadd.s32 $0x10, s9;
	s11 =	sadd.s32 $0x20, s9;
	s13 =	sadd.s32 $0x30, s9;
	v26 =	vshrl.u32 v24, $0x1;
	v27 =	vshll.u32 v24, $0x6;
	v24 =	vshll.u32 v19, $0x6  }
0x4f: {  	s8 =	sadd.s32 $0x4, s8;
	v19 =	vshrl.u32 v19, $0x1;
	v28 =	vmov s10;
	v29 =	vmov s11;
	[tilespmem:s6+$0x0] =	vst v26  }
0x50: {  	p0 =	slt.u32 s8, $0xC;
	v26 =	vmul.u32 $0x32, v28;
	v28 =	vmul.u32 $0x32, v29;
	v29 =	vld.idx.msk [tilespmem:v20+s3+$0x0], $0xffff;
	[tilespmem:s6+$0x10] =	vst v19;
	v19 =	vand.u32 $0x40, v24;
	s6 =	smov.u32 s2  }
0x51: {  	v18 =	vand.u32 $0x40, v18;
	v20 =	vmov s9;
	v24 =	vmov s13;
	v30 =	vld.idx.msk [tilespmem:v22+s3+$0x0], $0xffff;
	[tilespmem:s1+$0x10] =	vst v19  }
0x52: {  	v20 =	vmul.u32 $0x32, v20;
	v22 =	vadd.s32 v17, v26;
	v26 =	vmul.u32 $0x32, v24;
	v19 =	vld.idx.msk [tilespmem:v23+s3+$0x0], $0xffff;
	[tilespmem:s1+$0xFFFFFFE0] =	vst v25  }
0x53: {  	v23 =	vadd.s32 v17, v28;
	v22 =	vbroadcast v22, $0x0;
	v24 =	vld.idx.msk [tilespmem:v21+s3+$0x0], $0xffff;
	[tilespmem:s1+$0xFFFFFFF0] =	vst v18;
	v18 =	vand.u32 $0x40, v27  }
.Ltmp1:
0x54: {  	v20 =	vadd.s32 v17, v20;
	v21 =	vbroadcast v23, $0x0;
	[tilespmem:s1+$0x0] =	vst v18;
	s1 =	smov.u32 s0;
	(pc) =	sbr.rel @p0 .LBB2_5-.Ltmp1, $4  }
0x55: {  	v23 =	vbroadcast v20, $0x0;
	v18 =	vadd.s32 v17, v26;
	v20 =	vadd.s32 v1, v22  }
0x56: {  	v25 =	vbroadcast v18, $0x0;
	v26 =	vshrl.u32 v29, $0x1;
	v18 =	vshll.u32 v29, $0x6  }
0x57: {  	v22 =	vadd.s32 v1, v23;
	v27 =	vshrl.u32 v30, $0x1;
	v28 =	vshll.u32 v30, $0x6;
	[tilespmem:s2+$0xFFFFFFF0] =	vst v26  }
0x58: {  	s9 =	sadd.s32 $0x40, s9;
	s0 =	sadd.s32 $0x40, s0;
	v21 =	vadd.s32 v1, v21;
	v23 =	vadd.s32 v1, v25;
	v25 =	vand.u32 $0x40, v28;
	s2 =	sadd.s32 $0x40, s2;
	[tilespmem:s6+$0xFFFFFFE0] =	vst v27  }
0x59: {  	_ =	sdelay $0x2  }
0x5a: {  	v17 =	vshrl.u32 v24, $0x1  }
0x5b: {  	v26 =	vshll.u32 v19, $0x6;
	[tilespmem:s6+$0x0] =	vst v17;
	v17 =	vshrl.u32 v19, $0x1;
	v19 =	vld.idx.msk [tilespmem:v20+s3+$0x0], $0xffff  }
0x5c: {  	[tilespmem:s1+$0xFFFFFFE0] =	vst v25;
	v20 =	vld.idx.msk [tilespmem:v22+s3+$0x0], $0xffff  }
0x5d: {  	[tilespmem:s6+$0x10] =	vst v17;
	v17 =	vand.u32 $0x40, v26  }
0x5e: {  	v18 =	vand.u32 $0x40, v18;
	[tilespmem:s1+$0x10] =	vst v17;
	v17 =	vld.idx.msk [tilespmem:v21+s3+$0x0], $0xffff;
	v21 =	vshll.u32 v24, $0x6  }
0x5f: {  	v22 =	vld.idx.msk [tilespmem:v23+s3+$0x0], $0xffff;
	[tilespmem:s1+$0xFFFFFFF0] =	vst v18;
	v18 =	vand.u32 $0x40, v21  }
0x60: {  	[tilespmem:s1+$0x0] =	vst v18;
	v18 =	vshrl.u32 v19, $0x1  }
0x61: {  	v21 =	vshrl.u32 v20, $0x1;
	v20 =	vshll.u32 v20, $0x6;
	[tilespmem:s2+$0xFFFFFFF0] =	vst v18  }
0x62: {  	[tilespmem:s2+$0xFFFFFFE0] =	vst v21;
	v20 =	vand.u32 $0x40, v20  }
0x63: {  	v18 =	vshrl.u32 v17, $0x1;
	[tilespmem:s0+$0xFFFFFFE0] =	vst v20  }
0x64: {  	v17 =	vshll.u32 v17, $0x6;
	[tilespmem:s2+$0x0] =	vst v18;
	v18 =	vshrl.u32 v22, $0x1  }
0x65: {  	v21 =	vshll.u32 v22, $0x6;
	v17 =	vand.u32 $0x40, v17;
	[tilespmem:s2+$0x10] =	vst v18  }
0x66: {  	v19 =	vshll.u32 v19, $0x6;
	v18 =	vand.u32 $0x40, v21;
	[tilespmem:s0+$0x0] =	vst v17  }
0x67: {  	[tilespmem:s0+$0x10] =	vst v18;
	v18 =	vand.u32 $0x40, v19  }
0x68: {  	s11 =	simm.s32 $0x100;
	s13 =	simm.s32 $0x6500;
	[tilespmem:s0+$0xFFFFFFF0] =	vst v18  }
0x69: {  	[tilespmem:s14], [sflag:$0x2] =	stream.indirect.gather [hbm4b:s4+s11], $0x80, s13, s11, $0xb8;
	[tilespmem:$0x1E800] =	vst v63  }
0x6a: {  	_ =	swait.ge [sflag:s15], $0x8000  }
0x6b: {  	p0 =	seq.s32 s24, $0x0;
	[sflag:s15] =	ssyncset.done $0x0  }
0x6c: {  	s0 =	simm.s32 @!p0 $0x3;
	[sflag:s15] =	ssyncadd.s32 $0xFFFF8000  }
0x6d: {  	_ =	swait.ge @!p0 [sflag:s0], $0x4000  }
0x6e: {  	[sflag:s0] =	ssyncset.done @!p0 $0x0  }
0x6f: {  	[sflag:s0] =	ssyncadd.s32 @!p0 $0xFFFFC000  }
0x70: {  	v32 =	vld [tilespmem:$0x6600]  }
0x71: {  	v31 =	vld [tilespmem:$0x6610]  }
0x72: {  	v30 =	vld [tilespmem:$0x6620]  }
0x73: {  	v29 =	vld [tilespmem:$0x6630]  }
0x74: {  	v28 =	vld [tilespmem:$0x6640]  }
0x75: {  	v27 =	vld [tilespmem:$0x6650]  }
0x76: {  	v26 =	vld [tilespmem:$0x6660]  }
0x77: {  	v25 =	vld [tilespmem:$0x6670]  }
0x78: {  	v24 =	vld [tilespmem:$0x6680]  }
0x79: {  	s0 =	simm.s32 $0x7;
	v23 =	vld [tilespmem:$0x6690]  }
0x7a: {  	s18 =	simm.s32 $0x1;
	v22 =	vld [tilespmem:$0x66A0];
	v17 =	vadd.s32 s0, v32  }
0x7b: {  	s21 =	simm.s32 $0x2;
	v21 =	vld [tilespmem:$0x66B0];
	v18 =	vadd.s32 s18, v32;
	v33 =	vadd.s32 v0, v17  }
0x7c: {  	s31 =	simm.s32 $0x3;
	v20 =	vld [tilespmem:$0x66C0];
	v34 =	vadd.s32 v0, v18;
	v17 =	vadd.s32 s21, v32  }
0x7d: {  	s29 =	simm.s32 $0x4;
	v19 =	vld [tilespmem:$0x66D0];
	v35 =	vadd.s32 v0, v17;
	v17 =	vadd.s32 s31, v32  }
0x7e: {  	s28 =	simm.s32 $0x5;
	v37 =	vadd.s32 s29, v32;
	v18 =	vld [tilespmem:$0x66E0];
	v36 =	vadd.s32 v0, v17  }
0x7f: {  	s26 =	simm.s32 $0x6;
	v38 =	vadd.s32 s28, v32;
	v37 =	vadd.s32 v0, v37;
	v17 =	vld [tilespmem:$0x66F0]  }
0x80: {  	s25 =	simm.s32 $0x0;
	v39 =	vadd.s32 s26, v32;
	v38 =	vadd.s32 v0, v38;
	v33 =	vld.idx.msk [tilespmem:v33+s12+$0x0], $0xffff  }
0x81: {  	v40 =	vadd.s32 s25, v32;
	v39 =	vadd.s32 v0, v39;
	v34 =	vld.idx.msk [tilespmem:v34+s12+$0x0], $0xffff  }
0x82: {  	v41 =	vadd.s32 s0, v31;
	v40 =	vadd.s32 v0, v40;
	v35 =	vld.idx.msk [tilespmem:v35+s12+$0x0], $0xffff  }
0x83: {  	v42 =	vadd.s32 s18, v31;
	v41 =	vadd.s32 v2, v41;
	v36 =	vld.idx.msk [tilespmem:v36+s12+$0x0], $0xffff  }
0x84: {  	v43 =	vadd.s32 s21, v31;
	v42 =	vadd.s32 v2, v42;
	v37 =	vld.idx.msk [tilespmem:v37+s12+$0x0], $0xffff  }
0x85: {  	v44 =	vadd.s32 s31, v31;
	v43 =	vadd.s32 v2, v43;
	v38 =	vld.idx.msk [tilespmem:v38+s12+$0x0], $0xffff;
	v33 =	vmul.f32 $8.000000000e+00, v33  }
0x86: {  	s8 =	simm.s32 $0x16C00;
	v45 =	vadd.s32 s29, v31;
	v44 =	vadd.s32 v2, v44;
	v39 =	vld.idx.msk [tilespmem:v39+s12+$0x0], $0xffff;
	v34 =	vmul.f32 $8.000000000e+00, v34  }
0x87: {  	v46 =	vadd.s32 s28, v31;
	v45 =	vadd.s32 v2, v45;
	v40 =	vld.idx.msk [tilespmem:v40+s12+$0x0], $0xffff;
	v35 =	vmul.f32 $8.000000000e+00, v35;
	[tilespmem:s8+$0xFFFFFF80] =	vst v33  }
0x88: {  	v49 =	vadd.s32 s26, v31;
	v63 =	vadd.s32 v2, v46;
	[tilespmem:s8+$0xFFFFFC80] =	vst v34;
	v62 =	vmul.f32 $8.000000000e+00, v36;
	v48 =	vld.idx.msk [tilespmem:v41+s12+$0x0], $0xffff  }
0x89: {  	v50 =	vadd.s32 s25, v31;
	v52 =	vadd.s32 v2, v49;
	v51 =	vmul.f32 $8.000000000e+00, v37;
	v42 =	vld.idx.msk [tilespmem:v42+s12+$0x0], $0xffff;
	[tilespmem:s8+$0xFFFFFD00] =	vst v35  }
0x8a: {  	v56 =	vadd.s32 s0, v30;
	v55 =	vadd.s32 v2, v50;
	v54 =	vmul.f32 $8.000000000e+00, v38;
	v53 =	vld.idx.msk [tilespmem:v43+s12+$0x0], $0xffff;
	[tilespmem:s8+$0xFFFFFD80] =	vst v62  }
0x8b: {  	v57 =	vadd.s32 s18, v30;
	v59 =	vadd.s32 v3, v56;
	v58 =	vmul.f32 $8.000000000e+00, v39;
	[tilespmem:s8+$0xFFFFFE00] =	vst v51;
	v44 =	vld.idx.msk [tilespmem:v44+s12+$0x0], $0xffff  }
0x8c: {  	v60 =	vadd.s32 s21, v30;
	v61 =	vmul.f32 $8.000000000e+00, v40;
	[tilespmem:s8+$0xFFFFFE80] =	vst v54;
	v45 =	vld.idx.msk [tilespmem:v45+s12+$0x0], $0xffff;
	v62 =	vadd.s32 v3, v57  }
0x8d: {  	[tilespmem:s8+$0xFFFFFF00] =	vst v58;
	v34 =	vld.idx.msk [tilespmem:v63+s12+$0x0], $0xffff;
	v63 =	vadd.s32 s31, v30;
	v43 =	vadd.s32 v3, v60;
	v48 =	vmul.f32 $8.000000000e+00, v48  }
0x8e: {  	[tilespmem:s8+$0xFFFFFC00] =	vst v61;
	v51 =	vadd.s32 s29, v30;
	v37 =	vld.idx.msk [tilespmem:v52+s12+$0x0], $0xffff;
	v50 =	vadd.s32 v3, v63;
	v49 =	vmul.f32 $8.000000000e+00, v42  }
0x8f: {  	v38 =	vld.idx.msk [tilespmem:v55+s12+$0x0], $0xffff;
	v52 =	vadd.s32 s28, v30;
	v42 =	vadd.s32 v3, v51;
	v41 =	vmul.f32 $8.000000000e+00, v53;
	[tilespmem:s8+$0xFFFFFF90] =	vst v48  }
0x90: {  	v55 =	vadd.s32 s26, v30;
	v54 =	vadd.s32 v3, v52;
	[tilespmem:s8+$0xFFFFFC90] =	vst v49;
	v53 =	vmul.f32 $8.000000000e+00, v44;
	v39 =	vld.idx.msk [tilespmem:v59+s12+$0x0], $0xffff  }
0x91: {  	v57 =	vadd.s32 s25, v30;
	v56 =	vmul.f32 $8.000000000e+00, v45;
	v44 =	vadd.s32 v3, v55;
	v40 =	vld.idx.msk [tilespmem:v62+s12+$0x0], $0xffff;
	[tilespmem:s8+$0xFFFFFD10] =	vst v41  }
0x92: {  	v60 =	vadd.s32 s0, v29;
	v58 =	vmul.f32 $8.000000000e+00, v34;
	v59 =	vadd.s32 v3, v57;
	v43 =	vld.idx.msk [tilespmem:v43+s12+$0x0], $0xffff;
	[tilespmem:s8+$0xFFFFFD90] =	vst v53  }
0x93: {  	v61 =	vadd.s32 s18, v29;
	v37 =	vmul.f32 $8.000000000e+00, v37;
	v45 =	vadd.s32 v4, v60;
	[tilespmem:s8+$0xFFFFFE10] =	vst v56;
	v36 =	vld.idx.msk [tilespmem:v50+s12+$0x0], $0xffff  }
0x94: {  	v47 =	vadd.s32 s21, v29;
	v63 =	vadd.s32 v4, v61;
	[tilespmem:s8+$0xFFFFFE90] =	vst v58;
	v62 =	vmul.f32 $8.000000000e+00, v38;
	v42 =	vld.idx.msk [tilespmem:v42+s12+$0x0], $0xffff  }
0x95: {  	v48 =	vadd.s32 s31, v29;
	[tilespmem:s8+$0xFFFFFF10] =	vst v37;
	v35 =	vld.idx.msk [tilespmem:v54+s12+$0x0], $0xffff;
	v41 =	vadd.s32 v4, v47;
	v49 =	vmul.f32 $8.000000000e+00, v39  }
0x96: {  	v52 =	vadd.s32 s29, v29;
	v51 =	vadd.s32 v4, v48;
	[tilespmem:s8+$0xFFFFFC10] =	vst v62;
	v44 =	vld.idx.msk [tilespmem:v44+s12+$0x0], $0xffff;
	v50 =	vmul.f32 $8.000000000e+00, v40  }
0x97: {  	v53 =	vadd.s32 s28, v29;
	v34 =	vld.idx.msk [tilespmem:v59+s12+$0x0], $0xffff;
	v40 =	vadd.s32 v4, v52;
	v43 =	vmul.f32 $8.000000000e+00, v43;
	[tilespmem:s8+$0xFFFFFFA0] =	vst v49  }
0x98: {  	v56 =	vadd.s32 s26, v29;
	v55 =	vadd.s32 v4, v53;
	[tilespmem:s8+$0xFFFFFCA0] =	vst v50;
	v54 =	vmul.f32 $8.000000000e+00, v36;
	v37 =	vld.idx.msk [tilespmem:v45+s12+$0x0], $0xffff  }
0x99: {  	v57 =	vadd.s32 s25, v29;
	v42 =	vmul.f32 $8.000000000e+00, v42;
	v38 =	vld.idx.msk [tilespmem:v63+s12+$0x0], $0xffff;
	[tilespmem:s8+$0xFFFFFD20] =	vst v43;
	v45 =	vadd.s32 v4, v56  }
0x9a: {  	v60 =	vadd.s32 s0, v28;
	v58 =	vmul.f32 $8.000000000e+00, v35;
	v59 =	vadd.s32 v4, v57;
	v41 =	vld.idx.msk [tilespmem:v41+s12+$0x0], $0xffff;
	[tilespmem:s8+$0xFFFFFDA0] =	vst v54  }
0x9b: {  	v61 =	vadd.s32 s18, v28;
	v43 =	vadd.s32 v5, v60;
	[tilespmem:s8+$0xFFFFFE20] =	vst v42;
	v44 =	vmul.f32 $8.000000000e+00, v44;
	v39 =	vld.idx.msk [tilespmem:v51+s12+$0x0], $0xffff  }
0x9c: {  	v47 =	vadd.s32 s21, v28;
	[tilespmem:s8+$0xFFFFFEA0] =	vst v58;
	v63 =	vadd.s32 v5, v61;
	v40 =	vld.idx.msk [tilespmem:v40+s12+$0x0], $0xffff;
	v62 =	vmul.f32 $8.000000000e+00, v34  }
0x9d: {  	v48 =	vadd.s32 s31, v28;
	v36 =	vld.idx.msk [tilespmem:v55+s12+$0x0], $0xffff;
	v42 =	vadd.s32 v5, v47;
	[tilespmem:s8+$0xFFFFFF20] =	vst v44;
	v37 =	vmul.f32 $8.000000000e+00, v37  }
0x9e: {  	v50 =	vadd.s32 v5, v48;
	v51 =	vadd.s32 s29, v28;
	[tilespmem:s8+$0xFFFFFC20] =	vst v62;
	v49 =	vmul.f32 $8.000000000e+00, v38;
	v45 =	vld.idx.msk [tilespmem:v45+s12+$0x0], $0xffff  }
0x9f: {  	v52 =	vadd.s32 s28, v28;
	v44 =	vadd.s32 v5, v51;
	v35 =	vld.idx.msk [tilespmem:v59+s12+$0x0], $0xffff;
	v41 =	vmul.f32 $8.000000000e+00, v41;
	[tilespmem:s8+$0xFFFFFFB0] =	vst v37  }
0xa0: {  	v56 =	vadd.s32 s26, v28;
	v54 =	vadd.s32 v5, v52;
	[tilespmem:s8+$0xFFFFFCB0] =	vst v49;
	v53 =	vmul.f32 $8.000000000e+00, v39;
	v55 =	vld.idx.msk [tilespmem:v43+s12+$0x0], $0xffff  }
0xa1: {  	v57 =	vadd.s32 s25, v28;
	v40 =	vmul.f32 $8.000000000e+00, v40;
	v34 =	vld.idx.msk [tilespmem:v63+s12+$0x0], $0xffff;
	[tilespmem:s8+$0xFFFFFD30] =	vst v41;
	v43 =	vadd.s32 v5, v56  }
0xa2: {  	v60 =	vadd.s32 s0, v27;
	v58 =	vmul.f32 $8.000000000e+00, v36;
	v59 =	vadd.s32 v5, v57;
	v42 =	vld.idx.msk [tilespmem:v42+s12+$0x0], $0xffff;
	[tilespmem:s8+$0xFFFFFDB0] =	vst v53  }
0xa3: {  	v61 =	vadd.s32 s18, v27;
	v41 =	vadd.s32 v6, v60;
	[tilespmem:s8+$0xFFFFFE30] =	vst v40;
	v38 =	vld.idx.msk [tilespmem:v50+s12+$0x0], $0xffff;
	v45 =	vmul.f32 $8.000000000e+00, v45  }
0xa4: {  	v48 =	vadd.s32 s21, v27;
	[tilespmem:s8+$0xFFFFFEB0] =	vst v58;
	v63 =	vadd.s32 v6, v61;
	v44 =	vld.idx.msk [tilespmem:v44+s12+$0x0], $0xffff;
	v62 =	vmul.f32 $8.000000000e+00, v35  }
0xa5: {  	v49 =	vadd.s32 s31, v27;
	v37 =	vld.idx.msk [tilespmem:v54+s12+$0x0], $0xffff;
	v40 =	vadd.s32 v6, v48;
	[tilespmem:s8+$0xFFFFFF30] =	vst v45;
	v39 =	vmul.f32 $8.000000000e+00, v55  }
0xa6: {  	v52 =	vadd.s32 s29, v27;
	v51 =	vadd.s32 v6, v49;
	[tilespmem:s8+$0xFFFFFC30] =	vst v62;
	v50 =	vmul.f32 $8.000000000e+00, v34;
	v43 =	vld.idx.msk [tilespmem:v43+s12+$0x0], $0xffff  }
0xa7: {  	v53 =	vadd.s32 s28, v27;
	v45 =	vadd.s32 v6, v52;
	v36 =	vld.idx.msk [tilespmem:v59+s12+$0x0], $0xffff;
	v42 =	vmul.f32 $8.000000000e+00, v42;
	[tilespmem:s8+$0xFFFFFFC0] =	vst v39  }
0xa8: {  	v56 =	vadd.s32 s26, v27;
	v55 =	vadd.s32 v6, v53;
	[tilespmem:s8+$0xFFFFFCC0] =	vst v50;
	v54 =	vmul.f32 $8.000000000e+00, v38;
	v39 =	vld.idx.msk [tilespmem:v41+s12+$0x0], $0xffff  }
0xa9: {  	v58 =	vadd.s32 s25, v27;
	v57 =	vmul.f32 $8.000000000e+00, v44;
	v35 =	vld.idx.msk [tilespmem:v63+s12+$0x0], $0xffff;
	[tilespmem:s8+$0xFFFFFD40] =	vst v42;
	v41 =	vadd.s32 v6, v56  }
0xaa: {  	v60 =	vadd.s32 v6, v58;
	v61 =	vadd.s32 s0, v26;
	v59 =	vmul.f32 $8.000000000e+00, v37;
	v40 =	vld.idx.msk [tilespmem:v40+s12+$0x0], $0xffff;
	[tilespmem:s8+$0xFFFFFDC0] =	vst v54  }
0xab: {  	v62 =	vadd.s32 s18, v26;
	v44 =	vadd.s32 v7, v61;
	[tilespmem:s8+$0xFFFFFE40] =	vst v57;
	v34 =	vld.idx.msk [tilespmem:v51+s12+$0x0], $0xffff;
	v43 =	vmul.f32 $8.000000000e+00, v43  }
0xac: {  	v49 =	vadd.s32 s21, v26;
	v48 =	vadd.s32 v7, v62;
	[tilespmem:s8+$0xFFFFFEC0] =	vst v59;
	v45 =	vld.idx.msk [tilespmem:v45+s12+$0x0], $0xffff;
	v63 =	vmul.f32 $8.000000000e+00, v36  }
0xad: {  	v50 =	vadd.s32 s31, v26;
	v42 =	vadd.s32 v7, v49;
	v38 =	vld.idx.msk [tilespmem:v55+s12+$0x0], $0xffff;
	[tilespmem:s8+$0xFFFFFF40] =	vst v43;
	v39 =	vmul.f32 $8.000000000e+00, v39  }
0xae: {  	v53 =	vadd.s32 s29, v26;
	v52 =	vadd.s32 v7, v50;
	[tilespmem:s8+$0xFFFFFC40] =	vst v63;
	v51 =	vmul.f32 $8.000000000e+00, v35;
	v41 =	vld.idx.msk [tilespmem:v41+s12+$0x0], $0xffff  }
0xaf: {  	v54 =	vadd.s32 s28, v26;
	v43 =	vadd.s32 v7, v53;
	v37 =	vld.idx.msk [tilespmem:v60+s12+$0x0], $0xffff;
	v40 =	vmul.f32 $8.000000000e+00, v40;
	[tilespmem:s8+$0xFFFFFFD0] =	vst v39  }
0xb0: {  	v57 =	vadd.s32 s26, v26;
	v56 =	vadd.s32 v7, v54;
	[tilespmem:s8+$0xFFFFFCD0] =	vst v51;
	v55 =	vmul.f32 $8.000000000e+00, v34;
	v39 =	vld.idx.msk [tilespmem:v44+s12+$0x0], $0xffff  }
0xb1: {  	v59 =	vadd.s32 s25, v26;
	v58 =	vmul.f32 $8.000000000e+00, v45;
	v36 =	vld.idx.msk [tilespmem:v48+s12+$0x0], $0xffff;
	[tilespmem:s8+$0xFFFFFD50] =	vst v40;
	v44 =	vadd.s32 v7, v57  }
0xb2: {  	v62 =	vadd.s32 s0, v25;
	v61 =	vadd.s32 v7, v59;
	v60 =	vmul.f32 $8.000000000e+00, v38;
	v42 =	vld.idx.msk [tilespmem:v42+s12+$0x0], $0xffff;
	[tilespmem:s8+$0xFFFFFDD0] =	vst v55  }
0xb3: {  	v63 =	vadd.s32 s18, v25;
	v45 =	vadd.s32 v8, v62;
	[tilespmem:s8+$0xFFFFFE50] =	vst v58;
	v35 =	vld.idx.msk [tilespmem:v52+s12+$0x0], $0xffff;
	v41 =	vmul.f32 $8.000000000e+00, v41  }
0xb4: {  	v50 =	vadd.s32 s21, v25;
	v49 =	vadd.s32 v8, v63;
	[tilespmem:s8+$0xFFFFFED0] =	vst v60;
	v43 =	vld.idx.msk [tilespmem:v43+s12+$0x0], $0xffff;
	v48 =	vmul.f32 $8.000000000e+00, v37  }
0xb5: {  	v51 =	vadd.s32 s31, v25;
	v40 =	vadd.s32 v8, v50;
	v34 =	vld.idx.msk [tilespmem:v56+s12+$0x0], $0xffff;
	[tilespmem:s8+$0xFFFFFF50] =	vst v41;
	v39 =	vmul.f32 $8.000000000e+00, v39  }
0xb6: {  	v54 =	vadd.s32 s29, v25;
	v53 =	vadd.s32 v8, v51;
	[tilespmem:s8+$0xFFFFFC50] =	vst v48;
	v52 =	vmul.f32 $8.000000000e+00, v36;
	v44 =	vld.idx.msk [tilespmem:v44+s12+$0x0], $0xffff  }
0xb7: {  	s30 =	simm.s32 $0x8;
	v55 =	vadd.s32 s28, v25;
	v41 =	vadd.s32 v8, v54;
	v38 =	vld.idx.msk [tilespmem:v61+s12+$0x0], $0xffff;
	v42 =	vmul.f32 $8.000000000e+00, v42;
	[tilespmem:s8+$0xFFFFFFE0] =	vst v39  }
0xb8: {  	v56 =	vadd.s32 s30, v32;
	v58 =	vadd.s32 v8, v55;
	[tilespmem:s8+$0xFFFFFCE0] =	vst v52;
	v57 =	vmul.f32 $8.000000000e+00, v35;
	v45 =	vld.idx.msk [tilespmem:v45+s12+$0x0], $0xffff  }
0xb9: {  	v60 =	vadd.s32 s26, v25;
	v39 =	vadd.s32 v0, v56;
	v59 =	vmul.f32 $8.000000000e+00, v43;
	v37 =	vld.idx.msk [tilespmem:v49+s12+$0x0], $0xffff;
	[tilespmem:s8+$0xFFFFFD60] =	vst v42  }
0xba: {  	v63 =	vadd.s32 v8, v60;
	v61 =	vadd.s32 s25, v25;
	v62 =	vmul.f32 $8.000000000e+00, v34;
	v40 =	vld.idx.msk [tilespmem:v40+s12+$0x0], $0xffff;
	[tilespmem:s8+$0xFFFFFDE0] =	vst v57  }
0xbb: {  	v48 =	vadd.s32 v8, v61;
	v49 =	vadd.s32 s0, v24;
	[tilespmem:s8+$0xFFFFFE60] =	vst v59;
	v36 =	vld.idx.msk [tilespmem:v53+s12+$0x0], $0xffff  }
0xbc: {  	v50 =	vadd.s32 s18, v24;
	[tilespmem:s8+$0xFFFFFEE0] =	vst v62;
	v42 =	vadd.s32 v9, v49;
	v41 =	vld.idx.msk [tilespmem:v41+s12+$0x0], $0xffff;
	v44 =	vmul.f32 $8.000000000e+00, v44  }
0xbd: {  	v47 =	vadd.s32 s21, v24;
	v46 =	vadd.s32 v9, v50;
	v38 =	vmul.f32 $8.000000000e+00, v38;
	v35 =	vld.idx.msk [tilespmem:v58+s12+$0x0], $0xffff  }
0xbe: {  	v51 =	vadd.s32 v9, v47;
	v52 =	vadd.s32 s31, v24;
	v33 =	vld.idx.msk [tilespmem:v39+s12+$0x0], $0xffff;
	[tilespmem:s8+$0xFFFFFF60] =	vst v44;
	v53 =	vmul.f32 $8.000000000e+00, v45  }
0xbf: {  	v55 =	vadd.s32 s29, v24;
	v54 =	vadd.s32 v9, v52;
	[tilespmem:s8+$0xFFFFFC60] =	vst v38;
	v37 =	vmul.f32 $8.000000000e+00, v37;
	v34 =	vld.idx.msk [tilespmem:v63+s12+$0x0], $0xffff  }
0xc0: {  	s1 =	simm.s32 $0x9;
	v56 =	vadd.s32 s28, v24;
	v43 =	vld.idx.msk [tilespmem:v48+s12+$0x0], $0xffff;
	v45 =	vadd.s32 v9, v55;
	v40 =	vmul.f32 $8.000000000e+00, v40;
	[tilespmem:s8+$0xFFFFFFF0] =	vst v53  }
0xc1: {  	v57 =	vadd.s32 s1, v32;
	v58 =	vadd.s32 v9, v56;
	[tilespmem:s8+$0xFFFFFCF0] =	vst v37;
	v36 =	vmul.f32 $8.000000000e+00, v36;
	v42 =	vld.idx.msk [tilespmem:v42+s12+$0x0], $0xffff  }
0xc2: {  	v60 =	vadd.s32 s26, v24;
	v44 =	vadd.s32 v0, v57;
	v59 =	vmul.f32 $8.000000000e+00, v41;
	v46 =	vld.idx.msk [tilespmem:v46+s12+$0x0], $0xffff;
	[tilespmem:s8+$0xFFFFFD70] =	vst v40  }
0xc3: {  	v61 =	vadd.s32 s25, v24;
	v62 =	vadd.s32 v9, v60;
	v35 =	vmul.f32 $8.000000000e+00, v35;
	v39 =	vld.idx.msk [tilespmem:v51+s12+$0x0], $0xffff;
	[tilespmem:s8+$0xFFFFFDF0] =	vst v36  }
0xc4: {  	v50 =	vadd.s32 s0, v23;
	v63 =	vadd.s32 v9, v61;
	[tilespmem:s8+$0xFFFFFE70] =	vst v59;
	v38 =	vld.idx.msk [tilespmem:v54+s12+$0x0], $0xffff  }
0xc5: {  	v40 =	vadd.s32 v10, v50;
	v51 =	vadd.s32 s18, v23;
	[tilespmem:s8+$0xFFFFFEF0] =	vst v35;
	v45 =	vld.idx.msk [tilespmem:v45+s12+$0x0], $0xffff;
	v52 =	vmul.f32 $8.000000000e+00, v34  }
0xc6: {  	v48 =	vadd.s32 s21, v23;
	v43 =	vmul.f32 $8.000000000e+00, v43;
	v47 =	vadd.s32 v10, v51;
	v37 =	vld.idx.msk [tilespmem:v58+s12+$0x0], $0xffff  }
0xc7: {  	v57 =	vadd.s32 s31, v23;
	v53 =	vadd.s32 v10, v48;
	v34 =	vld.idx.msk [tilespmem:v44+s12+$0x0], $0xffff;
	[tilespmem:s8+$0xFFFFFF70] =	vst v52;
	v58 =	vmul.f32 $8.000000000e+00, v42  }
0xc8: {  	v60 =	vadd.s32 v10, v57;
	v54 =	vadd.s32 s29, v23;
	[tilespmem:s8+$0xFFFFFC70] =	vst v43;
	v59 =	vmul.f32 $8.000000000e+00, v46;
	v36 =	vld.idx.msk [tilespmem:v62+s12+$0x0], $0xffff  }
0xc9: {  	s23 =	simm.s32 $0xA;
	v55 =	vadd.s32 s28, v23;
	v41 =	vld.idx.msk [tilespmem:v63+s12+$0x0], $0xffff;
	v46 =	vadd.s32 v10, v54;
	v39 =	vmul.f32 $8.000000000e+00, v39;
	[tilespmem:s8+$0x380] =	vst v58  }
0xca: {  	v56 =	vadd.s32 s23, v32;
	v57 =	vadd.s32 v10, v55;
	[tilespmem:s8+$0x80] =	vst v59;
	v38 =	vmul.f32 $8.000000000e+00, v38;
	v40 =	vld.idx.msk [tilespmem:v40+s12+$0x0], $0xffff  }
0xcb: {  	v35 =	vadd.s32 v0, v56;
	v62 =	vadd.s32 s26, v23;
	v61 =	vmul.f32 $8.000000000e+00, v45;
	v47 =	vld.idx.msk [tilespmem:v47+s12+$0x0], $0xffff;
	[tilespmem:s8+$0x100] =	vst v39  }
0xcc: {  	v63 =	vadd.s32 s25, v23;
	v52 =	vadd.s32 v10, v62;
	v37 =	vmul.f32 $8.000000000e+00, v37;
	v44 =	vld.idx.msk [tilespmem:v53+s12+$0x0], $0xffff;
	[tilespmem:s8+$0x180] =	vst v38  }
0xcd: {  	v58 =	vadd.s32 s0, v22;
	v53 =	vadd.s32 v10, v63;
	[tilespmem:s8+$0x200] =	vst v61;
	v43 =	vld.idx.msk [tilespmem:v60+s12+$0x0], $0xffff  }
0xce: {  	v59 =	vadd.s32 s18, v22;
	v39 =	vadd.s32 v11, v58;
	[tilespmem:s8+$0x280] =	vst v37;
	v46 =	vld.idx.msk [tilespmem:v46+s12+$0x0], $0xffff;
	v60 =	vmul.f32 $8.000000000e+00, v36  }
0xcf: {  	v49 =	vadd.s32 s21, v22;
	v48 =	vadd.s32 v11, v59;
	v41 =	vmul.f32 $8.000000000e+00, v41;
	v42 =	vld.idx.msk [tilespmem:v57+s12+$0x0], $0xffff  }
0xd0: {  	v54 =	vadd.s32 s31, v22;
	v61 =	vadd.s32 v11, v49;
	v36 =	vld.idx.msk [tilespmem:v35+s12+$0x0], $0xffff;
	[tilespmem:s8+$0x300] =	vst v60;
	v55 =	vmul.f32 $8.000000000e+00, v40  }
0xd1: {  	s9 =	simm.s32 $0xB;
	v62 =	vadd.s32 s29, v22;
	v57 =	vadd.s32 v11, v54;
	[tilespmem:s8+$0x0] =	vst v41;
	v56 =	vmul.f32 $8.000000000e+00, v47;
	v38 =	vld.idx.msk [tilespmem:v52+s12+$0x0], $0xffff  }
0xd2: {  	v47 =	vadd.s32 v11, v62;
	v52 =	vadd.s32 s9, v32;
	v45 =	vld.idx.msk [tilespmem:v53+s12+$0x0], $0xffff;
	v44 =	vmul.f32 $8.000000000e+00, v44;
	[tilespmem:s8+$0x390] =	vst v55  }
0xd3: {  	v63 =	vadd.s32 s28, v22;
	v37 =	vadd.s32 v0, v52;
	[tilespmem:s8+$0x90] =	vst v56;
	v53 =	vmul.f32 $8.000000000e+00, v43;
	v39 =	vld.idx.msk [tilespmem:v39+s12+$0x0], $0xffff  }
0xd4: {  	v59 =	vadd.s32 s26, v22;
	v54 =	vadd.s32 v11, v63;
	v58 =	vmul.f32 $8.000000000e+00, v46;
	v48 =	vld.idx.msk [tilespmem:v48+s12+$0x0], $0xffff;
	[tilespmem:s8+$0x110] =	vst v44  }
0xd5: {  	v51 =	vadd.s32 s31, v21;
	v60 =	vadd.s32 s25, v22;
	v62 =	vadd.s32 v11, v59;
	v50 =	vld.idx.msk [tilespmem:v61+s12+$0x0], $0xffff;
	[tilespmem:s8+$0x190] =	vst v53  }
0xd6: {  	v63 =	vadd.s32 v11, v60;
	v55 =	vadd.s32 s0, v21;
	v61 =	vmul.f32 $8.000000000e+00, v42;
	[tilespmem:s8+$0x210] =	vst v58;
	v41 =	vld.idx.msk [tilespmem:v57+s12+$0x0], $0xffff  }
0xd7: {  	v56 =	vadd.s32 s18, v21;
	v40 =	vadd.s32 v12, v55;
	v47 =	vld.idx.msk [tilespmem:v47+s12+$0x0], $0xffff;
	v38 =	vmul.f32 $8.000000000e+00, v38  }
0xd8: {  	s22 =	simm.s32 $0xC;
	v58 =	vadd.s32 v12, v56;
	v53 =	vadd.s32 s21, v21;
	[tilespmem:s8+$0x290] =	vst v61;
	v57 =	vmul.f32 $8.000000000e+00, v45;
	v37 =	vld.idx.msk [tilespmem:v37+s12+$0x0], $0xffff  }
0xd9: {  	v49 =	vadd.s32 v12, v53;
	v61 =	vadd.s32 s22, v32;
	v43 =	vld.idx.msk [tilespmem:v54+s12+$0x0], $0xffff;
	[tilespmem:s8+$0x310] =	vst v38;
	v54 =	vmul.f32 $8.000000000e+00, v39  }
0xda: {  	v35 =	vadd.s32 s25, v18;
	v38 =	vadd.s32 v0, v61;
	[tilespmem:s8+$0x10] =	vst v57;
	v55 =	vmul.f32 $8.000000000e+00, v48;
	v42 =	vld.idx.msk [tilespmem:v62+s12+$0x0], $0xffff  }
0xdb: {  	v59 =	vadd.s32 s29, v21;
	v56 =	vadd.s32 v12, v51;
	v46 =	vld.idx.msk [tilespmem:v63+s12+$0x0], $0xffff;
	v50 =	vmul.f32 $8.000000000e+00, v50;
	[tilespmem:s8+$0x3A0] =	vst v54  }
0xdc: {  	v60 =	vadd.s32 s28, v21;
	v52 =	vadd.s32 s25, v19;
	v48 =	vadd.s32 v12, v59;
	[tilespmem:s8+$0xA0] =	vst v55;
	v51 =	vld.idx.msk [tilespmem:v40+s12+$0x0], $0xffff  }
0xdd: {  	v63 =	vadd.s32 v12, v60;
	v62 =	vmul.f32 $8.000000000e+00, v41;
	v45 =	vld.idx.msk [tilespmem:v58+s12+$0x0], $0xffff;
	[tilespmem:s8+$0x120] =	vst v50;
	v58 =	vadd.s32 s26, v21  }
0xde: {  	v59 =	vadd.s32 s25, v21;
	v57 =	vmul.f32 $8.000000000e+00, v47;
	v49 =	vld.idx.msk [tilespmem:v49+s12+$0x0], $0xffff;
	v61 =	vadd.s32 v12, v58  }
0xdf: {  	v55 =	vadd.s32 s0, v20;
	[tilespmem:s8+$0x1A0] =	vst v62;
	v60 =	vmul.f32 $8.000000000e+00, v43;
	v62 =	vadd.s32 v12, v59;
	v40 =	vld.idx.msk [tilespmem:v38+s12+$0x0], $0xffff  }
0xe0: {  	[tilespmem:s8+$0x220] =	vst v57;
	v58 =	vadd.s32 v13, v55;
	v44 =	vld.idx.msk [tilespmem:v56+s12+$0x0], $0xffff;
	v56 =	vadd.s32 s18, v20;
	v57 =	vmul.f32 $8.000000000e+00, v42  }
0xe1: {  	v53 =	vadd.s32 s21, v20;
	v48 =	vld.idx.msk [tilespmem:v48+s12+$0x0], $0xffff;
	[tilespmem:s8+$0x2A0] =	vst v60;
	v46 =	vmul.f32 $8.000000000e+00, v46;
	v50 =	vadd.s32 v13, v56  }
0xe2: {  	v38 =	vadd.s32 v13, v53;
	v41 =	vld.idx.msk [tilespmem:v63+s12+$0x0], $0xffff;
	v63 =	vadd.s32 s31, v20;
	[tilespmem:s8+$0x320] =	vst v57;
	v56 =	vmul.f32 $8.000000000e+00, v51  }
0xe3: {  	v59 =	vadd.s32 s29, v20;
	[tilespmem:s8+$0x20] =	vst v46;
	v45 =	vmul.f32 $8.000000000e+00, v45;
	v57 =	vadd.s32 v13, v63;
	v43 =	vld.idx.msk [tilespmem:v61+s12+$0x0], $0xffff  }
0xe4: {  	s11 =	simm.s32 $0xD;
	v60 =	vadd.s32 s28, v20;
	v51 =	vadd.s32 v13, v59;
	v47 =	vld.idx.msk [tilespmem:v62+s12+$0x0], $0xffff;
	v49 =	vmul.f32 $8.000000000e+00, v49;
	[tilespmem:s8+$0x3B0] =	vst v56  }
0xe5: {  	v61 =	vadd.s32 s11, v32;
	v62 =	vadd.s32 v13, v60;
	[tilespmem:s8+$0xB0] =	vst v45;
	v44 =	vmul.f32 $8.000000000e+00, v44;
	v63 =	vld.idx.msk [tilespmem:v58+s12+$0x0], $0xffff  }
0xe6: {  	v39 =	vadd.s32 v0, v61;
	v48 =	vmul.f32 $8.000000000e+00, v48;
	v50 =	vld.idx.msk [tilespmem:v50+s12+$0x0], $0xffff;
	[tilespmem:s8+$0x130] =	vst v49;
	v58 =	vadd.s32 s26, v20  }
0xe7: {  	v59 =	vadd.s32 s25, v20;
	v38 =	vld.idx.msk [tilespmem:v38+s12+$0x0], $0xffff;
	[tilespmem:s8+$0x1B0] =	vst v44;
	v41 =	vmul.f32 $8.000000000e+00, v41;
	v44 =	vadd.s32 v13, v58  }
0xe8: {  	v54 =	vadd.s32 s18, v19;
	v60 =	vadd.s32 s0, v19;
	v49 =	vadd.s32 v13, v59;
	[tilespmem:s8+$0x230] =	vst v48;
	v46 =	vld.idx.msk [tilespmem:v57+s12+$0x0], $0xffff  }
0xe9: {  	v54 =	vadd.s32 v14, v54;
	v48 =	vadd.s32 v14, v60;
	v51 =	vld.idx.msk [tilespmem:v51+s12+$0x0], $0xffff;
	[tilespmem:s8+$0x2B0] =	vst v41;
	v61 =	vmul.f32 $8.000000000e+00, v43  }
0xea: {  	v55 =	vadd.s32 s21, v19;
	v42 =	vadd.s32 s30, v31;
	v47 =	vmul.f32 $8.000000000e+00, v47;
	v56 =	vld.idx.msk [tilespmem:v62+s12+$0x0], $0xffff  }
0xeb: {  	v55 =	vadd.s32 v14, v55;
	v43 =	vld.idx.msk [tilespmem:v39+s12+$0x0], $0xffff;
	v62 =	vadd.s32 s31, v19;
	[tilespmem:s8+$0x330] =	vst v61;
	v63 =	vmul.f32 $8.000000000e+00, v63  }
0xec: {  	[tilespmem:s8+$0x30] =	vst v47;
	v60 =	vmul.f32 $8.000000000e+00, v50;
	v53 =	vadd.s32 v14, v62;
	v61 =	vadd.s32 s29, v19;
	v57 =	vld.idx.msk [tilespmem:v44+s12+$0x0], $0xffff  }
0xed: {  	s13 =	simm.s32 $0xE;
	v62 =	vadd.s32 s28, v19;
	v58 =	vld.idx.msk [tilespmem:v49+s12+$0x0], $0xffff;
	v38 =	vmul.f32 $8.000000000e+00, v38;
	v59 =	vadd.s32 v14, v61;
	[tilespmem:s8+$0x3C0] =	vst v63  }
0xee: {  	v41 =	vadd.s32 s13, v32;
	[tilespmem:s8+$0xC0] =	vst v60;
	v49 =	vmul.f32 $8.000000000e+00, v46;
	v60 =	vadd.s32 v14, v62;
	v46 =	vld.idx.msk [tilespmem:v48+s12+$0x0], $0xffff  }
0xef: {  	v44 =	vadd.s32 v0, v41;
	v63 =	vmul.f32 $8.000000000e+00, v51;
	v51 =	vadd.s32 s26, v19;
	v45 =	vld.idx.msk [tilespmem:v54+s12+$0x0], $0xffff;
	[tilespmem:s8+$0x140] =	vst v38  }
0xf0: {  	v39 =	vadd.s32 s18, v17;
	v50 =	vadd.s32 v14, v51;
	v47 =	vld.idx.msk [tilespmem:v55+s12+$0x0], $0xffff;
	[tilespmem:s8+$0x1C0] =	vst v49;
	v61 =	vmul.f32 $8.000000000e+00, v56  }
0xf1: {  	v62 =	vadd.s32 s0, v18;
	v51 =	vadd.s32 v14, v52;
	v38 =	vadd.s32 s21, v17;
	[tilespmem:s8+$0x240] =	vst v63;
	v49 =	vld.idx.msk [tilespmem:v53+s12+$0x0], $0xffff  }
0xf2: {  	v63 =	vadd.s32 s18, v18;
	v53 =	vadd.s32 v15, v62;
	v48 =	vld.idx.msk [tilespmem:v59+s12+$0x0], $0xffff;
	[tilespmem:s8+$0x2C0] =	vst v61;
	v55 =	vmul.f32 $8.000000000e+00, v57  }
0xf3: {  	s10 =	simm.s32 $0xF;
	s6 =	simm.s32 $0x16C00;
	s18 =	simm.s32 $0x10;
	v54 =	vadd.s32 v15, v63;
	v56 =	vmul.f32 $8.000000000e+00, v58;
	v57 =	vadd.s32 s21, v18;
	v52 =	vld.idx.msk [tilespmem:v60+s12+$0x0], $0xffff  }
.LBB2_7:
0xf4: {  	p1 =	slt.u32 s18, $0x38;
	v44 =	vld.idx.msk [tilespmem:v44+s12+$0x0], $0xffff;
	v41 =	vadd.s32 s10, v32;
	v57 =	vadd.s32 v15, v57;
	[tilespmem:s8+$0x340] =	vst v55;
	v46 =	vmul.f32 $8.000000000e+00, v46;
	s21 =	smov.u32 s23  }
0xf5: {  	v45 =	vmul.f32 $8.000000000e+00, v45;
	v55 =	vadd.s32 s31, v18;
	v41 =	vadd.s32 v0, v41;
	[tilespmem:s8+$0x40] =	vst v56;
	v50 =	vld.idx.msk [tilespmem:v50+s12+$0x0], $0xffff  }
0xf6: {  	v47 =	vmul.f32 $8.000000000e+00, v47;
	v55 =	vadd.s32 v15, v55;
	v56 =	vadd.s32 s29, v18;
	v51 =	vld.idx.msk [tilespmem:v51+s12+$0x0], $0xffff;
	[tilespmem:s8+$0x3D0] =	vst v46  }
0xf7: {  	v46 =	vadd.s32 v15, v56;
	[tilespmem:s8+$0xD0] =	vst v45;
	v45 =	vmul.f32 $8.000000000e+00, v49;
	v49 =	vadd.s32 s28, v18;
	v53 =	vld.idx.msk [tilespmem:v53+s12+$0x0], $0xffff  }
0xf8: {  	v54 =	vld.idx.msk [tilespmem:v54+s12+$0x0], $0xffff;
	[tilespmem:s8+$0x150] =	vst v47;
	v47 =	vmul.f32 $8.000000000e+00, v48;
	v48 =	vadd.s32 v15, v49;
	v49 =	vadd.s32 s26, v18  }
0xf9: {  	v56 =	vadd.s32 s1, v30;
	v57 =	vld.idx.msk [tilespmem:v57+s12+$0x0], $0xffff;
	[tilespmem:s8+$0x1D0] =	vst v45;
	v45 =	vmul.f32 $8.000000000e+00, v52;
	v49 =	vadd.s32 v15, v49  }
0xfa: {  	v35 =	vadd.s32 v15, v35;
	v52 =	vadd.s32 s21, v30;
	v41 =	vld.idx.msk [tilespmem:v41+s12+$0x0], $0xffff;
	[tilespmem:s8+$0x250] =	vst v47;
	v47 =	vadd.s32 s0, v17;
	s0 =	smov.u32 s10  }
0xfb: {  	v58 =	vadd.s32 s1, v31;
	v55 =	vld.idx.msk [tilespmem:v55+s12+$0x0], $0xffff;
	[tilespmem:s8+$0x2D0] =	vst v45;
	v45 =	vmul.f32 $8.000000000e+00, v50;
	v47 =	vadd.s32 v16, v47  }
0xfc: {  	v39 =	vadd.s32 v16, v39;
	v50 =	vadd.s32 s21, v31;
	v51 =	vmul.f32 $8.000000000e+00, v51;
	v46 =	vld.idx.msk [tilespmem:v46+s12+$0x0], $0xffff  }
0xfd: {  	v38 =	vadd.s32 v16, v38;
	v59 =	vadd.s32 s0, v31;
	v48 =	vld.idx.msk [tilespmem:v48+s12+$0x0], $0xffff;
	[tilespmem:s8+$0x350] =	vst v45;
	v45 =	vmul.f32 $8.000000000e+00, v53  }
0xfe: {  	v59 =	vadd.s32 v2, v59;
	v53 =	vadd.s32 s9, v31;
	[tilespmem:s8+$0x50] =	vst v51;
	v51 =	vmul.f32 $8.000000000e+00, v54;
	v49 =	vld.idx.msk [tilespmem:v49+s12+$0x0], $0xffff  }
0xff: {  	v54 =	vadd.s32 v2, v58;
	v58 =	vadd.s32 s22, v31;
	v57 =	vmul.f32 $8.000000000e+00, v57;
	v35 =	vld.idx.msk [tilespmem:v35+s12+$0x0], $0xffff;
	[tilespmem:s8+$0x3E0] =	vst v45  }
0x100: {  	v45 =	vadd.s32 v2, v50;
	v50 =	vadd.s32 s11, v31;
	v41 =	vmul.f32 $8.000000000e+00, v41;
	[tilespmem:s8+$0xE0] =	vst v51;
	v47 =	vld.idx.msk [tilespmem:v47+s12+$0x0], $0xffff  }
0x101: {  	v34 =	vmul.f32 $8.000000000e+00, v34;
	v51 =	vadd.s32 v2, v53;
	v55 =	vmul.f32 $8.000000000e+00, v55;
	s8 =	sadd.s32 $0x800, s8;
	v53 =	vld.idx.msk [tilespmem:v39+s12+$0x0], $0xffff;
	[tilespmem:s6+$0x160] =	vst v57  }
0x102: {  	v36 =	vmul.f32 $8.000000000e+00, v36;
	v57 =	vadd.s32 v2, v58;
	[tilespmem:s8+$0xFFFFFF80] =	vst v41;
	v58 =	vld.idx.msk [tilespmem:v38+s12+$0x0], $0xffff;
	v41 =	vmul.f32 $8.000000000e+00, v46  }
0x103: {  	v38 =	vmul.f32 $8.000000000e+00, v48;
	[tilespmem:s8+$0xFFFFFC80] =	vst v34;
	v34 =	vmul.f32 $8.000000000e+00, v37;
	v37 =	vadd.s32 v2, v50;
	v46 =	vld.idx.msk [tilespmem:v59+s12+$0x0], $0xffff  }
0x104: {  	v39 =	vmul.f32 $8.000000000e+00, v49;
	v48 =	vld.idx.msk [tilespmem:v54+s12+$0x0], $0xffff;
	[tilespmem:s8+$0xFFFFFD00] =	vst v36;
	v36 =	vmul.f32 $8.000000000e+00, v40;
	v40 =	vadd.s32 s13, v31  }
0x105: {  	v45 =	vld.idx.msk [tilespmem:v45+s12+$0x0], $0xffff;
	[tilespmem:s8+$0xFFFFFD80] =	vst v34;
	v34 =	vmul.f32 $8.000000000e+00, v43;
	v43 =	vadd.s32 v2, v40;
	v40 =	vmul.f32 $8.000000000e+00, v35  }
0x106: {  	v35 =	vadd.s32 v2, v42;
	v47 =	vmul.f32 $8.000000000e+00, v47;
	v42 =	vld.idx.msk [tilespmem:v51+s12+$0x0], $0xffff;
	[tilespmem:s8+$0xFFFFFE00] =	vst v36;
	v36 =	vadd.s32 s0, v30  }
0x107: {  	v44 =	vmul.f32 $8.000000000e+00, v44;
	v49 =	vld.idx.msk [tilespmem:v57+s12+$0x0], $0xffff;
	[tilespmem:s8+$0xFFFFFE80] =	vst v34;
	v50 =	vadd.s32 v3, v36;
	v36 =	vmul.f32 $8.000000000e+00, v53  }
0x108: {  	v33 =	vmul.f32 $8.000000000e+00, v33;
	v51 =	vadd.s32 v3, v56;
	v34 =	vmul.f32 $8.000000000e+00, v58;
	v37 =	vld.idx.msk [tilespmem:v37+s12+$0x0], $0xffff;
	[tilespmem:s6+$0x3F0] =	vst v47  }
0x109: {  	v47 =	vadd.s32 v3, v52;
	v52 =	vadd.s32 s9, v30;
	[tilespmem:s8+$0xFFFFFF00] =	vst v44;
	v44 =	vmul.f32 $8.000000000e+00, v46  }
0x10a: {  	v46 =	vadd.s32 v3, v52;
	[tilespmem:s8+$0xFFFFFC00] =	vst v33;
	v33 =	vmul.f32 $8.000000000e+00, v48;
	v48 =	vadd.s32 s22, v30;
	v43 =	vld.idx.msk [tilespmem:v43+s12+$0x0], $0xffff  }
0x10b: {  	v52 =	vadd.s32 s11, v30;
	v45 =	vmul.f32 $8.000000000e+00, v45;
	v35 =	vld.idx.msk [tilespmem:v35+s12+$0x0], $0xffff;
	v48 =	vadd.s32 v3, v48;
	[tilespmem:s8+$0xFFFFFF90] =	vst v44  }
0x10c: {  	[tilespmem:s8+$0xFFFFFC90] =	vst v33;
	v33 =	vmul.f32 $8.000000000e+00, v42;
	v42 =	vadd.s32 v3, v52;
	v44 =	vld.idx.msk [tilespmem:v50+s12+$0x0], $0xffff;
	v50 =	vadd.s32 s31, v17;
	s31 =	smov.u32 s9  }
0x10d: {  	v51 =	vld.idx.msk [tilespmem:v51+s12+$0x0], $0xffff;
	[tilespmem:s8+$0xFFFFFD10] =	vst v45;
	v45 =	vmul.f32 $8.000000000e+00, v49;
	v49 =	vadd.s32 s13, v30;
	v50 =	vadd.s32 v16, v50  }
0x10e: {  	v52 =	vadd.s32 s30, v30;
	v47 =	vld.idx.msk [tilespmem:v47+s12+$0x0], $0xffff;
	[tilespmem:s8+$0xFFFFFD90] =	vst v33;
	v33 =	vmul.f32 $8.000000000e+00, v37;
	v37 =	vadd.s32 v3, v49  }
0x10f: {  	v49 =	vadd.s32 v3, v52;
	v46 =	vld.idx.msk [tilespmem:v46+s12+$0x0], $0xffff;
	[tilespmem:s8+$0xFFFFFE10] =	vst v45;
	v45 =	vadd.s32 s0, v29  }
0x110: {  	v52 =	vadd.s32 s1, v29;
	v48 =	vld.idx.msk [tilespmem:v48+s12+$0x0], $0xffff;
	[tilespmem:s8+$0xFFFFFE90] =	vst v33;
	v33 =	vmul.f32 $8.000000000e+00, v43;
	v43 =	vadd.s32 v4, v45  }
0x111: {  	v35 =	vmul.f32 $8.000000000e+00, v35;
	v45 =	vadd.s32 v4, v52;
	v52 =	vadd.s32 s21, v29;
	v42 =	vld.idx.msk [tilespmem:v42+s12+$0x0], $0xffff;
	[tilespmem:s6+$0x1E0] =	vst v55  }
0x112: {  	v53 =	vadd.s32 s31, v29;
	v52 =	vadd.s32 v4, v52;
	[tilespmem:s8+$0xFFFFFF10] =	vst v33;
	v33 =	vmul.f32 $8.000000000e+00, v44;
	v44 =	vld.idx.msk [tilespmem:v50+s12+$0x0], $0xffff  }
0x113: {  	v50 =	vadd.s32 v4, v53;
	[tilespmem:s8+$0xFFFFFC10] =	vst v35;
	v35 =	vmul.f32 $8.000000000e+00, v51;
	v51 =	vadd.s32 s22, v29;
	v37 =	vld.idx.msk [tilespmem:v37+s12+$0x0], $0xffff  }
0x114: {  	v53 =	vadd.s32 s11, v29;
	v47 =	vmul.f32 $8.000000000e+00, v47;
	v49 =	vld.idx.msk [tilespmem:v49+s12+$0x0], $0xffff;
	v51 =	vadd.s32 v4, v51;
	[tilespmem:s8+$0xFFFFFFA0] =	vst v33  }
0x115: {  	v33 =	vmul.f32 $8.000000000e+00, v46;
	v46 =	vadd.s32 v4, v53;
	[tilespmem:s8+$0xFFFFFCA0] =	vst v35;
	v43 =	vld.idx.msk [tilespmem:v43+s12+$0x0], $0xffff;
	v35 =	vadd.s32 s29, v17;
	s29 =	smov.u32 s22  }
0x116: {  	v45 =	vld.idx.msk [tilespmem:v45+s12+$0x0], $0xffff;
	[tilespmem:s8+$0xFFFFFD20] =	vst v47;
	v47 =	vmul.f32 $8.000000000e+00, v48;
	v48 =	vadd.s32 s13, v29;
	v53 =	vadd.s32 v16, v35  }
0x117: {  	v35 =	vadd.s32 s30, v29;
	v52 =	vld.idx.msk [tilespmem:v52+s12+$0x0], $0xffff;
	[tilespmem:s8+$0xFFFFFDA0] =	vst v33;
	v33 =	vmul.f32 $8.000000000e+00, v42;
	v42 =	vadd.s32 v4, v48  }
0x118: {  	v48 =	vadd.s32 v4, v35;
	v35 =	vmul.f32 $8.000000000e+00, v44;
	v50 =	vld.idx.msk [tilespmem:v50+s12+$0x0], $0xffff;
	[tilespmem:s8+$0xFFFFFE20] =	vst v47;
	v47 =	vadd.s32 s0, v28  }
0x119: {  	v44 =	vadd.s32 s1, v28;
	v51 =	vld.idx.msk [tilespmem:v51+s12+$0x0], $0xffff;
	[tilespmem:s8+$0xFFFFFEA0] =	vst v33;
	v33 =	vmul.f32 $8.000000000e+00, v37;
	v37 =	vadd.s32 v5, v47  }
0x11a: {  	v44 =	vadd.s32 v5, v44;
	v47 =	vmul.f32 $8.000000000e+00, v49;
	v49 =	vadd.s32 s21, v28;
	v46 =	vld.idx.msk [tilespmem:v46+s12+$0x0], $0xffff;
	[tilespmem:s6+$0x260] =	vst v41  }
0x11b: {  	v41 =	vadd.s32 v5, v49;
	v49 =	vadd.s32 s31, v28;
	[tilespmem:s8+$0xFFFFFF20] =	vst v33;
	v33 =	vmul.f32 $8.000000000e+00, v43;
	v43 =	vld.idx.msk [tilespmem:v53+s12+$0x0], $0xffff  }
0x11c: {  	v45 =	vmul.f32 $8.000000000e+00, v45;
	[tilespmem:s8+$0xFFFFFC20] =	vst v47;
	v47 =	vadd.s32 v5, v49;
	v49 =	vadd.s32 s29, v28;
	v42 =	vld.idx.msk [tilespmem:v42+s12+$0x0], $0xffff  }
0x11d: {  	v53 =	vadd.s32 s11, v28;
	v52 =	vmul.f32 $8.000000000e+00, v52;
	v48 =	vld.idx.msk [tilespmem:v48+s12+$0x0], $0xffff;
	v49 =	vadd.s32 v5, v49;
	[tilespmem:s8+$0xFFFFFFB0] =	vst v33  }
0x11e: {  	v33 =	vmul.f32 $8.000000000e+00, v50;
	[tilespmem:s8+$0xFFFFFCB0] =	vst v45;
	v45 =	vadd.s32 v5, v53;
	v50 =	vld.idx.msk [tilespmem:v37+s12+$0x0], $0xffff;
	v37 =	vadd.s32 s28, v17;
	s28 =	smov.u32 s11  }
0x11f: {  	v51 =	vmul.f32 $8.000000000e+00, v51;
	v44 =	vld.idx.msk [tilespmem:v44+s12+$0x0], $0xffff;
	[tilespmem:s8+$0xFFFFFD30] =	vst v52;
	v52 =	vadd.s32 s13, v28;
	v53 =	vadd.s32 v16, v37  }
0x120: {  	v37 =	vadd.s32 s30, v28;
	v41 =	vld.idx.msk [tilespmem:v41+s12+$0x0], $0xffff;
	[tilespmem:s8+$0xFFFFFDB0] =	vst v33;
	v33 =	vmul.f32 $8.000000000e+00, v46;
	v46 =	vadd.s32 v5, v52  }
0x121: {  	v52 =	vadd.s32 v5, v37;
	v37 =	vmul.f32 $8.000000000e+00, v43;
	v47 =	vld.idx.msk [tilespmem:v47+s12+$0x0], $0xffff;
	[tilespmem:s8+$0xFFFFFE30] =	vst v51;
	v51 =	vadd.s32 s0, v27  }
0x122: {  	v43 =	vadd.s32 s1, v27;
	v49 =	vld.idx.msk [tilespmem:v49+s12+$0x0], $0xffff;
	[tilespmem:s8+$0xFFFFFEB0] =	vst v33;
	v33 =	vmul.f32 $8.000000000e+00, v42;
	v42 =	vadd.s32 v6, v51  }
0x123: {  	v43 =	vadd.s32 v6, v43;
	v48 =	vmul.f32 $8.000000000e+00, v48;
	v51 =	vadd.s32 s21, v27;
	v45 =	vld.idx.msk [tilespmem:v45+s12+$0x0], $0xffff;
	[tilespmem:s6+$0x2E0] =	vst v38  }
0x124: {  	v38 =	vadd.s32 v6, v51;
	v51 =	vadd.s32 s31, v27;
	[tilespmem:s8+$0xFFFFFF30] =	vst v33;
	v33 =	vmul.f32 $8.000000000e+00, v50;
	v50 =	vld.idx.msk [tilespmem:v53+s12+$0x0], $0xffff  }
0x125: {  	v44 =	vmul.f32 $8.000000000e+00, v44;
	[tilespmem:s8+$0xFFFFFC30] =	vst v48;
	v48 =	vadd.s32 v6, v51;
	v51 =	vadd.s32 s29, v27;
	v46 =	vld.idx.msk [tilespmem:v46+s12+$0x0], $0xffff  }
0x126: {  	v53 =	vadd.s32 s28, v27;
	v41 =	vmul.f32 $8.000000000e+00, v41;
	v52 =	vld.idx.msk [tilespmem:v52+s12+$0x0], $0xffff;
	v51 =	vadd.s32 v6, v51;
	[tilespmem:s8+$0xFFFFFFC0] =	vst v33  }
0x127: {  	v33 =	vmul.f32 $8.000000000e+00, v47;
	v47 =	vadd.s32 s26, v17;
	s26 =	smov.u32 s13;
	[tilespmem:s8+$0xFFFFFCC0] =	vst v44;
	v44 =	vadd.s32 v6, v53;
	v42 =	vld.idx.msk [tilespmem:v42+s12+$0x0], $0xffff  }
0x128: {  	v47 =	vadd.s32 v16, v47;
	v43 =	vld.idx.msk [tilespmem:v43+s12+$0x0], $0xffff;
	[tilespmem:s8+$0xFFFFFD40] =	vst v41;
	v41 =	vmul.f32 $8.000000000e+00, v49;
	v49 =	vadd.s32 s26, v27  }
0x129: {  	v53 =	vadd.s32 s30, v27;
	v54 =	vld.idx.msk [tilespmem:v38+s12+$0x0], $0xffff;
	[tilespmem:s8+$0xFFFFFDC0] =	vst v33;
	v33 =	vmul.f32 $8.000000000e+00, v45;
	v45 =	vadd.s32 v6, v49  }
0x12a: {  	v49 =	vadd.s32 v6, v53;
	v38 =	vmul.f32 $8.000000000e+00, v50;
	v48 =	vld.idx.msk [tilespmem:v48+s12+$0x0], $0xffff;
	[tilespmem:s8+$0xFFFFFE40] =	vst v41;
	v41 =	vadd.s32 s0, v26  }
0x12b: {  	v50 =	vadd.s32 s1, v26;
	v51 =	vld.idx.msk [tilespmem:v51+s12+$0x0], $0xffff;
	[tilespmem:s8+$0xFFFFFEC0] =	vst v33;
	v33 =	vmul.f32 $8.000000000e+00, v46;
	v41 =	vadd.s32 v7, v41  }
0x12c: {  	v50 =	vadd.s32 v7, v50;
	v46 =	vmul.f32 $8.000000000e+00, v52;
	v52 =	vadd.s32 s21, v26;
	v44 =	vld.idx.msk [tilespmem:v44+s12+$0x0], $0xffff;
	[tilespmem:s6+$0x360] =	vst v39  }
0x12d: {  	v39 =	vadd.s32 v7, v52;
	v52 =	vadd.s32 s31, v26;
	[tilespmem:s8+$0xFFFFFF40] =	vst v33;
	v33 =	vmul.f32 $8.000000000e+00, v42;
	v42 =	vld.idx.msk [tilespmem:v47+s12+$0x0], $0xffff  }
0x12e: {  	v43 =	vmul.f32 $8.000000000e+00, v43;
	v47 =	vadd.s32 s29, v26;
	[tilespmem:s8+$0xFFFFFC40] =	vst v46;
	v46 =	vadd.s32 v7, v52;
	v45 =	vld.idx.msk [tilespmem:v45+s12+$0x0], $0xffff  }
0x12f: {  	v53 =	vadd.s32 s28, v26;
	v52 =	vmul.f32 $8.000000000e+00, v54;
	v47 =	vadd.s32 v7, v47;
	v49 =	vld.idx.msk [tilespmem:v49+s12+$0x0], $0xffff;
	[tilespmem:s8+$0xFFFFFFD0] =	vst v33  }
0x130: {  	v33 =	vmul.f32 $8.000000000e+00, v48;
	v48 =	vadd.s32 s25, v17;
	s25 =	smov.u32 s30;
	s30 =	smov.u32 s18;
	[tilespmem:s8+$0xFFFFFCD0] =	vst v43;
	v43 =	vadd.s32 v7, v53;
	v41 =	vld.idx.msk [tilespmem:v41+s12+$0x0], $0xffff  }
0x131: {  	v51 =	vmul.f32 $8.000000000e+00, v51;
	v48 =	vadd.s32 v16, v48;
	v50 =	vld.idx.msk [tilespmem:v50+s12+$0x0], $0xffff;
	[tilespmem:s8+$0xFFFFFD50] =	vst v52;
	v52 =	vadd.s32 s26, v26  }
0x132: {  	v53 =	vadd.s32 s25, v26;
	v54 =	vld.idx.msk [tilespmem:v39+s12+$0x0], $0xffff;
	[tilespmem:s8+$0xFFFFFDD0] =	vst v33;
	v33 =	vmul.f32 $8.000000000e+00, v44;
	v44 =	vadd.s32 v7, v52  }
0x133: {  	v52 =	vadd.s32 v7, v53;
	v39 =	vmul.f32 $8.000000000e+00, v42;
	v46 =	vld.idx.msk [tilespmem:v46+s12+$0x0], $0xffff;
	[tilespmem:s8+$0xFFFFFE50] =	vst v51;
	v51 =	vadd.s32 s0, v25  }
0x134: {  	v42 =	vadd.s32 s1, v25;
	v47 =	vld.idx.msk [tilespmem:v47+s12+$0x0], $0xffff;
	[tilespmem:s8+$0xFFFFFED0] =	vst v33;
	v33 =	vmul.f32 $8.000000000e+00, v45;
	v45 =	vadd.s32 v8, v51  }
0x135: {  	v42 =	vadd.s32 v8, v42;
	v49 =	vmul.f32 $8.000000000e+00, v49;
	v51 =	vadd.s32 s21, v25;
	v43 =	vld.idx.msk [tilespmem:v43+s12+$0x0], $0xffff;
	[tilespmem:s6+$0x60] =	vst v40  }
0x136: {  	v40 =	vadd.s32 v8, v51;
	v51 =	vadd.s32 s31, v25;
	[tilespmem:s8+$0xFFFFFF50] =	vst v33;
	v33 =	vmul.f32 $8.000000000e+00, v41;
	v41 =	vld.idx.msk [tilespmem:v48+s12+$0x0], $0xffff  }
0x137: {  	v48 =	vmul.f32 $8.000000000e+00, v50;
	v50 =	vadd.s32 s29, v25;
	[tilespmem:s8+$0xFFFFFC50] =	vst v49;
	v49 =	vadd.s32 v8, v51;
	v44 =	vld.idx.msk [tilespmem:v44+s12+$0x0], $0xffff  }
0x138: {  	v53 =	vadd.s32 s28, v25;
	v50 =	vadd.s32 v8, v50;
	v51 =	vld.idx.msk [tilespmem:v52+s12+$0x0], $0xffff;
	v52 =	vmul.f32 $8.000000000e+00, v54;
	[tilespmem:s8+$0xFFFFFFE0] =	vst v33  }
0x139: {  	v33 =	vadd.s32 s18, v32;
	v46 =	vmul.f32 $8.000000000e+00, v46;
	[tilespmem:s8+$0xFFFFFCE0] =	vst v48;
	v48 =	vadd.s32 v8, v53;
	v45 =	vld.idx.msk [tilespmem:v45+s12+$0x0], $0xffff  }
0x13a: {  	v33 =	vadd.s32 v0, v33;
	v47 =	vmul.f32 $8.000000000e+00, v47;
	v42 =	vld.idx.msk [tilespmem:v42+s12+$0x0], $0xffff;
	[tilespmem:s8+$0xFFFFFD60] =	vst v52;
	v52 =	vadd.s32 s26, v25  }
0x13b: {  	v53 =	vadd.s32 s25, v25;
	v43 =	vmul.f32 $8.000000000e+00, v43;
	v40 =	vld.idx.msk [tilespmem:v40+s12+$0x0], $0xffff;
	[tilespmem:s8+$0xFFFFFDE0] =	vst v46;
	v46 =	vadd.s32 v8, v52  }
0x13c: {  	v52 =	vadd.s32 v8, v53;
	v41 =	vmul.f32 $8.000000000e+00, v41;
	v49 =	vld.idx.msk [tilespmem:v49+s12+$0x0], $0xffff;
	[tilespmem:s8+$0xFFFFFE60] =	vst v47;
	v47 =	vadd.s32 s0, v24  }
0x13d: {  	v53 =	vadd.s32 s1, v24;
	v50 =	vld.idx.msk [tilespmem:v50+s12+$0x0], $0xffff;
	[tilespmem:s8+$0xFFFFFEE0] =	vst v43;
	v43 =	vmul.f32 $8.000000000e+00, v44;
	v44 =	vadd.s32 v9, v47  }
0x13e: {  	v47 =	vmul.f32 $8.000000000e+00, v51;
	v51 =	vadd.s32 v9, v53;
	v53 =	vadd.s32 s21, v24;
	v48 =	vld.idx.msk [tilespmem:v48+s12+$0x0], $0xffff;
	[tilespmem:s6+$0xF0] =	vst v36  }
0x13f: {  	v36 =	vadd.s32 v9, v53;
	v53 =	vadd.s32 s31, v24;
	v33 =	vld.idx.msk [tilespmem:v33+s12+$0x0], $0xffff;
	[tilespmem:s8+$0xFFFFFF60] =	vst v43;
	v43 =	vmul.f32 $8.000000000e+00, v45  }
0x140: {  	v42 =	vmul.f32 $8.000000000e+00, v42;
	v45 =	vadd.s32 v9, v53;
	[tilespmem:s8+$0xFFFFFC60] =	vst v47;
	v47 =	vadd.s32 s29, v24;
	v46 =	vld.idx.msk [tilespmem:v46+s12+$0x0], $0xffff  }
0x141: {  	s2 =	sadd.s32 $0x1, s18;
	v53 =	vadd.s32 s28, v24;
	v40 =	vmul.f32 $8.000000000e+00, v40;
	v52 =	vld.idx.msk [tilespmem:v52+s12+$0x0], $0xffff;
	v47 =	vadd.s32 v9, v47;
	[tilespmem:s8+$0xFFFFFFF0] =	vst v43  }
0x142: {  	v43 =	vadd.s32 s2, v32;
	[tilespmem:s8+$0xFFFFFCF0] =	vst v42;
	v42 =	vmul.f32 $8.000000000e+00, v49;
	v49 =	vadd.s32 v9, v53;
	v44 =	vld.idx.msk [tilespmem:v44+s12+$0x0], $0xffff  }
0x143: {  	v43 =	vadd.s32 v0, v43;
	v51 =	vld.idx.msk [tilespmem:v51+s12+$0x0], $0xffff;
	[tilespmem:s8+$0xFFFFFD70] =	vst v40;
	v40 =	vmul.f32 $8.000000000e+00, v50;
	v50 =	vadd.s32 s26, v24  }
0x144: {  	v53 =	vadd.s32 s25, v24;
	v36 =	vld.idx.msk [tilespmem:v36+s12+$0x0], $0xffff;
	[tilespmem:s8+$0xFFFFFDF0] =	vst v42;
	v42 =	vmul.f32 $8.000000000e+00, v48;
	v48 =	vadd.s32 v9, v50  }
0x145: {  	v50 =	vadd.s32 v9, v53;
	v45 =	vld.idx.msk [tilespmem:v45+s12+$0x0], $0xffff;
	[tilespmem:s8+$0xFFFFFE70] =	vst v40;
	v40 =	vadd.s32 s0, v23  }
0x146: {  	v53 =	vadd.s32 s1, v23;
	v47 =	vld.idx.msk [tilespmem:v47+s12+$0x0], $0xffff;
	[tilespmem:s8+$0xFFFFFEF0] =	vst v42;
	v42 =	vmul.f32 $8.000000000e+00, v46;
	v40 =	vadd.s32 v10, v40  }
0x147: {  	v46 =	vmul.f32 $8.000000000e+00, v52;
	v52 =	vadd.s32 v10, v53;
	v53 =	vadd.s32 s21, v23;
	v49 =	vld.idx.msk [tilespmem:v49+s12+$0x0], $0xffff;
	[tilespmem:s6+$0x170] =	vst v34  }
0x148: {  	v34 =	vld.idx.msk [tilespmem:v43+s12+$0x0], $0xffff;
	v43 =	vadd.s32 v10, v53;
	v53 =	vadd.s32 s31, v23;
	[tilespmem:s8+$0xFFFFFF70] =	vst v42;
	v42 =	vmul.f32 $8.000000000e+00, v44  }
0x149: {  	v44 =	vmul.f32 $8.000000000e+00, v51;
	v51 =	vadd.s32 s29, v23;
	[tilespmem:s8+$0xFFFFFC70] =	vst v46;
	v46 =	vadd.s32 v10, v53;
	v48 =	vld.idx.msk [tilespmem:v48+s12+$0x0], $0xffff  }
0x14a: {  	s23 =	sadd.s32 $0x2, s18;
	v36 =	vmul.f32 $8.000000000e+00, v36;
	v51 =	vadd.s32 v10, v51;
	v53 =	vadd.s32 s28, v23;
	v50 =	vld.idx.msk [tilespmem:v50+s12+$0x0], $0xffff;
	[tilespmem:s8+$0x380] =	vst v42  }
0x14b: {  	v42 =	vadd.s32 s23, v32;
	[tilespmem:s8+$0x80] =	vst v44;
	v44 =	vmul.f32 $8.000000000e+00, v45;
	v45 =	vadd.s32 v10, v53;
	v40 =	vld.idx.msk [tilespmem:v40+s12+$0x0], $0xffff  }
0x14c: {  	v42 =	vadd.s32 v0, v42;
	v52 =	vld.idx.msk [tilespmem:v52+s12+$0x0], $0xffff;
	[tilespmem:s8+$0x100] =	vst v36;
	v36 =	vmul.f32 $8.000000000e+00, v47;
	v47 =	vadd.s32 s26, v23  }
0x14d: {  	v53 =	vadd.s32 s25, v23;
	v43 =	vld.idx.msk [tilespmem:v43+s12+$0x0], $0xffff;
	[tilespmem:s8+$0x180] =	vst v44;
	v44 =	vmul.f32 $8.000000000e+00, v49;
	v47 =	vadd.s32 v10, v47  }
0x14e: {  	v49 =	vadd.s32 v10, v53;
	v46 =	vld.idx.msk [tilespmem:v46+s12+$0x0], $0xffff;
	[tilespmem:s8+$0x200] =	vst v36;
	v36 =	vadd.s32 s0, v22  }
0x14f: {  	v53 =	vadd.s32 s1, v22;
	v51 =	vld.idx.msk [tilespmem:v51+s12+$0x0], $0xffff;
	[tilespmem:s8+$0x280] =	vst v44;
	v44 =	vmul.f32 $8.000000000e+00, v48;
	v48 =	vadd.s32 v11, v36  }
0x150: {  	v54 =	vadd.s32 s21, v22;
	v53 =	vadd.s32 v11, v53;
	v50 =	vmul.f32 $8.000000000e+00, v50;
	v45 =	vld.idx.msk [tilespmem:v45+s12+$0x0], $0xffff;
	[tilespmem:s6+$0x1F0] =	vst v35  }
0x151: {  	v35 =	vadd.s32 v11, v54;
	v40 =	vmul.f32 $8.000000000e+00, v40;
	v36 =	vld.idx.msk [tilespmem:v42+s12+$0x0], $0xffff;
	v42 =	vadd.s32 s31, v22;
	[tilespmem:s8+$0x300] =	vst v44  }
0x152: {  	v44 =	vmul.f32 $8.000000000e+00, v52;
	[tilespmem:s8+$0x0] =	vst v50;
	v42 =	vadd.s32 v11, v42;
	v50 =	vadd.s32 s29, v22;
	v47 =	vld.idx.msk [tilespmem:v47+s12+$0x0], $0xffff  }
0x153: {  	s9 =	sadd.s32 $0x3, s18;
	v52 =	vadd.s32 s28, v22;
	v43 =	vmul.f32 $8.000000000e+00, v43;
	v49 =	vld.idx.msk [tilespmem:v49+s12+$0x0], $0xffff;
	v50 =	vadd.s32 v11, v50;
	[tilespmem:s8+$0x390] =	vst v40  }
0x154: {  	v40 =	vadd.s32 s9, v32;
	[tilespmem:s8+$0x90] =	vst v44;
	v44 =	vmul.f32 $8.000000000e+00, v46;
	v46 =	vadd.s32 v11, v52;
	v48 =	vld.idx.msk [tilespmem:v48+s12+$0x0], $0xffff  }
0x155: {  	v40 =	vadd.s32 v0, v40;
	v52 =	vld.idx.msk [tilespmem:v53+s12+$0x0], $0xffff;
	[tilespmem:s8+$0x110] =	vst v43;
	v43 =	vmul.f32 $8.000000000e+00, v51;
	v51 =	vadd.s32 s26, v22  }
0x156: {  	v53 =	vadd.s32 s25, v22;
	v54 =	vld.idx.msk [tilespmem:v35+s12+$0x0], $0xffff;
	[tilespmem:s8+$0x190] =	vst v44;
	v44 =	vmul.f32 $8.000000000e+00, v45;
	v45 =	vadd.s32 v11, v51  }
0x157: {  	v51 =	vadd.s32 v11, v53;
	v35 =	vadd.s32 s25, v18;
	v42 =	vld.idx.msk [tilespmem:v42+s12+$0x0], $0xffff;
	[tilespmem:s8+$0x210] =	vst v43;
	v43 =	vadd.s32 s0, v21  }
0x158: {  	v53 =	vadd.s32 s1, v21;
	v50 =	vld.idx.msk [tilespmem:v50+s12+$0x0], $0xffff;
	[tilespmem:s8+$0x290] =	vst v44;
	v44 =	vmul.f32 $8.000000000e+00, v47;
	v43 =	vadd.s32 v12, v43  }
0x159: {  	v47 =	vmul.f32 $8.000000000e+00, v49;
	v49 =	vadd.s32 v12, v53;
	v53 =	vadd.s32 s21, v21;
	v46 =	vld.idx.msk [tilespmem:v46+s12+$0x0], $0xffff;
	[tilespmem:s6+$0x270] =	vst v37  }
0x15a: {  	v37 =	vld.idx.msk [tilespmem:v40+s12+$0x0], $0xffff;
	v40 =	vadd.s32 v12, v53;
	v53 =	vadd.s32 s31, v21;
	[tilespmem:s8+$0x310] =	vst v44;
	v44 =	vmul.f32 $8.000000000e+00, v48  }
0x15b: {  	[tilespmem:s8+$0x10] =	vst v47;
	v47 =	vmul.f32 $8.000000000e+00, v52;
	v48 =	vadd.s32 v12, v53;
	v52 =	vadd.s32 s29, v21;
	v45 =	vld.idx.msk [tilespmem:v45+s12+$0x0], $0xffff  }
0x15c: {  	s22 =	sadd.s32 $0x4, s18;
	v53 =	vmul.f32 $8.000000000e+00, v54;
	v54 =	vadd.s32 s28, v21;
	v51 =	vld.idx.msk [tilespmem:v51+s12+$0x0], $0xffff;
	v52 =	vadd.s32 v12, v52;
	[tilespmem:s8+$0x3A0] =	vst v44  }
0x15d: {  	v44 =	vadd.s32 s22, v32;
	v42 =	vmul.f32 $8.000000000e+00, v42;
	[tilespmem:s8+$0xA0] =	vst v47;
	v47 =	vadd.s32 v12, v54;
	v43 =	vld.idx.msk [tilespmem:v43+s12+$0x0], $0xffff  }
0x15e: {  	v44 =	vadd.s32 v0, v44;
	v50 =	vmul.f32 $8.000000000e+00, v50;
	v49 =	vld.idx.msk [tilespmem:v49+s12+$0x0], $0xffff;
	[tilespmem:s8+$0x120] =	vst v53;
	v53 =	vadd.s32 s26, v21  }
0x15f: {  	v54 =	vadd.s32 s25, v21;
	v55 =	vld.idx.msk [tilespmem:v40+s12+$0x0], $0xffff;
	[tilespmem:s8+$0x1A0] =	vst v42;
	v40 =	vmul.f32 $8.000000000e+00, v46;
	v42 =	vadd.s32 v12, v53  }
0x160: {  	v46 =	vadd.s32 v12, v54;
	v53 =	vadd.s32 s25, v19;
	v48 =	vld.idx.msk [tilespmem:v48+s12+$0x0], $0xffff;
	[tilespmem:s8+$0x220] =	vst v50;
	v50 =	vadd.s32 s0, v20  }
0x161: {  	v54 =	vadd.s32 s1, v20;
	v45 =	vmul.f32 $8.000000000e+00, v45;
	v52 =	vld.idx.msk [tilespmem:v52+s12+$0x0], $0xffff;
	[tilespmem:s8+$0x2A0] =	vst v40;
	v50 =	vadd.s32 v13, v50  }
0x162: {  	v56 =	vadd.s32 s21, v20;
	v54 =	vadd.s32 v13, v54;
	v51 =	vmul.f32 $8.000000000e+00, v51;
	v47 =	vld.idx.msk [tilespmem:v47+s12+$0x0], $0xffff;
	[tilespmem:s6+$0x2F0] =	vst v38  }
0x163: {  	v38 =	vadd.s32 v13, v56;
	v43 =	vmul.f32 $8.000000000e+00, v43;
	v40 =	vld.idx.msk [tilespmem:v44+s12+$0x0], $0xffff;
	v44 =	vadd.s32 s31, v20;
	[tilespmem:s8+$0x320] =	vst v45  }
0x164: {  	v45 =	vmul.f32 $8.000000000e+00, v49;
	v49 =	vadd.s32 s29, v20;
	[tilespmem:s8+$0x20] =	vst v51;
	v44 =	vadd.s32 v13, v44;
	v51 =	vld.idx.msk [tilespmem:v42+s12+$0x0], $0xffff  }
0x165: {  	s11 =	sadd.s32 $0x5, s18;
	v42 =	vmul.f32 $8.000000000e+00, v55;
	v49 =	vadd.s32 v13, v49;
	v55 =	vadd.s32 s28, v20;
	v46 =	vld.idx.msk [tilespmem:v46+s12+$0x0], $0xffff;
	[tilespmem:s8+$0x3B0] =	vst v43  }
0x166: {  	v43 =	vadd.s32 s11, v32;
	[tilespmem:s8+$0xB0] =	vst v45;
	v45 =	vmul.f32 $8.000000000e+00, v48;
	v48 =	vadd.s32 v13, v55;
	v50 =	vld.idx.msk [tilespmem:v50+s12+$0x0], $0xffff  }
0x167: {  	v43 =	vadd.s32 v0, v43;
	v52 =	vmul.f32 $8.000000000e+00, v52;
	v54 =	vld.idx.msk [tilespmem:v54+s12+$0x0], $0xffff;
	[tilespmem:s8+$0x130] =	vst v42;
	v42 =	vadd.s32 s26, v20  }
0x168: {  	v55 =	vadd.s32 s25, v20;
	v38 =	vld.idx.msk [tilespmem:v38+s12+$0x0], $0xffff;
	[tilespmem:s8+$0x1B0] =	vst v45;
	v45 =	vmul.f32 $8.000000000e+00, v47;
	v47 =	vadd.s32 v13, v42  }
0x169: {  	v55 =	vadd.s32 v13, v55;
	v42 =	vadd.s32 s18, v31;
	v44 =	vld.idx.msk [tilespmem:v44+s12+$0x0], $0xffff;
	[tilespmem:s8+$0x230] =	vst v52;
	v52 =	vadd.s32 s0, v19  }
0x16a: {  	v56 =	vadd.s32 s1, v19;
	v49 =	vld.idx.msk [tilespmem:v49+s12+$0x0], $0xffff;
	[tilespmem:s8+$0x2B0] =	vst v45;
	v45 =	vmul.f32 $8.000000000e+00, v51;
	v51 =	vadd.s32 v14, v52  }
0x16b: {  	v46 =	vmul.f32 $8.000000000e+00, v46;
	v52 =	vadd.s32 v14, v56;
	v56 =	vadd.s32 s21, v19;
	v48 =	vld.idx.msk [tilespmem:v48+s12+$0x0], $0xffff;
	[tilespmem:s6+$0x370] =	vst v39  }
0x16c: {  	v56 =	vadd.s32 v14, v56;
	v39 =	vadd.s32 s31, v19;
	v43 =	vld.idx.msk [tilespmem:v43+s12+$0x0], $0xffff;
	[tilespmem:s8+$0x330] =	vst v45;
	v45 =	vmul.f32 $8.000000000e+00, v50  }
0x16d: {  	[tilespmem:s8+$0x30] =	vst v46;
	v46 =	vmul.f32 $8.000000000e+00, v54;
	v54 =	vadd.s32 v14, v39;
	v39 =	vadd.s32 s29, v19;
	v57 =	vld.idx.msk [tilespmem:v47+s12+$0x0], $0xffff  }
0x16e: {  	s13 =	sadd.s32 $0x6, s18;
	v38 =	vmul.f32 $8.000000000e+00, v38;
	v58 =	vld.idx.msk [tilespmem:v55+s12+$0x0], $0xffff;
	v55 =	vadd.s32 v14, v39;
	v39 =	vadd.s32 s28, v19;
	[tilespmem:s8+$0x3C0] =	vst v45  }
0x16f: {  	v45 =	vadd.s32 s13, v32;
	v50 =	vmul.f32 $8.000000000e+00, v44;
	[tilespmem:s8+$0xC0] =	vst v46;
	v59 =	vadd.s32 v14, v39;
	v46 =	vld.idx.msk [tilespmem:v51+s12+$0x0], $0xffff  }
.Ltmp2:
0x170: {  	v44 =	vadd.s32 v0, v45;
	v45 =	vld.idx.msk [tilespmem:v52+s12+$0x0], $0xffff;
	[tilespmem:s8+$0x140] =	vst v38;
	v52 =	vmul.f32 $8.000000000e+00, v49;
	v38 =	vadd.s32 s26, v19;
	(pc) =	sbr.rel @p1 .LBB2_7-.Ltmp2, $4  }
0x171: {  	v39 =	vadd.s32 s1, v17;
	v47 =	vld.idx.msk [tilespmem:v56+s12+$0x0], $0xffff;
	[tilespmem:s8+$0x1C0] =	vst v50;
	v56 =	vmul.f32 $8.000000000e+00, v48;
	v50 =	vadd.s32 v14, v38  }
0x172: {  	v51 =	vadd.s32 v14, v53;
	v38 =	vadd.s32 s21, v17;
	v49 =	vld.idx.msk [tilespmem:v54+s12+$0x0], $0xffff;
	[tilespmem:s8+$0x240] =	vst v52;
	v52 =	vadd.s32 s0, v18  }
0x173: {  	v54 =	vadd.s32 s1, v18;
	s1 =	smov.u32 s2;
	v48 =	vld.idx.msk [tilespmem:v55+s12+$0x0], $0xffff;
	[tilespmem:s8+$0x2C0] =	vst v56;
	v55 =	vmul.f32 $8.000000000e+00, v57;
	v53 =	vadd.s32 v15, v52  }
0x174: {  	s10 =	sadd.s32 $0x7, s30;
	s18 =	sadd.s32 $0x8, s18;
	v56 =	vmul.f32 $8.000000000e+00, v58;
	v54 =	vadd.s32 v15, v54;
	v57 =	vadd.s32 s21, v18;
	v52 =	vld.idx.msk [tilespmem:v59+s12+$0x0], $0xffff;
	[tilespmem:s6+$0x70] =	vst v41;
	s6 =	smov.u32 s8  }
0x175: {  	[tilespmem:s8+$0x340] =	vst v55;
	v46 =	vmul.f32 $8.000000000e+00, v46  }
0x176: {  	v45 =	vmul.f32 $8.000000000e+00, v45;
	[tilespmem:s8+$0x40] =	vst v56  }
0x177: {  	v32 =	vadd.s32 s10, v32;
	v34 =	vmul.f32 $8.000000000e+00, v34;
	[tilespmem:s8+$0x3D0] =	vst v46  }
0x178: {  	s21 =	sadd.s32 $0x800, s8;
	v36 =	vmul.f32 $8.000000000e+00, v36;
	v32 =	vadd.s32 v0, v32;
	[tilespmem:s8+$0xD0] =	vst v45  }
0x179: {  	v59 =	vadd.s32 s0, v17;
	v50 =	vld.idx.msk [tilespmem:v50+s12+$0x0], $0xffff;
	v47 =	vmul.f32 $8.000000000e+00, v47;
	[tilespmem:s21+$0xFFFFFC80] =	vst v34  }
0x17a: {  	v41 =	vadd.s32 v15, v57;
	v61 =	vadd.s32 v16, v59;
	v59 =	vmul.f32 $8.000000000e+00, v37;
	v51 =	vld.idx.msk [tilespmem:v51+s12+$0x0], $0xffff;
	[tilespmem:s21+$0xFFFFFD00] =	vst v36  }
0x17b: {  	v55 =	vmul.f32 $8.000000000e+00, v49;
	v46 =	vld.idx.msk [tilespmem:v53+s12+$0x0], $0xffff;
	[tilespmem:s8+$0x150] =	vst v47  }
0x17c: {  	v56 =	vld.idx.msk [tilespmem:v54+s12+$0x0], $0xffff;
	v57 =	vmul.f32 $8.000000000e+00, v48;
	v53 =	vadd.s32 s1, v31;
	[tilespmem:s21+$0xFFFFFD80] =	vst v59  }
0x17d: {  	v63 =	vadd.s32 s10, v31;
	[tilespmem:s8+$0x1D0] =	vst v55;
	v58 =	vmul.f32 $8.000000000e+00, v52;
	v49 =	vadd.s32 v2, v53;
	v32 =	vld.idx.msk [tilespmem:v32+s12+$0x0], $0xffff  }
0x17e: {  	v42 =	vadd.s32 v2, v42;
	v55 =	vadd.s32 s9, v31;
	[tilespmem:s8+$0x250] =	vst v57;
	v60 =	vmul.f32 $8.000000000e+00, v50  }
0x17f: {  	v33 =	vmul.f32 $8.000000000e+00, v33;
	v41 =	vld.idx.msk [tilespmem:v41+s12+$0x0], $0xffff;
	v47 =	vadd.s32 v2, v55;
	[tilespmem:s8+$0x2D0] =	vst v58;
	v62 =	vmul.f32 $8.000000000e+00, v51  }
0x180: {  	v48 =	vadd.s32 v2, v63;
	v57 =	vadd.s32 s22, v31;
	[tilespmem:s8+$0x350] =	vst v60;
	v46 =	vmul.f32 $8.000000000e+00, v46  }
0x181: {  	v54 =	vadd.s32 s23, v31;
	v52 =	vmul.f32 $8.000000000e+00, v56;
	v56 =	vld.idx.msk [tilespmem:v44+s12+$0x0], $0xffff;
	v44 =	vadd.s32 v2, v57;
	[tilespmem:s8+$0x50] =	vst v62  }
0x182: {  	v60 =	vadd.s32 s31, v18;
	v62 =	vld.idx.msk [tilespmem:v49+s12+$0x0], $0xffff;
	[tilespmem:s8+$0x3E0] =	vst v46;
	v46 =	vadd.s32 v2, v54;
	v32 =	vmul.f32 $8.000000000e+00, v32  }
0x183: {  	v63 =	vadd.s32 s13, v31;
	v37 =	vadd.s32 v15, v60;
	[tilespmem:s8+$0xE0] =	vst v52;
	v45 =	vld.idx.msk [tilespmem:v61+s12+$0x0], $0xffff;
	v61 =	vmul.f32 $8.000000000e+00, v40  }
0x184: {  	v53 =	vadd.s32 s10, v30;
	v55 =	vadd.s32 s1, v30;
	v41 =	vmul.f32 $8.000000000e+00, v41;
	v52 =	vld.idx.msk [tilespmem:v47+s12+$0x0], $0xffff;
	[tilespmem:s21+$0xFFFFFF80] =	vst v32  }
0x185: {  	v58 =	vadd.s32 s11, v31;
	v31 =	vadd.s32 v2, v63;
	v49 =	vmul.f32 $8.000000000e+00, v43;
	[tilespmem:s21+$0xFFFFFE00] =	vst v61;
	v48 =	vld.idx.msk [tilespmem:v48+s12+$0x0], $0xffff  }
0x186: {  	[tilespmem:s6+$0x160] =	vst v41;
	v41 =	vadd.s32 v3, v55;
	v55 =	vadd.s32 s30, v30;
	v32 =	vadd.s32 v2, v58;
	v44 =	vld.idx.msk [tilespmem:v44+s12+$0x0], $0xffff  }
0x187: {  	[tilespmem:s21+$0xFFFFFC00] =	vst v33;
	v54 =	vmul.f32 $8.000000000e+00, v56;
	v56 =	vadd.s32 s23, v30;
	v58 =	vadd.s32 s9, v30;
	v50 =	vld.idx.msk [tilespmem:v46+s12+$0x0], $0xffff  }
0x188: {  	[tilespmem:s21+$0xFFFFFE80] =	vst v49;
	v61 =	vadd.s32 s22, v30;
	v37 =	vld.idx.msk [tilespmem:v37+s12+$0x0], $0xffff;
	v59 =	vmul.f32 $8.000000000e+00, v62;
	v60 =	vadd.s32 v3, v58  }
0x189: {  	v36 =	vadd.s32 v3, v56;
	v62 =	vld.idx.msk [tilespmem:v42+s12+$0x0], $0xffff;
	v46 =	vadd.s32 v3, v53;
	[tilespmem:s21+$0xFFFFFF00] =	vst v54;
	v51 =	vmul.f32 $8.000000000e+00, v45  }
0x18a: {  	v63 =	vadd.s32 v3, v61;
	v49 =	vmul.f32 $8.000000000e+00, v52;
	v53 =	vadd.s32 s13, v30;
	v31 =	vld.idx.msk [tilespmem:v31+s12+$0x0], $0xffff;
	[tilespmem:s21+$0xFFFFFC90] =	vst v59  }
0x18b: {  	[tilespmem:s6+$0x3F0] =	vst v51;
	v32 =	vld.idx.msk [tilespmem:v32+s12+$0x0], $0xffff;
	v57 =	vmul.f32 $8.000000000e+00, v48;
	v48 =	vadd.s32 s11, v30;
	v51 =	vmul.f32 $8.000000000e+00, v44  }
0x18c: {  	v41 =	vld.idx.msk [tilespmem:v41+s12+$0x0], $0xffff;
	[tilespmem:s21+$0xFFFFFD90] =	vst v49;
	v30 =	vadd.s32 v3, v55;
	v43 =	vmul.f32 $8.000000000e+00, v50;
	v50 =	vadd.s32 s29, v18  }
0x18d: {  	v40 =	vld.idx.msk [tilespmem:v60+s12+$0x0], $0xffff;
	[tilespmem:s21+$0xFFFFFF90] =	vst v57;
	v52 =	vadd.s32 v15, v50  }
0x18e: {  	v58 =	vadd.s32 s1, v29;
	v34 =	vmul.f32 $8.000000000e+00, v62;
	v47 =	vadd.s32 v3, v48;
	[tilespmem:s21+$0xFFFFFE10] =	vst v51;
	v46 =	vld.idx.msk [tilespmem:v46+s12+$0x0], $0xffff  }
0x18f: {  	v56 =	vadd.s32 v3, v53;
	v54 =	vmul.f32 $8.000000000e+00, v37;
	v62 =	vadd.s32 s9, v29;
	[tilespmem:s21+$0xFFFFFD10] =	vst v43;
	v42 =	vld.idx.msk [tilespmem:v63+s12+$0x0], $0xffff  }
0x190: {  	v48 =	vadd.s32 v4, v62;
	v57 =	vadd.s32 s10, v29;
	[tilespmem:s21+$0xFFFFFC10] =	vst v34;
	v32 =	vmul.f32 $8.000000000e+00, v32;
	v36 =	vld.idx.msk [tilespmem:v36+s12+$0x0], $0xffff  }
0x191: {  	v59 =	vadd.s32 s23, v29;
	v31 =	vmul.f32 $8.000000000e+00, v31;
	[tilespmem:s6+$0x1E0] =	vst v54;
	v43 =	vadd.s32 v4, v57;
	v30 =	vld.idx.msk [tilespmem:v30+s12+$0x0], $0xffff  }
0x192: {  	v49 =	vadd.s32 s22, v29;
	[tilespmem:s21+$0xFFFFFE90] =	vst v32;
	v32 =	vadd.s32 v4, v58;
	v44 =	vld.idx.msk [tilespmem:v52+s12+$0x0], $0xffff;
	v52 =	vmul.f32 $8.000000000e+00, v40  }
0x193: {  	v53 =	vadd.s32 s28, v18;
	v50 =	vadd.s32 v4, v49;
	[tilespmem:s21+$0xFFFFFF10] =	vst v31;
	v60 =	vld.idx.msk [tilespmem:v47+s12+$0x0], $0xffff;
	v61 =	vmul.f32 $8.000000000e+00, v46  }
0x194: {  	v33 =	vadd.s32 v4, v59;
	v55 =	vadd.s32 s13, v29;
	v63 =	vmul.f32 $8.000000000e+00, v41;
	v37 =	vld.idx.msk [tilespmem:v56+s12+$0x0], $0xffff;
	[tilespmem:s21+$0xFFFFFDA0] =	vst v52  }
0x195: {  	v57 =	vadd.s32 s30, v29;
	v40 =	vadd.s32 v15, v53;
	v54 =	vmul.f32 $8.000000000e+00, v42;
	[tilespmem:s21+$0xFFFFFFA0] =	vst v61;
	v58 =	vld.idx.msk [tilespmem:v48+s12+$0x0], $0xffff  }
0x196: {  	v51 =	vadd.s32 s11, v29;
	v29 =	vadd.s32 v4, v57;
	[tilespmem:s21+$0xFFFFFCA0] =	vst v63;
	v36 =	vmul.f32 $8.000000000e+00, v36;
	v43 =	vld.idx.msk [tilespmem:v43+s12+$0x0], $0xffff  }
0x197: {  	v59 =	vadd.s32 s10, v28;
	v46 =	vadd.s32 v4, v51;
	[tilespmem:s21+$0xFFFFFE20] =	vst v54;
	v30 =	vmul.f32 $8.000000000e+00, v30;
	v32 =	vld.idx.msk [tilespmem:v32+s12+$0x0], $0xffff  }
0x198: {  	v62 =	vadd.s32 s23, v28;
	v42 =	vadd.s32 v4, v55;
	[tilespmem:s21+$0xFFFFFD20] =	vst v36;
	v31 =	vld.idx.msk [tilespmem:v50+s12+$0x0], $0xffff;
	v56 =	vmul.f32 $8.000000000e+00, v60  }
0x199: {  	v41 =	vadd.s32 v5, v59;
	v61 =	vadd.s32 s1, v28;
	v44 =	vmul.f32 $8.000000000e+00, v44;
	v33 =	vld.idx.msk [tilespmem:v33+s12+$0x0], $0xffff;
	[tilespmem:s21+$0xFFFFFC20] =	vst v30  }
0x19a: {  	v53 =	vadd.s32 s22, v28;
	v60 =	vmul.f32 $8.000000000e+00, v37;
	v37 =	vadd.s32 v5, v61;
	v40 =	vld.idx.msk [tilespmem:v40+s12+$0x0], $0xffff;
	[tilespmem:s21+$0xFFFFFEA0] =	vst v56  }
0x19b: {  	v49 =	vadd.s32 v5, v62;
	v54 =	vadd.s32 v5, v53;
	v29 =	vld.idx.msk [tilespmem:v29+s12+$0x0], $0xffff;
	[tilespmem:s6+$0x260] =	vst v44;
	v48 =	vmul.f32 $8.000000000e+00, v43  }
0x19c: {  	v62 =	vadd.s32 s30, v28;
	v50 =	vadd.s32 s9, v28;
	[tilespmem:s21+$0xFFFFFF20] =	vst v60;
	v63 =	vld.idx.msk [tilespmem:v46+s12+$0x0], $0xffff;
	v51 =	vmul.f32 $8.000000000e+00, v32  }
0x19d: {  	v57 =	vadd.s32 s26, v18;
	v52 =	vadd.s32 v5, v50;
	v42 =	vld.idx.msk [tilespmem:v42+s12+$0x0], $0xffff;
	v31 =	vmul.f32 $8.000000000e+00, v31;
	[tilespmem:s21+$0xFFFFFFB0] =	vst v48  }
0x19e: {  	v56 =	vmul.f32 $8.000000000e+00, v58;
	v58 =	vadd.s32 v15, v57;
	v33 =	vmul.f32 $8.000000000e+00, v33;
	[tilespmem:s21+$0xFFFFFCB0] =	vst v51;
	v41 =	vld.idx.msk [tilespmem:v41+s12+$0x0], $0xffff  }
0x19f: {  	v55 =	vadd.s32 s11, v28;
	v60 =	vadd.s32 s13, v28;
	v28 =	vadd.s32 v5, v62;
	[tilespmem:s21+$0xFFFFFE30] =	vst v31;
	v59 =	vld.idx.msk [tilespmem:v37+s12+$0x0], $0xffff  }
0x1a0: {  	v44 =	vadd.s32 v5, v55;
	v40 =	vmul.f32 $8.000000000e+00, v40;
	[tilespmem:s21+$0xFFFFFD30] =	vst v33;
	v34 =	vld.idx.msk [tilespmem:v54+s12+$0x0], $0xffff  }
0x1a1: {  	[tilespmem:s21+$0xFFFFFDB0] =	vst v56;
	v48 =	vadd.s32 s10, v27;
	v29 =	vmul.f32 $8.000000000e+00, v29;
	v37 =	vadd.s32 v5, v60;
	v43 =	vld.idx.msk [tilespmem:v49+s12+$0x0], $0xffff  }
0x1a2: {  	v50 =	vadd.s32 s1, v27;
	v32 =	vadd.s32 v6, v48;
	[tilespmem:s6+$0x2E0] =	vst v40;
	v61 =	vmul.f32 $8.000000000e+00, v63;
	v63 =	vld.idx.msk [tilespmem:v52+s12+$0x0], $0xffff  }
0x1a3: {  	v51 =	vadd.s32 v6, v50;
	v49 =	vmul.f32 $8.000000000e+00, v42;
	v52 =	vadd.s32 s23, v27;
	v33 =	vld.idx.msk [tilespmem:v58+s12+$0x0], $0xffff;
	[tilespmem:s21+$0xFFFFFC30] =	vst v29  }
0x1a4: {  	v55 =	vadd.s32 s9, v27;
	v54 =	vadd.s32 v6, v52;
	v28 =	vld.idx.msk [tilespmem:v28+s12+$0x0], $0xffff;
	[tilespmem:s21+$0xFFFFFEB0] =	vst v61;
	v53 =	vmul.f32 $8.000000000e+00, v41  }
0x1a5: {  	v35 =	vadd.s32 v15, v35;
	v57 =	vadd.s32 v6, v55;
	[tilespmem:s21+$0xFFFFFF30] =	vst v49;
	v44 =	vld.idx.msk [tilespmem:v44+s12+$0x0], $0xffff;
	v56 =	vmul.f32 $8.000000000e+00, v59  }
0x1a6: {  	v39 =	vadd.s32 v16, v39;
	v58 =	vadd.s32 s22, v27;
	v37 =	vld.idx.msk [tilespmem:v37+s12+$0x0], $0xffff;
	v43 =	vmul.f32 $8.000000000e+00, v43;
	[tilespmem:s21+$0xFFFFFFC0] =	vst v53  }
0x1a7: {  	v46 =	vadd.s32 s30, v27;
	v59 =	vadd.s32 v6, v58;
	v61 =	vmul.f32 $8.000000000e+00, v63;
	[tilespmem:s21+$0xFFFFFCC0] =	vst v56;
	v32 =	vld.idx.msk [tilespmem:v32+s12+$0x0], $0xffff  }
0x1a8: {  	v50 =	vadd.s32 s1, v26;
	v60 =	vadd.s32 s11, v27;
	v34 =	vmul.f32 $8.000000000e+00, v34;
	[tilespmem:s21+$0xFFFFFD40] =	vst v43;
	v40 =	vld.idx.msk [tilespmem:v51+s12+$0x0], $0xffff  }
0x1a9: {  	v63 =	vadd.s32 s13, v27;
	v33 =	vmul.f32 $8.000000000e+00, v33;
	v27 =	vadd.s32 v6, v46;
	[tilespmem:s21+$0xFFFFFDC0] =	vst v61;
	v41 =	vld.idx.msk [tilespmem:v54+s12+$0x0], $0xffff  }
0x1aa: {  	v48 =	vadd.s32 s10, v26;
	v62 =	vadd.s32 v6, v60;
	[tilespmem:s21+$0xFFFFFE40] =	vst v34;
	v28 =	vmul.f32 $8.000000000e+00, v28;
	v47 =	vld.idx.msk [tilespmem:v57+s12+$0x0], $0xffff  }
0x1ab: {  	v36 =	vadd.s32 v7, v48;
	v42 =	vadd.s32 v6, v63;
	[tilespmem:s6+$0x360] =	vst v33;
	v45 =	vmul.f32 $8.000000000e+00, v44;
	v54 =	vld.idx.msk [tilespmem:v35+s12+$0x0], $0xffff  }
0x1ac: {  	v52 =	vadd.s32 s23, v26;
	v56 =	vadd.s32 s9, v26;
	[tilespmem:s21+$0xFFFFFC40] =	vst v28;
	v49 =	vmul.f32 $8.000000000e+00, v37;
	v30 =	vld.idx.msk [tilespmem:v59+s12+$0x0], $0xffff  }
0x1ad: {  	v51 =	vadd.s32 v7, v50;
	v37 =	vadd.s32 v7, v56;
	v56 =	vld.idx.msk [tilespmem:v39+s12+$0x0], $0xffff;
	[tilespmem:s21+$0xFFFFFEC0] =	vst v45;
	v53 =	vmul.f32 $8.000000000e+00, v32  }
0x1ae: {  	v55 =	vadd.s32 v7, v52;
	v27 =	vld.idx.msk [tilespmem:v27+s12+$0x0], $0xffff;
	[tilespmem:s21+$0xFFFFFF40] =	vst v49;
	v57 =	vmul.f32 $8.000000000e+00, v40  }
0x1af: {  	v60 =	vadd.s32 s11, v26;
	v58 =	vadd.s32 s22, v26;
	v31 =	vld.idx.msk [tilespmem:v62+s12+$0x0], $0xffff;
	v41 =	vmul.f32 $8.000000000e+00, v41;
	[tilespmem:s21+$0xFFFFFFD0] =	vst v53  }
0x1b0: {  	v46 =	vadd.s32 s30, v26;
	v59 =	vadd.s32 v7, v58;
	v42 =	vld.idx.msk [tilespmem:v42+s12+$0x0], $0xffff;
	v61 =	vmul.f32 $8.000000000e+00, v47;
	[tilespmem:s21+$0xFFFFFCD0] =	vst v57  }
0x1b1: {  	v63 =	vadd.s32 s13, v26;
	v26 =	vadd.s32 v7, v46;
	v45 =	vmul.f32 $8.000000000e+00, v54;
	v36 =	vld.idx.msk [tilespmem:v36+s12+$0x0], $0xffff;
	[tilespmem:s21+$0xFFFFFD50] =	vst v41  }
0x1b2: {  	v62 =	vadd.s32 v7, v60;
	v30 =	vmul.f32 $8.000000000e+00, v30;
	v33 =	vld.idx.msk [tilespmem:v51+s12+$0x0], $0xffff;
	[tilespmem:s21+$0xFFFFFDD0] =	vst v61  }
0x1b3: {  	v48 =	vadd.s32 v7, v63;
	v27 =	vmul.f32 $8.000000000e+00, v27;
	[tilespmem:s6+$0x60] =	vst v45;
	v47 =	vld.idx.msk [tilespmem:v55+s12+$0x0], $0xffff  }
0x1b4: {  	v50 =	vadd.s32 s10, v25;
	v44 =	vmul.f32 $8.000000000e+00, v31;
	[tilespmem:s21+$0xFFFFFE50] =	vst v30;
	v49 =	vld.idx.msk [tilespmem:v37+s12+$0x0], $0xffff  }
0x1b5: {  	v52 =	vadd.s32 s1, v25;
	v37 =	vadd.s32 v8, v50;
	v51 =	vmul.f32 $8.000000000e+00, v42;
	v29 =	vld.idx.msk [tilespmem:v59+s12+$0x0], $0xffff;
	[tilespmem:s21+$0xFFFFFC50] =	vst v27  }
0x1b6: {  	v46 =	vadd.s32 s13, v25;
	v53 =	vadd.s32 v8, v52;
	[tilespmem:s21+$0xFFFFFED0] =	vst v44;
	v26 =	vld.idx.msk [tilespmem:v26+s12+$0x0], $0xffff;
	v55 =	vmul.f32 $8.000000000e+00, v36  }
0x1b7: {  	v54 =	vadd.s32 s23, v25;
	v45 =	vadd.s32 v16, v38;
	v34 =	vld.idx.msk [tilespmem:v62+s12+$0x0], $0xffff;
	[tilespmem:s21+$0xFFFFFF50] =	vst v51;
	v59 =	vmul.f32 $8.000000000e+00, v33  }
0x1b8: {  	v58 =	vadd.s32 s9, v25;
	v57 =	vadd.s32 v8, v54;
	v35 =	vld.idx.msk [tilespmem:v48+s12+$0x0], $0xffff;
	v48 =	vmul.f32 $8.000000000e+00, v56;
	[tilespmem:s21+$0xFFFFFFE0] =	vst v55  }
0x1b9: {  	v60 =	vadd.s32 v8, v58;
	v61 =	vadd.s32 s22, v25;
	v32 =	vmul.f32 $8.000000000e+00, v47;
	[tilespmem:s21+$0xFFFFFCE0] =	vst v59  }
0x1ba: {  	v63 =	vadd.s32 s11, v25;
	v62 =	vadd.s32 v8, v61;
	v43 =	vmul.f32 $8.000000000e+00, v49;
	[tilespmem:s6+$0xF0] =	vst v48;
	v37 =	vld.idx.msk [tilespmem:v37+s12+$0x0], $0xffff  }
0x1bb: {  	v44 =	vadd.s32 v8, v63;
	v49 =	vadd.s32 s30, v25;
	v29 =	vmul.f32 $8.000000000e+00, v29;
	[tilespmem:s21+$0xFFFFFD60] =	vst v32;
	v31 =	vld.idx.msk [tilespmem:v53+s12+$0x0], $0xffff  }
0x1bc: {  	v39 =	vadd.s32 s13, v23;
	v25 =	vadd.s32 v8, v49;
	[tilespmem:s21+$0xFFFFFDE0] =	vst v43;
	v26 =	vmul.f32 $8.000000000e+00, v26;
	v32 =	vld.idx.msk [tilespmem:v45+s12+$0x0], $0xffff  }
0x1bd: {  	v38 =	vadd.s32 v8, v46;
	v41 =	vadd.s32 s31, v17;
	v47 =	vmul.f32 $8.000000000e+00, v34;
	v50 =	vld.idx.msk [tilespmem:v57+s12+$0x0], $0xffff;
	[tilespmem:s21+$0xFFFFFE60] =	vst v29  }
0x1be: {  	v52 =	vadd.s32 s10, v24;
	v51 =	vld.idx.msk [tilespmem:v60+s12+$0x0], $0xffff;
	v29 =	vadd.s32 v16, v41;
	v53 =	vmul.f32 $8.000000000e+00, v35;
	[tilespmem:s21+$0xFFFFFC60] =	vst v26  }
0x1bf: {  	v54 =	vadd.s32 s1, v24;
	v33 =	vadd.s32 v9, v52;
	v28 =	vld.idx.msk [tilespmem:v62+s12+$0x0], $0xffff;
	[tilespmem:s21+$0xFFFFFEE0] =	vst v47;
	v57 =	vmul.f32 $8.000000000e+00, v37  }
0x1c0: {  	v56 =	vadd.s32 s23, v24;
	v55 =	vadd.s32 v9, v54;
	v30 =	vld.idx.msk [tilespmem:v44+s12+$0x0], $0xffff;
	[tilespmem:s21+$0xFFFFFF60] =	vst v53;
	v59 =	vmul.f32 $8.000000000e+00, v31  }
0x1c1: {  	v58 =	vadd.s32 s9, v24;
	v35 =	vadd.s32 v9, v56;
	v25 =	vld.idx.msk [tilespmem:v25+s12+$0x0], $0xffff;
	v44 =	vmul.f32 $8.000000000e+00, v32;
	[tilespmem:s21+$0xFFFFFFF0] =	vst v57  }
0x1c2: {  	v61 =	vadd.s32 s22, v24;
	v60 =	vadd.s32 v9, v58;
	v38 =	vld.idx.msk [tilespmem:v38+s12+$0x0], $0xffff;
	v36 =	vmul.f32 $8.000000000e+00, v50;
	[tilespmem:s21+$0xFFFFFCF0] =	vst v59  }
0x1c3: {  	v63 =	vadd.s32 s11, v24;
	v62 =	vadd.s32 v9, v61;
	v40 =	vmul.f32 $8.000000000e+00, v51;
	v29 =	vld.idx.msk [tilespmem:v29+s12+$0x0], $0xffff;
	[tilespmem:s6+$0x170] =	vst v44  }
0x1c4: {  	v45 =	vadd.s32 s30, v24;
	v37 =	vadd.s32 v9, v63;
	v28 =	vmul.f32 $8.000000000e+00, v28;
	v33 =	vld.idx.msk [tilespmem:v33+s12+$0x0], $0xffff;
	[tilespmem:s21+$0xFFFFFD70] =	vst v36  }
0x1c5: {  	v42 =	vadd.s32 s13, v24;
	v24 =	vadd.s32 v9, v45;
	v34 =	vld.idx.msk [tilespmem:v55+s12+$0x0], $0xffff;
	[tilespmem:s21+$0xFFFFFDF0] =	vst v40;
	v43 =	vmul.f32 $8.000000000e+00, v30  }
0x1c6: {  	v47 =	vadd.s32 v9, v42;
	v63 =	vadd.s32 s29, v17;
	v46 =	vld.idx.msk [tilespmem:v35+s12+$0x0], $0xffff;
	[tilespmem:s21+$0xFFFFFE70] =	vst v28;
	v25 =	vmul.f32 $8.000000000e+00, v25  }
0x1c7: {  	v49 =	vadd.s32 s10, v23;
	v48 =	vld.idx.msk [tilespmem:v60+s12+$0x0], $0xffff;
	v28 =	vadd.s32 v16, v63;
	v50 =	vmul.f32 $8.000000000e+00, v38;
	[tilespmem:s21+$0xFFFFFEF0] =	vst v43  }
0x1c8: {  	v31 =	vadd.s32 v10, v49;
	v51 =	vadd.s32 s1, v23;
	v27 =	vld.idx.msk [tilespmem:v62+s12+$0x0], $0xffff;
	[tilespmem:s21+$0xFFFFFC70] =	vst v25;
	v29 =	vmul.f32 $8.000000000e+00, v29  }
0x1c9: {  	v53 =	vadd.s32 s23, v23;
	v52 =	vadd.s32 v10, v51;
	v37 =	vld.idx.msk [tilespmem:v37+s12+$0x0], $0xffff;
	[tilespmem:s21+$0xFFFFFF70] =	vst v50;
	v54 =	vmul.f32 $8.000000000e+00, v33  }
0x1ca: {  	v56 =	vadd.s32 s9, v23;
	v55 =	vadd.s32 v10, v53;
	v24 =	vld.idx.msk [tilespmem:v24+s12+$0x0], $0xffff;
	v57 =	vmul.f32 $8.000000000e+00, v34;
	[tilespmem:s6+$0x1F0] =	vst v29  }
0x1cb: {  	v58 =	vadd.s32 v10, v56;
	v59 =	vadd.s32 s22, v23;
	v35 =	vld.idx.msk [tilespmem:v47+s12+$0x0], $0xffff;
	v32 =	vmul.f32 $8.000000000e+00, v46;
	[tilespmem:s21+$0x380] =	vst v54  }
0x1cc: {  	v61 =	vadd.s32 s11, v23;
	v60 =	vadd.s32 v10, v59;
	v62 =	vmul.f32 $8.000000000e+00, v48;
	v28 =	vld.idx.msk [tilespmem:v28+s12+$0x0], $0xffff;
	[tilespmem:s21+$0x80] =	vst v57  }
0x1cd: {  	v41 =	vadd.s32 s30, v23;
	v36 =	vadd.s32 v10, v61;
	v27 =	vmul.f32 $8.000000000e+00, v27;
	v31 =	vld.idx.msk [tilespmem:v31+s12+$0x0], $0xffff;
	[tilespmem:s21+$0x100] =	vst v32  }
0x1ce: {  	v45 =	vadd.s32 s1, v22;
	v23 =	vadd.s32 v10, v41;
	v30 =	vld.idx.msk [tilespmem:v52+s12+$0x0], $0xffff;
	[tilespmem:s21+$0x180] =	vst v62;
	v40 =	vmul.f32 $8.000000000e+00, v37  }
0x1cf: {  	v57 =	vadd.s32 s28, v17;
	v32 =	vadd.s32 v10, v39;
	v33 =	vld.idx.msk [tilespmem:v55+s12+$0x0], $0xffff;
	[tilespmem:s21+$0x200] =	vst v27;
	v24 =	vmul.f32 $8.000000000e+00, v24  }
0x1d0: {  	v43 =	vadd.s32 s10, v22;
	v42 =	vld.idx.msk [tilespmem:v58+s12+$0x0], $0xffff;
	v27 =	vadd.s32 v16, v57;
	v44 =	vmul.f32 $8.000000000e+00, v35;
	[tilespmem:s21+$0x280] =	vst v40  }
0x1d1: {  	v53 =	vadd.s32 s22, v22;
	v34 =	vadd.s32 v11, v43;
	v26 =	vld.idx.msk [tilespmem:v60+s12+$0x0], $0xffff;
	[tilespmem:s21+$0x0] =	vst v24;
	v28 =	vmul.f32 $8.000000000e+00, v28  }
0x1d2: {  	v47 =	vadd.s32 s23, v22;
	v46 =	vadd.s32 v11, v45;
	v36 =	vld.idx.msk [tilespmem:v36+s12+$0x0], $0xffff;
	[tilespmem:s21+$0x300] =	vst v44;
	v48 =	vmul.f32 $8.000000000e+00, v31  }
0x1d3: {  	v50 =	vadd.s32 s9, v22;
	v49 =	vadd.s32 v11, v47;
	v23 =	vld.idx.msk [tilespmem:v23+s12+$0x0], $0xffff;
	v51 =	vmul.f32 $8.000000000e+00, v30;
	[tilespmem:s6+$0x270] =	vst v28  }
0x1d4: {  	v38 =	vadd.s32 s23, v21;
	v52 =	vadd.s32 v11, v50;
	v32 =	vld.idx.msk [tilespmem:v32+s12+$0x0], $0xffff;
	v33 =	vmul.f32 $8.000000000e+00, v33;
	[tilespmem:s21+$0x390] =	vst v48  }
0x1d5: {  	v54 =	vadd.s32 v11, v53;
	v55 =	vadd.s32 s11, v22;
	v56 =	vmul.f32 $8.000000000e+00, v42;
	v27 =	vld.idx.msk [tilespmem:v27+s12+$0x0], $0xffff;
	[tilespmem:s21+$0x90] =	vst v51  }
0x1d6: {  	v35 =	vadd.s32 v11, v55;
	v60 =	vadd.s32 s30, v22;
	v26 =	vmul.f32 $8.000000000e+00, v26;
	v34 =	vld.idx.msk [tilespmem:v34+s12+$0x0], $0xffff;
	[tilespmem:s21+$0x110] =	vst v33  }
0x1d7: {  	v58 =	vadd.s32 s13, v22;
	v22 =	vadd.s32 v11, v60;
	v29 =	vld.idx.msk [tilespmem:v46+s12+$0x0], $0xffff;
	[tilespmem:s21+$0x190] =	vst v56;
	v59 =	vmul.f32 $8.000000000e+00, v36  }
0x1d8: {  	v47 =	vadd.s32 s26, v17;
	v33 =	vadd.s32 v11, v58;
	v31 =	vld.idx.msk [tilespmem:v49+s12+$0x0], $0xffff;
	[tilespmem:s21+$0x210] =	vst v26;
	v23 =	vmul.f32 $8.000000000e+00, v23  }
0x1d9: {  	v62 =	vadd.s32 s10, v21;
	v61 =	vld.idx.msk [tilespmem:v52+s12+$0x0], $0xffff;
	v26 =	vadd.s32 v16, v47;
	v63 =	vmul.f32 $8.000000000e+00, v32;
	[tilespmem:s21+$0x290] =	vst v59  }
0x1da: {  	v30 =	vadd.s32 v12, v62;
	v36 =	vadd.s32 s1, v21;
	v25 =	vld.idx.msk [tilespmem:v54+s12+$0x0], $0xffff;
	[tilespmem:s21+$0x10] =	vst v23;
	v27 =	vmul.f32 $8.000000000e+00, v27  }
0x1db: {  	v43 =	vadd.s32 s22, v21;
	v37 =	vadd.s32 v12, v36;
	v35 =	vld.idx.msk [tilespmem:v35+s12+$0x0], $0xffff;
	[tilespmem:s21+$0x310] =	vst v63;
	v39 =	vmul.f32 $8.000000000e+00, v34  }
0x1dc: {  	v40 =	vadd.s32 s9, v21;
	v32 =	vadd.s32 v12, v38;
	v22 =	vld.idx.msk [tilespmem:v22+s12+$0x0], $0xffff;
	v41 =	vmul.f32 $8.000000000e+00, v29;
	[tilespmem:s6+$0x2F0] =	vst v27  }
0x1dd: {  	v45 =	vadd.s32 s11, v21;
	v42 =	vadd.s32 v12, v40;
	v33 =	vld.idx.msk [tilespmem:v33+s12+$0x0], $0xffff;
	v31 =	vmul.f32 $8.000000000e+00, v31;
	[tilespmem:s21+$0x3A0] =	vst v39  }
0x1de: {  	v50 =	vadd.s32 s30, v21;
	v44 =	vadd.s32 v12, v43;
	v46 =	vmul.f32 $8.000000000e+00, v61;
	v26 =	vld.idx.msk [tilespmem:v26+s12+$0x0], $0xffff;
	[tilespmem:s21+$0xA0] =	vst v41  }
0x1df: {  	v43 =	vadd.s32 s10, v19;
	v34 =	vadd.s32 v12, v45;
	v25 =	vmul.f32 $8.000000000e+00, v25;
	v30 =	vld.idx.msk [tilespmem:v30+s12+$0x0], $0xffff;
	[tilespmem:s21+$0x120] =	vst v31  }
0x1e0: {  	v48 =	vadd.s32 s13, v21;
	v21 =	vadd.s32 v12, v50;
	v28 =	vld.idx.msk [tilespmem:v37+s12+$0x0], $0xffff;
	[tilespmem:s21+$0x1A0] =	vst v46;
	v49 =	vmul.f32 $8.000000000e+00, v35  }
0x1e1: {  	v38 =	vadd.s32 s25, v17;
	v31 =	vadd.s32 v12, v48;
	v32 =	vld.idx.msk [tilespmem:v32+s12+$0x0], $0xffff;
	[tilespmem:s21+$0x220] =	vst v25;
	v22 =	vmul.f32 $8.000000000e+00, v22  }
0x1e2: {  	v52 =	vadd.s32 s10, v20;
	v51 =	vld.idx.msk [tilespmem:v42+s12+$0x0], $0xffff;
	v25 =	vadd.s32 v16, v38;
	v53 =	vmul.f32 $8.000000000e+00, v33;
	[tilespmem:s21+$0x2A0] =	vst v49  }
0x1e3: {  	v54 =	vadd.s32 s1, v20;
	v29 =	vadd.s32 v13, v52;
	v24 =	vld.idx.msk [tilespmem:v44+s12+$0x0], $0xffff;
	[tilespmem:s21+$0x20] =	vst v22;
	v26 =	vmul.f32 $8.000000000e+00, v26  }
0x1e4: {  	v56 =	vadd.s32 s23, v20;
	v55 =	vadd.s32 v13, v54;
	v34 =	vld.idx.msk [tilespmem:v34+s12+$0x0], $0xffff;
	[tilespmem:s21+$0x320] =	vst v53;
	v57 =	vmul.f32 $8.000000000e+00, v30  }
0x1e5: {  	v58 =	vadd.s32 v13, v56;
	v59 =	vadd.s32 s9, v20;
	v21 =	vld.idx.msk [tilespmem:v21+s12+$0x0], $0xffff;
	v60 =	vmul.f32 $8.000000000e+00, v28;
	[tilespmem:s6+$0x370] =	vst v26  }
0x1e6: {  	v62 =	vadd.s32 s22, v20;
	v61 =	vadd.s32 v13, v59;
	v31 =	vld.idx.msk [tilespmem:v31+s12+$0x0], $0xffff;
	v32 =	vmul.f32 $8.000000000e+00, v32;
	[tilespmem:s21+$0x3B0] =	vst v57  }
0x1e7: {  	v36 =	vadd.s32 s11, v20;
	v63 =	vadd.s32 v13, v62;
	v37 =	vmul.f32 $8.000000000e+00, v51;
	v25 =	vld.idx.msk [tilespmem:v25+s12+$0x0], $0xffff;
	[tilespmem:s21+$0xB0] =	vst v60  }
0x1e8: {  	v41 =	vadd.s32 s30, v20;
	v33 =	vadd.s32 v13, v36;
	v24 =	vmul.f32 $8.000000000e+00, v24;
	v29 =	vld.idx.msk [tilespmem:v29+s12+$0x0], $0xffff;
	[tilespmem:s21+$0x130] =	vst v32  }
0x1e9: {  	v39 =	vadd.s32 s13, v20;
	v20 =	vadd.s32 v13, v41;
	v27 =	vld.idx.msk [tilespmem:v55+s12+$0x0], $0xffff;
	[tilespmem:s21+$0x1B0] =	vst v37;
	v40 =	vmul.f32 $8.000000000e+00, v34  }
0x1ea: {  	v47 =	vadd.s32 s23, v19;
	v32 =	vadd.s32 v13, v39;
	v30 =	vld.idx.msk [tilespmem:v58+s12+$0x0], $0xffff;
	[tilespmem:s21+$0x230] =	vst v24;
	v21 =	vmul.f32 $8.000000000e+00, v21  }
0x1eb: {  	v45 =	vadd.s32 s1, v19;
	v28 =	vadd.s32 v14, v43;
	v42 =	vld.idx.msk [tilespmem:v61+s12+$0x0], $0xffff;
	v44 =	vmul.f32 $8.000000000e+00, v31;
	[tilespmem:s21+$0x2B0] =	vst v40  }
0x1ec: {  	v50 =	vadd.s32 s9, v19;
	v46 =	vadd.s32 v14, v45;
	v23 =	vld.idx.msk [tilespmem:v63+s12+$0x0], $0xffff;
	[tilespmem:s21+$0x30] =	vst v21;
	v25 =	vmul.f32 $8.000000000e+00, v25  }
0x1ed: {  	v52 =	vadd.s32 v14, v50;
	v49 =	vadd.s32 v14, v47;
	v33 =	vld.idx.msk [tilespmem:v33+s12+$0x0], $0xffff;
	[tilespmem:s21+$0x330] =	vst v44;
	v48 =	vmul.f32 $8.000000000e+00, v29  }
0x1ee: {  	v53 =	vadd.s32 s22, v19;
	v55 =	vadd.s32 s11, v19;
	v20 =	vld.idx.msk [tilespmem:v20+s12+$0x0], $0xffff;
	v51 =	vmul.f32 $8.000000000e+00, v27;
	[tilespmem:s6+$0x70] =	vst v25  }
0x1ef: {  	v54 =	vadd.s32 v14, v53;
	v57 =	vadd.s32 v14, v55;
	v32 =	vld.idx.msk [tilespmem:v32+s12+$0x0], $0xffff;
	v30 =	vmul.f32 $8.000000000e+00, v30;
	[tilespmem:s21+$0x3C0] =	vst v48  }
0x1f0: {  	v58 =	vadd.s32 s13, v19;
	v19 =	vadd.s32 s30, v19;
	v56 =	vmul.f32 $8.000000000e+00, v42;
	[tilespmem:s21+$0xC0] =	vst v51;
	v28 =	vld.idx.msk [tilespmem:v28+s12+$0x0], $0xffff  }
0x1f1: {  	v41 =	vadd.s32 s22, v18;
	v19 =	vadd.s32 v14, v19;
	v23 =	vmul.f32 $8.000000000e+00, v23;
	[tilespmem:s21+$0x140] =	vst v30;
	v26 =	vld.idx.msk [tilespmem:v46+s12+$0x0], $0xffff  }
0x1f2: {  	v60 =	vadd.s32 s10, v18;
	[tilespmem:s21+$0x1C0] =	vst v56;
	v30 =	vadd.s32 v14, v58;
	v59 =	vmul.f32 $8.000000000e+00, v33;
	v29 =	vld.idx.msk [tilespmem:v49+s12+$0x0], $0xffff  }
0x1f3: {  	v61 =	vadd.s32 s1, v18;
	[tilespmem:s21+$0x240] =	vst v23;
	v27 =	vld.idx.msk [tilespmem:v52+s12+$0x0], $0xffff;
	v23 =	vadd.s32 v15, v60;
	v20 =	vmul.f32 $8.000000000e+00, v20  }
0x1f4: {  	v31 =	vadd.s32 v15, v61;
	v63 =	vadd.s32 s23, v18;
	v62 =	vmul.f32 $8.000000000e+00, v32;
	v22 =	vld.idx.msk [tilespmem:v54+s12+$0x0], $0xffff;
	[tilespmem:s21+$0x2C0] =	vst v59  }
0x1f5: {  	v38 =	vadd.s32 s9, v18;
	v36 =	vadd.s32 v15, v63;
	[tilespmem:s21+$0x40] =	vst v20;
	v24 =	vld.idx.msk [tilespmem:v57+s12+$0x0], $0xffff;
	v37 =	vmul.f32 $8.000000000e+00, v28  }
0x1f6: {  	v43 =	vadd.s32 s11, v18;
	[tilespmem:s21+$0x340] =	vst v62;
	v19 =	vld.idx.msk [tilespmem:v19+s12+$0x0], $0xffff;
	v39 =	vmul.f32 $8.000000000e+00, v26;
	v28 =	vadd.s32 v15, v38  }
0x1f7: {  	v45 =	vadd.s32 v15, v43;
	v42 =	vadd.s32 v15, v41;
	v40 =	vld.idx.msk [tilespmem:v30+s12+$0x0], $0xffff;
	v29 =	vmul.f32 $8.000000000e+00, v29;
	[tilespmem:s21+$0x3D0] =	vst v37  }
0x1f8: {  	v46 =	vadd.s32 s13, v18;
	v18 =	vadd.s32 s30, v18;
	v44 =	vmul.f32 $8.000000000e+00, v27;
	[tilespmem:s21+$0xD0] =	vst v39;
	v23 =	vld.idx.msk [tilespmem:v23+s12+$0x0], $0xffff  }
0x1f9: {  	v50 =	vadd.s32 s1, v17;
	v18 =	vadd.s32 v15, v18;
	v22 =	vmul.f32 $8.000000000e+00, v22;
	v31 =	vld.idx.msk [tilespmem:v31+s12+$0x0], $0xffff;
	[tilespmem:s21+$0x150] =	vst v29  }
0x1fa: {  	v47 =	vadd.s32 v15, v46;
	v49 =	vadd.s32 s10, v17;
	[tilespmem:s21+$0x1D0] =	vst v44;
	v25 =	vld.idx.msk [tilespmem:v36+s12+$0x0], $0xffff;
	v48 =	vmul.f32 $8.000000000e+00, v24  }
0x1fb: {  	v53 =	vadd.s32 v16, v50;
	[tilespmem:s21+$0x250] =	vst v22;
	v24 =	vadd.s32 v16, v49;
	v19 =	vmul.f32 $8.000000000e+00, v19;
	v51 =	vld.idx.msk [tilespmem:v28+s12+$0x0], $0xffff  }
0x1fc: {  	v55 =	vadd.s32 s22, v17;
	v52 =	vadd.s32 s23, v17;
	v26 =	vmul.f32 $8.000000000e+00, v40;
	v21 =	vld.idx.msk [tilespmem:v42+s12+$0x0], $0xffff;
	[tilespmem:s21+$0x2D0] =	vst v48  }
0x1fd: {  	v54 =	vadd.s32 s9, v17;
	v28 =	vadd.s32 v16, v52;
	[tilespmem:s21+$0x50] =	vst v19;
	v27 =	vld.idx.msk [tilespmem:v45+s12+$0x0], $0xffff;
	v23 =	vmul.f32 $8.000000000e+00, v23  }
0x1fe: {  	v56 =	vadd.s32 v16, v55;
	[tilespmem:s21+$0x350] =	vst v26;
	v26 =	vadd.s32 v16, v54;
	v18 =	vld.idx.msk [tilespmem:v18+s12+$0x0], $0xffff;
	v19 =	vmul.f32 $8.000000000e+00, v31  }
0x1ff: {  	v59 =	vadd.s32 s13, v17;
	v57 =	vadd.s32 s11, v17;
	v29 =	vld.idx.msk [tilespmem:v47+s12+$0x0], $0xffff;
	v25 =	vmul.f32 $8.000000000e+00, v25;
	[tilespmem:s21+$0x3E0] =	vst v23  }
0x200: {  	v17 =	vadd.s32 s30, v17;
	v58 =	vadd.s32 v16, v57;
	[tilespmem:s21+$0xE0] =	vst v19;
	v22 =	vmul.f32 $8.000000000e+00, v51;
	v19 =	vld.idx.msk [tilespmem:v24+s12+$0x0], $0xffff  }
0x201: {  	v17 =	vadd.s32 v16, v17;
	v21 =	vmul.f32 $8.000000000e+00, v21;
	v20 =	vld.idx.msk [tilespmem:v53+s12+$0x0], $0xffff;
	[tilespmem:s21+$0x160] =	vst v25  }
0x202: {  	v60 =	vadd.s32 v16, v59;
	v28 =	vld.idx.msk [tilespmem:v28+s12+$0x0], $0xffff;
	v27 =	vmul.f32 $8.000000000e+00, v27;
	[tilespmem:s21+$0x1E0] =	vst v22  }
0x203: {  	[tilespmem:s21+$0x260] =	vst v21;
	v18 =	vmul.f32 $8.000000000e+00, v18;
	v26 =	vld.idx.msk [tilespmem:v26+s12+$0x0], $0xffff  }
0x204: {  	v61 =	vmul.f32 $8.000000000e+00, v29;
	v21 =	vld.idx.msk [tilespmem:v56+s12+$0x0], $0xffff;
	[tilespmem:s21+$0x2E0] =	vst v27  }
0x205: {  	[tilespmem:s21+$0x60] =	vst v18;
	v62 =	vld.idx.msk [tilespmem:v58+s12+$0x0], $0xffff;
	v19 =	vmul.f32 $8.000000000e+00, v19  }
0x206: {  	[tilespmem:s21+$0x360] =	vst v61;
	v17 =	vld.idx.msk [tilespmem:v17+s12+$0x0], $0xffff;
	v20 =	vmul.f32 $8.000000000e+00, v20  }
0x207: {  	v22 =	vld.idx.msk [tilespmem:v60+s12+$0x0], $0xffff;
	v18 =	vmul.f32 $8.000000000e+00, v28;
	[tilespmem:s21+$0x3F0] =	vst v19  }
0x208: {  	v19 =	vmul.f32 $8.000000000e+00, v26;
	[tilespmem:s21+$0xF0] =	vst v20  }
0x209: {  	v63 =	vmul.f32 $8.000000000e+00, v21;
	[tilespmem:s21+$0x170] =	vst v18  }
0x20a: {  	p1 =	sne.s32 s24, $0x31;
	v18 =	vmul.f32 $8.000000000e+00, v62;
	[tilespmem:s21+$0x1F0] =	vst v19  }
.Ltmp3:
0x20b: {  	s25 =	sshll.u32 s24, $0x14;
	[tilespmem:s21+$0x270] =	vst v63;
	v17 =	vmul.f32 $8.000000000e+00, v17;
	(pc) =	sbr.rel @p1 .LBB2_10-.Ltmp3, $4  }
0x20c: {  	s29 =	sor.u32 s5, s25;
	v19 =	vmul.f32 $8.000000000e+00, v22;
	[tilespmem:s21+$0x2F0] =	vst v18  }
0x20d: {  	s1 =	sshrl.u32 s29, $0x3;
	s30 =	rddreg [dreg:$0x1];
	[tilespmem:s21+$0x70] =	vst v17  }
0x20e: {  	s31 =	simm.s32 $0x16800;
	s0 =	sadd.s32 s30, s1;
	[tilespmem:s21+$0x370] =	vst v19  }
0x20f: {  	[hbm4b:s0+s16] =	stream.strided.scatter [tilespmem:s31], [sflag:$0x3], $0x4000, s17, s16, $0x38;
	[tilespmem:$0x1E800] =	vst v63  }
.Ltmp4:
0x210: {  	(pc) =	sbr.rel .LBB2_13-.Ltmp4, $4  }
0x211: {  	_ = 	snop  }
0x212: {  	_ =	swait.ge [sflag:s19], $0x8000  }
0x213: {  	[sflag:s19] =	ssyncset.done $0x0  }
0x214: {  	[sflag:s19] =	ssyncadd.s32 $0xFFFF8000  }
.LBB2_10:
0x215: {  	s0 =	simm.s32 $0x10  }
0x216: {  	s1 =	simm.s32 $0x0;
	v17 =	vmov s0  }
0x217: {  	s22 =	sadd.s32 $0x1, s24;
	v19 =	vmov s1;
	v18 =	vmul.u32 $0x32, v17  }
0x218: {  	v17 =	vmov s22;
	v19 =	vmul.u32 $0x32, v19  }
0x219: {  	v18 =	vadd.s32 v17, v18  }
0x21a: {  	s26 =	simm.s32 $0x30;
	v19 =	vadd.s32 v17, v19;
	v18 =	vbroadcast v18, $0x0  }
0x21b: {  	s23 =	simm.s32 $0x20;
	v21 =	vmov s26;
	v19 =	vbroadcast v19, $0x0  }
0x21c: {  	v20 =	vmov s23;
	v21 =	vmul.u32 $0x32, v21;
	v18 =	vadd.s32 v1, v18  }
0x21d: {  	v20 =	vmul.u32 $0x32, v20;
	v19 =	vadd.s32 v1, v19  }
0x21e: {  	v21 =	vadd.s32 v17, v21  }
0x21f: {  	v20 =	vadd.s32 v17, v20;
	v21 =	vbroadcast v21, $0x0  }
0x220: {  	s28 =	simm.s32 $0x50;
	s30 =	simm.s32 $0x40;
	v20 =	vbroadcast v20, $0x0  }
0x221: {  	s31 =	simm.s32 $0x70;
	v22 =	vmov s28;
	v24 =	vmov s30;
	v21 =	vadd.s32 v1, v21;
	v18 =	vld.idx.msk [tilespmem:v18+s3+$0x0], $0xffff  }
0x222: {  	s29 =	simm.s32 $0x60;
	v25 =	vmov s31;
	v23 =	vadd.s32 v1, v20;
	v26 =	vld.idx.msk [tilespmem:v19+s3+$0x0], $0xffff;
	v19 =	vmul.u32 $0x32, v24  }
0x223: {  	v22 =	vmul.u32 $0x32, v22;
	v20 =	vmov s29;
	v24 =	vmul.u32 $0x32, v25  }
0x224: {  	v20 =	vmul.u32 $0x32, v20;
	v19 =	vadd.s32 v17, v19  }
0x225: {  	v22 =	vadd.s32 v17, v22;
	v27 =	vbroadcast v19, $0x0;
	v19 =	vadd.s32 v17, v24  }
0x226: {  	s6 =	simm.s32 $0x6420;
	v20 =	vadd.s32 v17, v20;
	v28 =	vbroadcast v19, $0x0;
	v19 =	vld.idx.msk [tilespmem:v21+s3+$0x0], $0xffff;
	v24 =	vshrl.u32 v18, $0x1  }
0x227: {  	v22 =	vbroadcast v22, $0x0;
	v25 =	vbroadcast v20, $0x0;
	[tilespmem:s6+$0xFFFFFFF0] =	vst v24;
	v24 =	vld.idx.msk [tilespmem:v23+s3+$0x0], $0xffff;
	_ =	sdelay $0x1  }
0x228: {  	v20 =	vadd.s32 v1, v22;
	v21 =	vadd.s32 v1, v25  }
0x229: {  	s8 =	simm.s32 $0x4;
	s9 =	simm.s32 $0x80;
	v22 =	vadd.s32 v1, v27;
	v27 =	vshrl.u32 v26, $0x1;
	v26 =	vshll.u32 v26, $0x6  }
0x22a: {  	s2 =	simm.s32 $0x6460;
	s1 =	simm.s32 $0x6620;
	s0 =	simm.s32 $0x6660;
	v18 =	vshll.u32 v18, $0x6;
	v23 =	vadd.s32 v1, v28;
	[tilespmem:s6+$0xFFFFFFE0] =	vst v27;
	v25 =	vand.u32 $0x40, v26  }
.LBB2_11:
0x22b: {  	s10 =	sadd.s32 $0x10, s9;
	s11 =	sadd.s32 $0x20, s9;
	s13 =	sadd.s32 $0x30, s9;
	v26 =	vshrl.u32 v24, $0x1;
	v27 =	vshll.u32 v24, $0x6;
	v24 =	vshll.u32 v19, $0x6  }
0x22c: {  	s8 =	sadd.s32 $0x4, s8;
	v19 =	vshrl.u32 v19, $0x1;
	v28 =	vmov s10;
	v29 =	vmov s11;
	[tilespmem:s6+$0x0] =	vst v26  }
0x22d: {  	p1 =	slt.u32 s8, $0xC;
	v26 =	vmul.u32 $0x32, v28;
	v28 =	vmul.u32 $0x32, v29;
	v29 =	vld.idx.msk [tilespmem:v20+s3+$0x0], $0xffff;
	[tilespmem:s6+$0x10] =	vst v19;
	v19 =	vand.u32 $0x40, v24;
	s6 =	smov.u32 s2  }
0x22e: {  	v18 =	vand.u32 $0x40, v18;
	v20 =	vmov s9;
	v24 =	vmov s13;
	v30 =	vld.idx.msk [tilespmem:v22+s3+$0x0], $0xffff;
	[tilespmem:s1+$0x10] =	vst v19  }
0x22f: {  	v20 =	vmul.u32 $0x32, v20;
	v22 =	vadd.s32 v17, v26;
	v26 =	vmul.u32 $0x32, v24;
	v19 =	vld.idx.msk [tilespmem:v23+s3+$0x0], $0xffff;
	[tilespmem:s1+$0xFFFFFFE0] =	vst v25  }
0x230: {  	v23 =	vadd.s32 v17, v28;
	v22 =	vbroadcast v22, $0x0;
	v24 =	vld.idx.msk [tilespmem:v21+s3+$0x0], $0xffff;
	[tilespmem:s1+$0xFFFFFFF0] =	vst v18;
	v18 =	vand.u32 $0x40, v27  }
.Ltmp5:
0x231: {  	v20 =	vadd.s32 v17, v20;
	v21 =	vbroadcast v23, $0x0;
	[tilespmem:s1+$0x0] =	vst v18;
	s1 =	smov.u32 s0;
	(pc) =	sbr.rel @p1 .LBB2_11-.Ltmp5, $4  }
0x232: {  	v23 =	vbroadcast v20, $0x0;
	v18 =	vadd.s32 v17, v26;
	v20 =	vadd.s32 v1, v22  }
0x233: {  	v25 =	vbroadcast v18, $0x0;
	v26 =	vshrl.u32 v29, $0x1;
	v18 =	vshll.u32 v29, $0x6  }
0x234: {  	v22 =	vadd.s32 v1, v23;
	v27 =	vshrl.u32 v30, $0x1;
	v28 =	vshll.u32 v30, $0x6;
	[tilespmem:s2+$0xFFFFFFF0] =	vst v26  }
0x235: {  	s9 =	sadd.s32 $0x40, s9;
	s0 =	sadd.s32 $0x40, s0;
	v21 =	vadd.s32 v1, v21;
	v23 =	vadd.s32 v1, v25;
	v25 =	vand.u32 $0x40, v28;
	s2 =	sadd.s32 $0x40, s2;
	[tilespmem:s6+$0xFFFFFFE0] =	vst v27  }
0x236: {  	_ =	sdelay $0x3  }
0x237: {  	v17 =	vshrl.u32 v24, $0x1;
	v59 =	vld.idx.msk [tilespmem:v22+s3+$0x0], $0xffff;
	[tilespmem:s1+$0xFFFFFFE0] =	vst v25  }
0x238: {  	v26 =	vshll.u32 v19, $0x6;
	[tilespmem:s6+$0x0] =	vst v17;
	v17 =	vshrl.u32 v19, $0x1;
	v19 =	vld.idx.msk [tilespmem:v20+s3+$0x0], $0xffff  }
0x239: {  	[tilespmem:s6+$0x10] =	vst v17;
	v17 =	vand.u32 $0x40, v26  }
0x23a: {  	v60 =	vshll.u32 v24, $0x6;
	v18 =	vand.u32 $0x40, v18;
	[tilespmem:s1+$0x10] =	vst v17;
	v17 =	vld.idx.msk [tilespmem:v21+s3+$0x0], $0xffff  }
0x23b: {  	v61 =	vld.idx.msk [tilespmem:v23+s3+$0x0], $0xffff;
	[tilespmem:s1+$0xFFFFFFF0] =	vst v18;
	v18 =	vand.u32 $0x40, v60  }
0x23c: {  	[tilespmem:s1+$0x0] =	vst v18;
	v62 =	vshrl.u32 v59, $0x1  }
0x23d: {  	v20 =	vshll.u32 v59, $0x6;
	v18 =	vshrl.u32 v19, $0x1;
	[tilespmem:s2+$0xFFFFFFE0] =	vst v62  }
0x23e: {  	v20 =	vand.u32 $0x40, v20;
	[tilespmem:s2+$0xFFFFFFF0] =	vst v18  }
0x23f: {  	[tilespmem:s0+$0xFFFFFFE0] =	vst v20;
	v18 =	vshrl.u32 v17, $0x1  }
0x240: {  	v17 =	vshll.u32 v17, $0x6;
	[tilespmem:s2+$0x0] =	vst v18;
	v18 =	vshrl.u32 v61, $0x1  }
0x241: {  	v63 =	vshll.u32 v61, $0x6;
	v17 =	vand.u32 $0x40, v17;
	[tilespmem:s2+$0x10] =	vst v18  }
0x242: {  	v19 =	vshll.u32 v19, $0x6;
	v18 =	vand.u32 $0x40, v63;
	[tilespmem:s0+$0x0] =	vst v17  }
0x243: {  	[tilespmem:s0+$0x10] =	vst v18;
	v18 =	vand.u32 $0x40, v19  }
.Ltmp6:
0x244: {  	s30 =	simm.s32 $0x100;
	s31 =	simm.s32 $0x6400;
	[tilespmem:s0+$0xFFFFFFF0] =	vst v18;
	(pc) =	sbr.rel @p0 .LBB2_14-.Ltmp6, $4  }
0x245: {  	[tilespmem:s12], [sflag:$0x1] =	stream.indirect.gather [hbm4b:s4+s30], $0x80, s31, s30, $0xb8;
	[tilespmem:$0x1E800] =	vst v63  }
0x246: {  	_ =	swait.ge [sflag:s19], $0x8000  }
0x247: {  	[sflag:s19] =	ssyncset.done $0x0  }
0x248: {  	[sflag:s19] =	ssyncadd.s32 $0xFFFF8000  }
.LBB2_13:
0x249: {  	_ =	swait.ge [sflag:s20], $0x4000  }
0x24a: {  	[sflag:s20] =	ssyncset.done $0x0  }
0x24b: {  	[sflag:s20] =	ssyncadd.s32 $0xFFFFC000  }
.LBB2_14:
0x24c: {  	v32 =	vld [tilespmem:$0x6700]  }
0x24d: {  	v31 =	vld [tilespmem:$0x6710]  }
0x24e: {  	v30 =	vld [tilespmem:$0x6720]  }
0x24f: {  	v29 =	vld [tilespmem:$0x6730]  }
0x250: {  	v28 =	vld [tilespmem:$0x6740]  }
0x251: {  	v27 =	vld [tilespmem:$0x6750]  }
0x252: {  	v26 =	vld [tilespmem:$0x6760]  }
0x253: {  	v25 =	vld [tilespmem:$0x6770]  }
0x254: {  	v24 =	vld [tilespmem:$0x6780]  }
0x255: {  	v23 =	vld [tilespmem:$0x6790];
	s6 =	simm.s32 $0x7  }
0x256: {  	v22 =	vld [tilespmem:$0x67A0];
	s2 =	simm.s32 $0x1;
	v17 =	vadd.s32 s6, v32  }
0x257: {  	v21 =	vld [tilespmem:$0x67B0];
	s8 =	simm.s32 $0x2;
	v18 =	vadd.s32 s2, v32;
	v33 =	vadd.s32 v0, v17  }
0x258: {  	v20 =	vld [tilespmem:$0x67C0];
	s1 =	simm.s32 $0x3;
	v34 =	vadd.s32 v0, v18;
	v17 =	vadd.s32 s8, v32  }
0x259: {  	v19 =	vld [tilespmem:$0x67D0];
	s30 =	simm.s32 $0x4;
	v35 =	vadd.s32 v0, v17;
	v17 =	vadd.s32 s1, v32  }
0x25a: {  	s29 =	simm.s32 $0x5;
	v37 =	vadd.s32 s30, v32;
	v18 =	vld [tilespmem:$0x67E0];
	v36 =	vadd.s32 v0, v17  }
0x25b: {  	s28 =	simm.s32 $0x6;
	v38 =	vadd.s32 s29, v32;
	v37 =	vadd.s32 v0, v37;
	v17 =	vld [tilespmem:$0x67F0]  }
0x25c: {  	s26 =	simm.s32 $0x0;
	v39 =	vadd.s32 s28, v32;
	v38 =	vadd.s32 v0, v38;
	v33 =	vld.idx.msk [tilespmem:v33+s14+$0x0], $0xffff  }
0x25d: {  	v40 =	vadd.s32 s26, v32;
	v39 =	vadd.s32 v0, v39;
	v34 =	vld.idx.msk [tilespmem:v34+s14+$0x0], $0xffff  }
0x25e: {  	v41 =	vadd.s32 s6, v31;
	v40 =	vadd.s32 v0, v40;
	v35 =	vld.idx.msk [tilespmem:v35+s14+$0x0], $0xffff  }
0x25f: {  	v42 =	vadd.s32 s2, v31;
	v41 =	vadd.s32 v2, v41;
	v36 =	vld.idx.msk [tilespmem:v36+s14+$0x0], $0xffff  }
0x260: {  	v43 =	vadd.s32 s8, v31;
	v42 =	vadd.s32 v2, v42;
	v37 =	vld.idx.msk [tilespmem:v37+s14+$0x0], $0xffff  }
0x261: {  	v44 =	vadd.s32 s1, v31;
	v43 =	vadd.s32 v2, v43;
	v38 =	vld.idx.msk [tilespmem:v38+s14+$0x0], $0xffff;
	v33 =	vmul.f32 $8.000000000e+00, v33  }
0x262: {  	s9 =	simm.s32 $0x1AC00;
	v45 =	vadd.s32 s30, v31;
	v44 =	vadd.s32 v2, v44;
	v39 =	vld.idx.msk [tilespmem:v39+s14+$0x0], $0xffff;
	v34 =	vmul.f32 $8.000000000e+00, v34  }
0x263: {  	v46 =	vadd.s32 s29, v31;
	v45 =	vadd.s32 v2, v45;
	v40 =	vld.idx.msk [tilespmem:v40+s14+$0x0], $0xffff;
	v35 =	vmul.f32 $8.000000000e+00, v35;
	[tilespmem:s9+$0xFFFFFF80] =	vst v33  }
0x264: {  	v49 =	vadd.s32 s28, v31;
	v63 =	vadd.s32 v2, v46;
	[tilespmem:s9+$0xFFFFFC80] =	vst v34;
	v62 =	vmul.f32 $8.000000000e+00, v36;
	v48 =	vld.idx.msk [tilespmem:v41+s14+$0x0], $0xffff  }
0x265: {  	v50 =	vadd.s32 s26, v31;
	v52 =	vadd.s32 v2, v49;
	v51 =	vmul.f32 $8.000000000e+00, v37;
	v42 =	vld.idx.msk [tilespmem:v42+s14+$0x0], $0xffff;
	[tilespmem:s9+$0xFFFFFD00] =	vst v35  }
0x266: {  	v56 =	vadd.s32 s6, v30;
	v55 =	vadd.s32 v2, v50;
	v54 =	vmul.f32 $8.000000000e+00, v38;
	v53 =	vld.idx.msk [tilespmem:v43+s14+$0x0], $0xffff;
	[tilespmem:s9+$0xFFFFFD80] =	vst v62  }
0x267: {  	v57 =	vadd.s32 s2, v30;
	v59 =	vadd.s32 v3, v56;
	v58 =	vmul.f32 $8.000000000e+00, v39;
	[tilespmem:s9+$0xFFFFFE00] =	vst v51;
	v44 =	vld.idx.msk [tilespmem:v44+s14+$0x0], $0xffff  }
0x268: {  	v60 =	vadd.s32 s8, v30;
	v61 =	vmul.f32 $8.000000000e+00, v40;
	[tilespmem:s9+$0xFFFFFE80] =	vst v54;
	v45 =	vld.idx.msk [tilespmem:v45+s14+$0x0], $0xffff;
	v62 =	vadd.s32 v3, v57  }
0x269: {  	[tilespmem:s9+$0xFFFFFF00] =	vst v58;
	v34 =	vld.idx.msk [tilespmem:v63+s14+$0x0], $0xffff;
	v63 =	vadd.s32 s1, v30;
	v43 =	vadd.s32 v3, v60;
	v48 =	vmul.f32 $8.000000000e+00, v48  }
0x26a: {  	[tilespmem:s9+$0xFFFFFC00] =	vst v61;
	v51 =	vadd.s32 s30, v30;
	v37 =	vld.idx.msk [tilespmem:v52+s14+$0x0], $0xffff;
	v50 =	vadd.s32 v3, v63;
	v49 =	vmul.f32 $8.000000000e+00, v42  }
0x26b: {  	v38 =	vld.idx.msk [tilespmem:v55+s14+$0x0], $0xffff;
	v52 =	vadd.s32 s29, v30;
	v42 =	vadd.s32 v3, v51;
	v41 =	vmul.f32 $8.000000000e+00, v53;
	[tilespmem:s9+$0xFFFFFF90] =	vst v48  }
0x26c: {  	v55 =	vadd.s32 s28, v30;
	v54 =	vadd.s32 v3, v52;
	[tilespmem:s9+$0xFFFFFC90] =	vst v49;
	v53 =	vmul.f32 $8.000000000e+00, v44;
	v39 =	vld.idx.msk [tilespmem:v59+s14+$0x0], $0xffff  }
0x26d: {  	v57 =	vadd.s32 s26, v30;
	v56 =	vmul.f32 $8.000000000e+00, v45;
	v44 =	vadd.s32 v3, v55;
	v40 =	vld.idx.msk [tilespmem:v62+s14+$0x0], $0xffff;
	[tilespmem:s9+$0xFFFFFD10] =	vst v41  }
0x26e: {  	v60 =	vadd.s32 s6, v29;
	v58 =	vmul.f32 $8.000000000e+00, v34;
	v59 =	vadd.s32 v3, v57;
	v43 =	vld.idx.msk [tilespmem:v43+s14+$0x0], $0xffff;
	[tilespmem:s9+$0xFFFFFD90] =	vst v53  }
0x26f: {  	v61 =	vadd.s32 s2, v29;
	v37 =	vmul.f32 $8.000000000e+00, v37;
	v45 =	vadd.s32 v4, v60;
	[tilespmem:s9+$0xFFFFFE10] =	vst v56;
	v36 =	vld.idx.msk [tilespmem:v50+s14+$0x0], $0xffff  }
0x270: {  	v47 =	vadd.s32 s8, v29;
	v63 =	vadd.s32 v4, v61;
	[tilespmem:s9+$0xFFFFFE90] =	vst v58;
	v62 =	vmul.f32 $8.000000000e+00, v38;
	v42 =	vld.idx.msk [tilespmem:v42+s14+$0x0], $0xffff  }
0x271: {  	v48 =	vadd.s32 s1, v29;
	[tilespmem:s9+$0xFFFFFF10] =	vst v37;
	v35 =	vld.idx.msk [tilespmem:v54+s14+$0x0], $0xffff;
	v41 =	vadd.s32 v4, v47;
	v49 =	vmul.f32 $8.000000000e+00, v39  }
0x272: {  	v52 =	vadd.s32 s30, v29;
	v51 =	vadd.s32 v4, v48;
	[tilespmem:s9+$0xFFFFFC10] =	vst v62;
	v44 =	vld.idx.msk [tilespmem:v44+s14+$0x0], $0xffff;
	v50 =	vmul.f32 $8.000000000e+00, v40  }
0x273: {  	v53 =	vadd.s32 s29, v29;
	v34 =	vld.idx.msk [tilespmem:v59+s14+$0x0], $0xffff;
	v40 =	vadd.s32 v4, v52;
	v43 =	vmul.f32 $8.000000000e+00, v43;
	[tilespmem:s9+$0xFFFFFFA0] =	vst v49  }
0x274: {  	v56 =	vadd.s32 s28, v29;
	v55 =	vadd.s32 v4, v53;
	[tilespmem:s9+$0xFFFFFCA0] =	vst v50;
	v54 =	vmul.f32 $8.000000000e+00, v36;
	v37 =	vld.idx.msk [tilespmem:v45+s14+$0x0], $0xffff  }
0x275: {  	v57 =	vadd.s32 s26, v29;
	v42 =	vmul.f32 $8.000000000e+00, v42;
	v38 =	vld.idx.msk [tilespmem:v63+s14+$0x0], $0xffff;
	[tilespmem:s9+$0xFFFFFD20] =	vst v43;
	v45 =	vadd.s32 v4, v56  }
0x276: {  	v60 =	vadd.s32 s6, v28;
	v58 =	vmul.f32 $8.000000000e+00, v35;
	v59 =	vadd.s32 v4, v57;
	v41 =	vld.idx.msk [tilespmem:v41+s14+$0x0], $0xffff;
	[tilespmem:s9+$0xFFFFFDA0] =	vst v54  }
0x277: {  	v61 =	vadd.s32 s2, v28;
	v43 =	vadd.s32 v5, v60;
	[tilespmem:s9+$0xFFFFFE20] =	vst v42;
	v44 =	vmul.f32 $8.000000000e+00, v44;
	v39 =	vld.idx.msk [tilespmem:v51+s14+$0x0], $0xffff  }
0x278: {  	v47 =	vadd.s32 s8, v28;
	[tilespmem:s9+$0xFFFFFEA0] =	vst v58;
	v63 =	vadd.s32 v5, v61;
	v40 =	vld.idx.msk [tilespmem:v40+s14+$0x0], $0xffff;
	v62 =	vmul.f32 $8.000000000e+00, v34  }
0x279: {  	v48 =	vadd.s32 s1, v28;
	v36 =	vld.idx.msk [tilespmem:v55+s14+$0x0], $0xffff;
	v42 =	vadd.s32 v5, v47;
	[tilespmem:s9+$0xFFFFFF20] =	vst v44;
	v37 =	vmul.f32 $8.000000000e+00, v37  }
0x27a: {  	v50 =	vadd.s32 v5, v48;
	v51 =	vadd.s32 s30, v28;
	[tilespmem:s9+$0xFFFFFC20] =	vst v62;
	v49 =	vmul.f32 $8.000000000e+00, v38;
	v45 =	vld.idx.msk [tilespmem:v45+s14+$0x0], $0xffff  }
0x27b: {  	v52 =	vadd.s32 s29, v28;
	v44 =	vadd.s32 v5, v51;
	v35 =	vld.idx.msk [tilespmem:v59+s14+$0x0], $0xffff;
	v41 =	vmul.f32 $8.000000000e+00, v41;
	[tilespmem:s9+$0xFFFFFFB0] =	vst v37  }
0x27c: {  	v56 =	vadd.s32 s28, v28;
	v54 =	vadd.s32 v5, v52;
	[tilespmem:s9+$0xFFFFFCB0] =	vst v49;
	v53 =	vmul.f32 $8.000000000e+00, v39;
	v55 =	vld.idx.msk [tilespmem:v43+s14+$0x0], $0xffff  }
0x27d: {  	v57 =	vadd.s32 s26, v28;
	v40 =	vmul.f32 $8.000000000e+00, v40;
	v34 =	vld.idx.msk [tilespmem:v63+s14+$0x0], $0xffff;
	[tilespmem:s9+$0xFFFFFD30] =	vst v41;
	v43 =	vadd.s32 v5, v56  }
0x27e: {  	v60 =	vadd.s32 s6, v27;
	v58 =	vmul.f32 $8.000000000e+00, v36;
	v59 =	vadd.s32 v5, v57;
	v42 =	vld.idx.msk [tilespmem:v42+s14+$0x0], $0xffff;
	[tilespmem:s9+$0xFFFFFDB0] =	vst v53  }
0x27f: {  	v61 =	vadd.s32 s2, v27;
	v41 =	vadd.s32 v6, v60;
	[tilespmem:s9+$0xFFFFFE30] =	vst v40;
	v38 =	vld.idx.msk [tilespmem:v50+s14+$0x0], $0xffff;
	v45 =	vmul.f32 $8.000000000e+00, v45  }
0x280: {  	v48 =	vadd.s32 s8, v27;
	[tilespmem:s9+$0xFFFFFEB0] =	vst v58;
	v63 =	vadd.s32 v6, v61;
	v44 =	vld.idx.msk [tilespmem:v44+s14+$0x0], $0xffff;
	v62 =	vmul.f32 $8.000000000e+00, v35  }
0x281: {  	v49 =	vadd.s32 s1, v27;
	v37 =	vld.idx.msk [tilespmem:v54+s14+$0x0], $0xffff;
	v40 =	vadd.s32 v6, v48;
	[tilespmem:s9+$0xFFFFFF30] =	vst v45;
	v39 =	vmul.f32 $8.000000000e+00, v55  }
0x282: {  	v52 =	vadd.s32 s30, v27;
	v51 =	vadd.s32 v6, v49;
	[tilespmem:s9+$0xFFFFFC30] =	vst v62;
	v50 =	vmul.f32 $8.000000000e+00, v34;
	v43 =	vld.idx.msk [tilespmem:v43+s14+$0x0], $0xffff  }
0x283: {  	v53 =	vadd.s32 s29, v27;
	v45 =	vadd.s32 v6, v52;
	v36 =	vld.idx.msk [tilespmem:v59+s14+$0x0], $0xffff;
	v42 =	vmul.f32 $8.000000000e+00, v42;
	[tilespmem:s9+$0xFFFFFFC0] =	vst v39  }
0x284: {  	v56 =	vadd.s32 s28, v27;
	v55 =	vadd.s32 v6, v53;
	[tilespmem:s9+$0xFFFFFCC0] =	vst v50;
	v54 =	vmul.f32 $8.000000000e+00, v38;
	v39 =	vld.idx.msk [tilespmem:v41+s14+$0x0], $0xffff  }
0x285: {  	v58 =	vadd.s32 s26, v27;
	v57 =	vmul.f32 $8.000000000e+00, v44;
	v35 =	vld.idx.msk [tilespmem:v63+s14+$0x0], $0xffff;
	[tilespmem:s9+$0xFFFFFD40] =	vst v42;
	v41 =	vadd.s32 v6, v56  }
0x286: {  	v60 =	vadd.s32 v6, v58;
	v61 =	vadd.s32 s6, v26;
	v59 =	vmul.f32 $8.000000000e+00, v37;
	v40 =	vld.idx.msk [tilespmem:v40+s14+$0x0], $0xffff;
	[tilespmem:s9+$0xFFFFFDC0] =	vst v54  }
0x287: {  	v62 =	vadd.s32 s2, v26;
	v44 =	vadd.s32 v7, v61;
	[tilespmem:s9+$0xFFFFFE40] =	vst v57;
	v34 =	vld.idx.msk [tilespmem:v51+s14+$0x0], $0xffff;
	v43 =	vmul.f32 $8.000000000e+00, v43  }
0x288: {  	v49 =	vadd.s32 s8, v26;
	v48 =	vadd.s32 v7, v62;
	[tilespmem:s9+$0xFFFFFEC0] =	vst v59;
	v45 =	vld.idx.msk [tilespmem:v45+s14+$0x0], $0xffff;
	v63 =	vmul.f32 $8.000000000e+00, v36  }
0x289: {  	v50 =	vadd.s32 s1, v26;
	v42 =	vadd.s32 v7, v49;
	v38 =	vld.idx.msk [tilespmem:v55+s14+$0x0], $0xffff;
	[tilespmem:s9+$0xFFFFFF40] =	vst v43;
	v39 =	vmul.f32 $8.000000000e+00, v39  }
0x28a: {  	v53 =	vadd.s32 s30, v26;
	v52 =	vadd.s32 v7, v50;
	[tilespmem:s9+$0xFFFFFC40] =	vst v63;
	v51 =	vmul.f32 $8.000000000e+00, v35;
	v41 =	vld.idx.msk [tilespmem:v41+s14+$0x0], $0xffff  }
0x28b: {  	v54 =	vadd.s32 s29, v26;
	v43 =	vadd.s32 v7, v53;
	v37 =	vld.idx.msk [tilespmem:v60+s14+$0x0], $0xffff;
	v40 =	vmul.f32 $8.000000000e+00, v40;
	[tilespmem:s9+$0xFFFFFFD0] =	vst v39  }
0x28c: {  	v57 =	vadd.s32 s28, v26;
	v56 =	vadd.s32 v7, v54;
	[tilespmem:s9+$0xFFFFFCD0] =	vst v51;
	v55 =	vmul.f32 $8.000000000e+00, v34;
	v39 =	vld.idx.msk [tilespmem:v44+s14+$0x0], $0xffff  }
0x28d: {  	v59 =	vadd.s32 s26, v26;
	v58 =	vmul.f32 $8.000000000e+00, v45;
	v36 =	vld.idx.msk [tilespmem:v48+s14+$0x0], $0xffff;
	[tilespmem:s9+$0xFFFFFD50] =	vst v40;
	v44 =	vadd.s32 v7, v57  }
0x28e: {  	v62 =	vadd.s32 s6, v25;
	v61 =	vadd.s32 v7, v59;
	v60 =	vmul.f32 $8.000000000e+00, v38;
	v42 =	vld.idx.msk [tilespmem:v42+s14+$0x0], $0xffff;
	[tilespmem:s9+$0xFFFFFDD0] =	vst v55  }
0x28f: {  	v63 =	vadd.s32 s2, v25;
	v45 =	vadd.s32 v8, v62;
	[tilespmem:s9+$0xFFFFFE50] =	vst v58;
	v35 =	vld.idx.msk [tilespmem:v52+s14+$0x0], $0xffff;
	v41 =	vmul.f32 $8.000000000e+00, v41  }
0x290: {  	v50 =	vadd.s32 s8, v25;
	v49 =	vadd.s32 v8, v63;
	[tilespmem:s9+$0xFFFFFED0] =	vst v60;
	v43 =	vld.idx.msk [tilespmem:v43+s14+$0x0], $0xffff;
	v48 =	vmul.f32 $8.000000000e+00, v37  }
0x291: {  	v51 =	vadd.s32 s1, v25;
	v40 =	vadd.s32 v8, v50;
	v34 =	vld.idx.msk [tilespmem:v56+s14+$0x0], $0xffff;
	[tilespmem:s9+$0xFFFFFF50] =	vst v41;
	v39 =	vmul.f32 $8.000000000e+00, v39  }
0x292: {  	v54 =	vadd.s32 s30, v25;
	v53 =	vadd.s32 v8, v51;
	[tilespmem:s9+$0xFFFFFC50] =	vst v48;
	v52 =	vmul.f32 $8.000000000e+00, v36;
	v44 =	vld.idx.msk [tilespmem:v44+s14+$0x0], $0xffff  }
0x293: {  	s31 =	simm.s32 $0x8;
	v55 =	vadd.s32 s29, v25;
	v41 =	vadd.s32 v8, v54;
	v38 =	vld.idx.msk [tilespmem:v61+s14+$0x0], $0xffff;
	v42 =	vmul.f32 $8.000000000e+00, v42;
	[tilespmem:s9+$0xFFFFFFE0] =	vst v39  }
0x294: {  	v56 =	vadd.s32 s31, v32;
	v58 =	vadd.s32 v8, v55;
	[tilespmem:s9+$0xFFFFFCE0] =	vst v52;
	v57 =	vmul.f32 $8.000000000e+00, v35;
	v45 =	vld.idx.msk [tilespmem:v45+s14+$0x0], $0xffff  }
0x295: {  	v60 =	vadd.s32 s28, v25;
	v39 =	vadd.s32 v0, v56;
	v59 =	vmul.f32 $8.000000000e+00, v43;
	v37 =	vld.idx.msk [tilespmem:v49+s14+$0x0], $0xffff;
	[tilespmem:s9+$0xFFFFFD60] =	vst v42  }
0x296: {  	v63 =	vadd.s32 v8, v60;
	v61 =	vadd.s32 s26, v25;
	v62 =	vmul.f32 $8.000000000e+00, v34;
	v40 =	vld.idx.msk [tilespmem:v40+s14+$0x0], $0xffff;
	[tilespmem:s9+$0xFFFFFDE0] =	vst v57  }
0x297: {  	v48 =	vadd.s32 v8, v61;
	v49 =	vadd.s32 s6, v24;
	[tilespmem:s9+$0xFFFFFE60] =	vst v59;
	v36 =	vld.idx.msk [tilespmem:v53+s14+$0x0], $0xffff  }
0x298: {  	v50 =	vadd.s32 s2, v24;
	[tilespmem:s9+$0xFFFFFEE0] =	vst v62;
	v42 =	vadd.s32 v9, v49;
	v41 =	vld.idx.msk [tilespmem:v41+s14+$0x0], $0xffff;
	v44 =	vmul.f32 $8.000000000e+00, v44  }
0x299: {  	v47 =	vadd.s32 s8, v24;
	v46 =	vadd.s32 v9, v50;
	v38 =	vmul.f32 $8.000000000e+00, v38;
	v35 =	vld.idx.msk [tilespmem:v58+s14+$0x0], $0xffff  }
0x29a: {  	v51 =	vadd.s32 v9, v47;
	v52 =	vadd.s32 s1, v24;
	v33 =	vld.idx.msk [tilespmem:v39+s14+$0x0], $0xffff;
	[tilespmem:s9+$0xFFFFFF60] =	vst v44;
	v53 =	vmul.f32 $8.000000000e+00, v45  }
0x29b: {  	v55 =	vadd.s32 s30, v24;
	v54 =	vadd.s32 v9, v52;
	[tilespmem:s9+$0xFFFFFC60] =	vst v38;
	v37 =	vmul.f32 $8.000000000e+00, v37;
	v34 =	vld.idx.msk [tilespmem:v63+s14+$0x0], $0xffff  }
0x29c: {  	s0 =	simm.s32 $0x9;
	v56 =	vadd.s32 s29, v24;
	v43 =	vld.idx.msk [tilespmem:v48+s14+$0x0], $0xffff;
	v45 =	vadd.s32 v9, v55;
	v40 =	vmul.f32 $8.000000000e+00, v40;
	[tilespmem:s9+$0xFFFFFFF0] =	vst v53  }
0x29d: {  	v57 =	vadd.s32 s0, v32;
	v58 =	vadd.s32 v9, v56;
	[tilespmem:s9+$0xFFFFFCF0] =	vst v37;
	v36 =	vmul.f32 $8.000000000e+00, v36;
	v42 =	vld.idx.msk [tilespmem:v42+s14+$0x0], $0xffff  }
0x29e: {  	v60 =	vadd.s32 s28, v24;
	v44 =	vadd.s32 v0, v57;
	v59 =	vmul.f32 $8.000000000e+00, v41;
	v46 =	vld.idx.msk [tilespmem:v46+s14+$0x0], $0xffff;
	[tilespmem:s9+$0xFFFFFD70] =	vst v40  }
0x29f: {  	v61 =	vadd.s32 s26, v24;
	v62 =	vadd.s32 v9, v60;
	v35 =	vmul.f32 $8.000000000e+00, v35;
	v39 =	vld.idx.msk [tilespmem:v51+s14+$0x0], $0xffff;
	[tilespmem:s9+$0xFFFFFDF0] =	vst v36  }
0x2a0: {  	v50 =	vadd.s32 s6, v23;
	v63 =	vadd.s32 v9, v61;
	[tilespmem:s9+$0xFFFFFE70] =	vst v59;
	v38 =	vld.idx.msk [tilespmem:v54+s14+$0x0], $0xffff  }
0x2a1: {  	v40 =	vadd.s32 v10, v50;
	v51 =	vadd.s32 s2, v23;
	[tilespmem:s9+$0xFFFFFEF0] =	vst v35;
	v45 =	vld.idx.msk [tilespmem:v45+s14+$0x0], $0xffff;
	v52 =	vmul.f32 $8.000000000e+00, v34  }
0x2a2: {  	v48 =	vadd.s32 s8, v23;
	v43 =	vmul.f32 $8.000000000e+00, v43;
	v47 =	vadd.s32 v10, v51;
	v37 =	vld.idx.msk [tilespmem:v58+s14+$0x0], $0xffff  }
0x2a3: {  	v57 =	vadd.s32 s1, v23;
	v53 =	vadd.s32 v10, v48;
	v34 =	vld.idx.msk [tilespmem:v44+s14+$0x0], $0xffff;
	[tilespmem:s9+$0xFFFFFF70] =	vst v52;
	v58 =	vmul.f32 $8.000000000e+00, v42  }
0x2a4: {  	v60 =	vadd.s32 v10, v57;
	v54 =	vadd.s32 s30, v23;
	[tilespmem:s9+$0xFFFFFC70] =	vst v43;
	v59 =	vmul.f32 $8.000000000e+00, v46;
	v36 =	vld.idx.msk [tilespmem:v62+s14+$0x0], $0xffff  }
0x2a5: {  	s11 =	simm.s32 $0xA;
	v55 =	vadd.s32 s29, v23;
	v41 =	vld.idx.msk [tilespmem:v63+s14+$0x0], $0xffff;
	v46 =	vadd.s32 v10, v54;
	v39 =	vmul.f32 $8.000000000e+00, v39;
	[tilespmem:s9+$0x380] =	vst v58  }
0x2a6: {  	v56 =	vadd.s32 s11, v32;
	v57 =	vadd.s32 v10, v55;
	[tilespmem:s9+$0x80] =	vst v59;
	v38 =	vmul.f32 $8.000000000e+00, v38;
	v40 =	vld.idx.msk [tilespmem:v40+s14+$0x0], $0xffff  }
0x2a7: {  	v35 =	vadd.s32 v0, v56;
	v62 =	vadd.s32 s28, v23;
	v61 =	vmul.f32 $8.000000000e+00, v45;
	v47 =	vld.idx.msk [tilespmem:v47+s14+$0x0], $0xffff;
	[tilespmem:s9+$0x100] =	vst v39  }
0x2a8: {  	v63 =	vadd.s32 s26, v23;
	v52 =	vadd.s32 v10, v62;
	v37 =	vmul.f32 $8.000000000e+00, v37;
	v44 =	vld.idx.msk [tilespmem:v53+s14+$0x0], $0xffff;
	[tilespmem:s9+$0x180] =	vst v38  }
0x2a9: {  	v58 =	vadd.s32 s6, v22;
	v53 =	vadd.s32 v10, v63;
	[tilespmem:s9+$0x200] =	vst v61;
	v43 =	vld.idx.msk [tilespmem:v60+s14+$0x0], $0xffff  }
0x2aa: {  	v59 =	vadd.s32 s2, v22;
	v39 =	vadd.s32 v11, v58;
	[tilespmem:s9+$0x280] =	vst v37;
	v46 =	vld.idx.msk [tilespmem:v46+s14+$0x0], $0xffff;
	v60 =	vmul.f32 $8.000000000e+00, v36  }
0x2ab: {  	v49 =	vadd.s32 s8, v22;
	v48 =	vadd.s32 v11, v59;
	v41 =	vmul.f32 $8.000000000e+00, v41;
	v42 =	vld.idx.msk [tilespmem:v57+s14+$0x0], $0xffff  }
0x2ac: {  	v54 =	vadd.s32 s1, v22;
	v61 =	vadd.s32 v11, v49;
	v36 =	vld.idx.msk [tilespmem:v35+s14+$0x0], $0xffff;
	[tilespmem:s9+$0x300] =	vst v60;
	v55 =	vmul.f32 $8.000000000e+00, v40  }
0x2ad: {  	s22 =	simm.s32 $0xB;
	v62 =	vadd.s32 s30, v22;
	v57 =	vadd.s32 v11, v54;
	[tilespmem:s9+$0x0] =	vst v41;
	v56 =	vmul.f32 $8.000000000e+00, v47;
	v38 =	vld.idx.msk [tilespmem:v52+s14+$0x0], $0xffff  }
0x2ae: {  	v47 =	vadd.s32 v11, v62;
	v52 =	vadd.s32 s22, v32;
	v45 =	vld.idx.msk [tilespmem:v53+s14+$0x0], $0xffff;
	v44 =	vmul.f32 $8.000000000e+00, v44;
	[tilespmem:s9+$0x390] =	vst v55  }
0x2af: {  	v63 =	vadd.s32 s29, v22;
	v37 =	vadd.s32 v0, v52;
	[tilespmem:s9+$0x90] =	vst v56;
	v53 =	vmul.f32 $8.000000000e+00, v43;
	v39 =	vld.idx.msk [tilespmem:v39+s14+$0x0], $0xffff  }
0x2b0: {  	v59 =	vadd.s32 s28, v22;
	v54 =	vadd.s32 v11, v63;
	v58 =	vmul.f32 $8.000000000e+00, v46;
	v48 =	vld.idx.msk [tilespmem:v48+s14+$0x0], $0xffff;
	[tilespmem:s9+$0x110] =	vst v44  }
0x2b1: {  	v51 =	vadd.s32 s1, v21;
	v60 =	vadd.s32 s26, v22;
	v62 =	vadd.s32 v11, v59;
	v50 =	vld.idx.msk [tilespmem:v61+s14+$0x0], $0xffff;
	[tilespmem:s9+$0x190] =	vst v53  }
0x2b2: {  	v63 =	vadd.s32 v11, v60;
	v55 =	vadd.s32 s6, v21;
	v61 =	vmul.f32 $8.000000000e+00, v42;
	[tilespmem:s9+$0x210] =	vst v58;
	v41 =	vld.idx.msk [tilespmem:v57+s14+$0x0], $0xffff  }
0x2b3: {  	v56 =	vadd.s32 s2, v21;
	v40 =	vadd.s32 v12, v55;
	v47 =	vld.idx.msk [tilespmem:v47+s14+$0x0], $0xffff;
	v38 =	vmul.f32 $8.000000000e+00, v38  }
0x2b4: {  	s23 =	simm.s32 $0xC;
	v58 =	vadd.s32 v12, v56;
	v53 =	vadd.s32 s8, v21;
	[tilespmem:s9+$0x290] =	vst v61;
	v57 =	vmul.f32 $8.000000000e+00, v45;
	v37 =	vld.idx.msk [tilespmem:v37+s14+$0x0], $0xffff  }
0x2b5: {  	v49 =	vadd.s32 v12, v53;
	v61 =	vadd.s32 s23, v32;
	v43 =	vld.idx.msk [tilespmem:v54+s14+$0x0], $0xffff;
	[tilespmem:s9+$0x310] =	vst v38;
	v54 =	vmul.f32 $8.000000000e+00, v39  }
0x2b6: {  	v35 =	vadd.s32 s26, v18;
	v38 =	vadd.s32 v0, v61;
	[tilespmem:s9+$0x10] =	vst v57;
	v55 =	vmul.f32 $8.000000000e+00, v48;
	v42 =	vld.idx.msk [tilespmem:v62+s14+$0x0], $0xffff  }
0x2b7: {  	v59 =	vadd.s32 s30, v21;
	v56 =	vadd.s32 v12, v51;
	v46 =	vld.idx.msk [tilespmem:v63+s14+$0x0], $0xffff;
	v50 =	vmul.f32 $8.000000000e+00, v50;
	[tilespmem:s9+$0x3A0] =	vst v54  }
0x2b8: {  	v60 =	vadd.s32 s29, v21;
	v52 =	vadd.s32 s26, v19;
	v48 =	vadd.s32 v12, v59;
	[tilespmem:s9+$0xA0] =	vst v55;
	v51 =	vld.idx.msk [tilespmem:v40+s14+$0x0], $0xffff  }
0x2b9: {  	v63 =	vadd.s32 v12, v60;
	v62 =	vmul.f32 $8.000000000e+00, v41;
	v45 =	vld.idx.msk [tilespmem:v58+s14+$0x0], $0xffff;
	[tilespmem:s9+$0x120] =	vst v50;
	v58 =	vadd.s32 s28, v21  }
0x2ba: {  	v59 =	vadd.s32 s26, v21;
	v57 =	vmul.f32 $8.000000000e+00, v47;
	v49 =	vld.idx.msk [tilespmem:v49+s14+$0x0], $0xffff;
	v61 =	vadd.s32 v12, v58  }
0x2bb: {  	v55 =	vadd.s32 s6, v20;
	[tilespmem:s9+$0x1A0] =	vst v62;
	v60 =	vmul.f32 $8.000000000e+00, v43;
	v62 =	vadd.s32 v12, v59;
	v40 =	vld.idx.msk [tilespmem:v38+s14+$0x0], $0xffff  }
0x2bc: {  	[tilespmem:s9+$0x220] =	vst v57;
	v58 =	vadd.s32 v13, v55;
	v44 =	vld.idx.msk [tilespmem:v56+s14+$0x0], $0xffff;
	v56 =	vadd.s32 s2, v20;
	v57 =	vmul.f32 $8.000000000e+00, v42  }
0x2bd: {  	v53 =	vadd.s32 s8, v20;
	v48 =	vld.idx.msk [tilespmem:v48+s14+$0x0], $0xffff;
	[tilespmem:s9+$0x2A0] =	vst v60;
	v46 =	vmul.f32 $8.000000000e+00, v46;
	v50 =	vadd.s32 v13, v56  }
0x2be: {  	v38 =	vadd.s32 v13, v53;
	v41 =	vld.idx.msk [tilespmem:v63+s14+$0x0], $0xffff;
	v63 =	vadd.s32 s1, v20;
	[tilespmem:s9+$0x320] =	vst v57;
	v56 =	vmul.f32 $8.000000000e+00, v51  }
0x2bf: {  	v59 =	vadd.s32 s30, v20;
	[tilespmem:s9+$0x20] =	vst v46;
	v45 =	vmul.f32 $8.000000000e+00, v45;
	v57 =	vadd.s32 v13, v63;
	v43 =	vld.idx.msk [tilespmem:v61+s14+$0x0], $0xffff  }
0x2c0: {  	s13 =	simm.s32 $0xD;
	v60 =	vadd.s32 s29, v20;
	v51 =	vadd.s32 v13, v59;
	v47 =	vld.idx.msk [tilespmem:v62+s14+$0x0], $0xffff;
	v49 =	vmul.f32 $8.000000000e+00, v49;
	[tilespmem:s9+$0x3B0] =	vst v56  }
0x2c1: {  	v61 =	vadd.s32 s13, v32;
	v62 =	vadd.s32 v13, v60;
	[tilespmem:s9+$0xB0] =	vst v45;
	v44 =	vmul.f32 $8.000000000e+00, v44;
	v63 =	vld.idx.msk [tilespmem:v58+s14+$0x0], $0xffff  }
0x2c2: {  	v39 =	vadd.s32 v0, v61;
	v48 =	vmul.f32 $8.000000000e+00, v48;
	v50 =	vld.idx.msk [tilespmem:v50+s14+$0x0], $0xffff;
	[tilespmem:s9+$0x130] =	vst v49;
	v58 =	vadd.s32 s28, v20  }
0x2c3: {  	v59 =	vadd.s32 s26, v20;
	v38 =	vld.idx.msk [tilespmem:v38+s14+$0x0], $0xffff;
	[tilespmem:s9+$0x1B0] =	vst v44;
	v41 =	vmul.f32 $8.000000000e+00, v41;
	v44 =	vadd.s32 v13, v58  }
0x2c4: {  	v54 =	vadd.s32 s2, v19;
	v60 =	vadd.s32 s6, v19;
	v49 =	vadd.s32 v13, v59;
	[tilespmem:s9+$0x230] =	vst v48;
	v46 =	vld.idx.msk [tilespmem:v57+s14+$0x0], $0xffff  }
0x2c5: {  	v54 =	vadd.s32 v14, v54;
	v48 =	vadd.s32 v14, v60;
	v51 =	vld.idx.msk [tilespmem:v51+s14+$0x0], $0xffff;
	[tilespmem:s9+$0x2B0] =	vst v41;
	v61 =	vmul.f32 $8.000000000e+00, v43  }
0x2c6: {  	v55 =	vadd.s32 s8, v19;
	v42 =	vadd.s32 s31, v31;
	v47 =	vmul.f32 $8.000000000e+00, v47;
	v56 =	vld.idx.msk [tilespmem:v62+s14+$0x0], $0xffff  }
0x2c7: {  	v55 =	vadd.s32 v14, v55;
	v43 =	vld.idx.msk [tilespmem:v39+s14+$0x0], $0xffff;
	v62 =	vadd.s32 s1, v19;
	[tilespmem:s9+$0x330] =	vst v61;
	v63 =	vmul.f32 $8.000000000e+00, v63  }
0x2c8: {  	[tilespmem:s9+$0x30] =	vst v47;
	v60 =	vmul.f32 $8.000000000e+00, v50;
	v53 =	vadd.s32 v14, v62;
	v61 =	vadd.s32 s30, v19;
	v57 =	vld.idx.msk [tilespmem:v44+s14+$0x0], $0xffff  }
0x2c9: {  	s18 =	simm.s32 $0xE;
	v62 =	vadd.s32 s29, v19;
	v58 =	vld.idx.msk [tilespmem:v49+s14+$0x0], $0xffff;
	v38 =	vmul.f32 $8.000000000e+00, v38;
	v59 =	vadd.s32 v14, v61;
	[tilespmem:s9+$0x3C0] =	vst v63  }
0x2ca: {  	v41 =	vadd.s32 s18, v32;
	[tilespmem:s9+$0xC0] =	vst v60;
	v49 =	vmul.f32 $8.000000000e+00, v46;
	v60 =	vadd.s32 v14, v62;
	v46 =	vld.idx.msk [tilespmem:v48+s14+$0x0], $0xffff  }
0x2cb: {  	v44 =	vadd.s32 v0, v41;
	v63 =	vmul.f32 $8.000000000e+00, v51;
	v51 =	vadd.s32 s28, v19;
	v45 =	vld.idx.msk [tilespmem:v54+s14+$0x0], $0xffff;
	[tilespmem:s9+$0x140] =	vst v38  }
0x2cc: {  	v39 =	vadd.s32 s2, v17;
	v50 =	vadd.s32 v14, v51;
	v47 =	vld.idx.msk [tilespmem:v55+s14+$0x0], $0xffff;
	[tilespmem:s9+$0x1C0] =	vst v49;
	v61 =	vmul.f32 $8.000000000e+00, v56  }
0x2cd: {  	v62 =	vadd.s32 s6, v18;
	v51 =	vadd.s32 v14, v52;
	v38 =	vadd.s32 s8, v17;
	[tilespmem:s9+$0x240] =	vst v63;
	v49 =	vld.idx.msk [tilespmem:v53+s14+$0x0], $0xffff  }
0x2ce: {  	v63 =	vadd.s32 s2, v18;
	v53 =	vadd.s32 v15, v62;
	v48 =	vld.idx.msk [tilespmem:v59+s14+$0x0], $0xffff;
	[tilespmem:s9+$0x2C0] =	vst v61;
	v55 =	vmul.f32 $8.000000000e+00, v57  }
0x2cf: {  	s21 =	simm.s32 $0x10;
	s2 =	simm.s32 $0xF;
	v54 =	vadd.s32 v15, v63;
	v56 =	vmul.f32 $8.000000000e+00, v58;
	v57 =	vadd.s32 s8, v18;
	s8 =	simm.s32 $0x1AC00;
	v52 =	vld.idx.msk [tilespmem:v60+s14+$0x0], $0xffff  }
.LBB2_15:
0x2d0: {  	p0 =	slt.u32 s21, $0x38;
	v44 =	vld.idx.msk [tilespmem:v44+s14+$0x0], $0xffff;
	v41 =	vadd.s32 s2, v32;
	v57 =	vadd.s32 v15, v57;
	[tilespmem:s9+$0x340] =	vst v55;
	v46 =	vmul.f32 $8.000000000e+00, v46;
	s10 =	smov.u32 s11  }
0x2d1: {  	v45 =	vmul.f32 $8.000000000e+00, v45;
	v55 =	vadd.s32 s1, v18;
	v41 =	vadd.s32 v0, v41;
	[tilespmem:s9+$0x40] =	vst v56;
	v50 =	vld.idx.msk [tilespmem:v50+s14+$0x0], $0xffff  }
0x2d2: {  	v47 =	vmul.f32 $8.000000000e+00, v47;
	v55 =	vadd.s32 v15, v55;
	v56 =	vadd.s32 s30, v18;
	v51 =	vld.idx.msk [tilespmem:v51+s14+$0x0], $0xffff;
	[tilespmem:s9+$0x3D0] =	vst v46  }
0x2d3: {  	v46 =	vadd.s32 v15, v56;
	[tilespmem:s9+$0xD0] =	vst v45;
	v45 =	vmul.f32 $8.000000000e+00, v49;
	v49 =	vadd.s32 s29, v18;
	v53 =	vld.idx.msk [tilespmem:v53+s14+$0x0], $0xffff  }
0x2d4: {  	v54 =	vld.idx.msk [tilespmem:v54+s14+$0x0], $0xffff;
	[tilespmem:s9+$0x150] =	vst v47;
	v47 =	vmul.f32 $8.000000000e+00, v48;
	v48 =	vadd.s32 v15, v49;
	v49 =	vadd.s32 s28, v18  }
0x2d5: {  	v56 =	vadd.s32 s0, v30;
	v57 =	vld.idx.msk [tilespmem:v57+s14+$0x0], $0xffff;
	[tilespmem:s9+$0x1D0] =	vst v45;
	v45 =	vmul.f32 $8.000000000e+00, v52;
	v49 =	vadd.s32 v15, v49  }
0x2d6: {  	v35 =	vadd.s32 v15, v35;
	v52 =	vadd.s32 s10, v30;
	v41 =	vld.idx.msk [tilespmem:v41+s14+$0x0], $0xffff;
	[tilespmem:s9+$0x250] =	vst v47;
	v47 =	vadd.s32 s6, v17;
	s6 =	smov.u32 s2  }
0x2d7: {  	v58 =	vadd.s32 s0, v31;
	v55 =	vld.idx.msk [tilespmem:v55+s14+$0x0], $0xffff;
	[tilespmem:s9+$0x2D0] =	vst v45;
	v45 =	vmul.f32 $8.000000000e+00, v50;
	v47 =	vadd.s32 v16, v47  }
0x2d8: {  	v39 =	vadd.s32 v16, v39;
	v50 =	vadd.s32 s10, v31;
	v51 =	vmul.f32 $8.000000000e+00, v51;
	v46 =	vld.idx.msk [tilespmem:v46+s14+$0x0], $0xffff  }
0x2d9: {  	v38 =	vadd.s32 v16, v38;
	v59 =	vadd.s32 s6, v31;
	v48 =	vld.idx.msk [tilespmem:v48+s14+$0x0], $0xffff;
	[tilespmem:s9+$0x350] =	vst v45;
	v45 =	vmul.f32 $8.000000000e+00, v53  }
0x2da: {  	v59 =	vadd.s32 v2, v59;
	v53 =	vadd.s32 s22, v31;
	[tilespmem:s9+$0x50] =	vst v51;
	v51 =	vmul.f32 $8.000000000e+00, v54;
	v49 =	vld.idx.msk [tilespmem:v49+s14+$0x0], $0xffff  }
0x2db: {  	v54 =	vadd.s32 v2, v58;
	v58 =	vadd.s32 s23, v31;
	v57 =	vmul.f32 $8.000000000e+00, v57;
	v35 =	vld.idx.msk [tilespmem:v35+s14+$0x0], $0xffff;
	[tilespmem:s9+$0x3E0] =	vst v45  }
0x2dc: {  	v45 =	vadd.s32 v2, v50;
	v50 =	vadd.s32 s13, v31;
	v41 =	vmul.f32 $8.000000000e+00, v41;
	[tilespmem:s9+$0xE0] =	vst v51;
	v47 =	vld.idx.msk [tilespmem:v47+s14+$0x0], $0xffff  }
0x2dd: {  	v34 =	vmul.f32 $8.000000000e+00, v34;
	v51 =	vadd.s32 v2, v53;
	v55 =	vmul.f32 $8.000000000e+00, v55;
	s9 =	sadd.s32 $0x800, s9;
	v53 =	vld.idx.msk [tilespmem:v39+s14+$0x0], $0xffff;
	[tilespmem:s8+$0x160] =	vst v57  }
0x2de: {  	v36 =	vmul.f32 $8.000000000e+00, v36;
	v57 =	vadd.s32 v2, v58;
	[tilespmem:s9+$0xFFFFFF80] =	vst v41;
	v58 =	vld.idx.msk [tilespmem:v38+s14+$0x0], $0xffff;
	v41 =	vmul.f32 $8.000000000e+00, v46  }
0x2df: {  	v38 =	vmul.f32 $8.000000000e+00, v48;
	[tilespmem:s9+$0xFFFFFC80] =	vst v34;
	v34 =	vmul.f32 $8.000000000e+00, v37;
	v37 =	vadd.s32 v2, v50;
	v46 =	vld.idx.msk [tilespmem:v59+s14+$0x0], $0xffff  }
0x2e0: {  	v39 =	vmul.f32 $8.000000000e+00, v49;
	v48 =	vld.idx.msk [tilespmem:v54+s14+$0x0], $0xffff;
	[tilespmem:s9+$0xFFFFFD00] =	vst v36;
	v36 =	vmul.f32 $8.000000000e+00, v40;
	v40 =	vadd.s32 s18, v31  }
0x2e1: {  	v45 =	vld.idx.msk [tilespmem:v45+s14+$0x0], $0xffff;
	[tilespmem:s9+$0xFFFFFD80] =	vst v34;
	v34 =	vmul.f32 $8.000000000e+00, v43;
	v43 =	vadd.s32 v2, v40;
	v40 =	vmul.f32 $8.000000000e+00, v35  }
0x2e2: {  	v35 =	vadd.s32 v2, v42;
	v47 =	vmul.f32 $8.000000000e+00, v47;
	v42 =	vld.idx.msk [tilespmem:v51+s14+$0x0], $0xffff;
	[tilespmem:s9+$0xFFFFFE00] =	vst v36;
	v36 =	vadd.s32 s6, v30  }
0x2e3: {  	v44 =	vmul.f32 $8.000000000e+00, v44;
	v49 =	vld.idx.msk [tilespmem:v57+s14+$0x0], $0xffff;
	[tilespmem:s9+$0xFFFFFE80] =	vst v34;
	v50 =	vadd.s32 v3, v36;
	v36 =	vmul.f32 $8.000000000e+00, v53  }
0x2e4: {  	v33 =	vmul.f32 $8.000000000e+00, v33;
	v51 =	vadd.s32 v3, v56;
	v34 =	vmul.f32 $8.000000000e+00, v58;
	v37 =	vld.idx.msk [tilespmem:v37+s14+$0x0], $0xffff;
	[tilespmem:s8+$0x3F0] =	vst v47  }
0x2e5: {  	v47 =	vadd.s32 v3, v52;
	v52 =	vadd.s32 s22, v30;
	[tilespmem:s9+$0xFFFFFF00] =	vst v44;
	v44 =	vmul.f32 $8.000000000e+00, v46  }
0x2e6: {  	v46 =	vadd.s32 v3, v52;
	[tilespmem:s9+$0xFFFFFC00] =	vst v33;
	v33 =	vmul.f32 $8.000000000e+00, v48;
	v48 =	vadd.s32 s23, v30;
	v43 =	vld.idx.msk [tilespmem:v43+s14+$0x0], $0xffff  }
0x2e7: {  	v52 =	vadd.s32 s13, v30;
	v45 =	vmul.f32 $8.000000000e+00, v45;
	v35 =	vld.idx.msk [tilespmem:v35+s14+$0x0], $0xffff;
	v48 =	vadd.s32 v3, v48;
	[tilespmem:s9+$0xFFFFFF90] =	vst v44  }
0x2e8: {  	[tilespmem:s9+$0xFFFFFC90] =	vst v33;
	v33 =	vmul.f32 $8.000000000e+00, v42;
	v42 =	vadd.s32 v3, v52;
	v44 =	vld.idx.msk [tilespmem:v50+s14+$0x0], $0xffff;
	v50 =	vadd.s32 s1, v17;
	s1 =	smov.u32 s22  }
0x2e9: {  	v51 =	vld.idx.msk [tilespmem:v51+s14+$0x0], $0xffff;
	[tilespmem:s9+$0xFFFFFD10] =	vst v45;
	v45 =	vmul.f32 $8.000000000e+00, v49;
	v49 =	vadd.s32 s18, v30;
	v50 =	vadd.s32 v16, v50  }
0x2ea: {  	v52 =	vadd.s32 s31, v30;
	v47 =	vld.idx.msk [tilespmem:v47+s14+$0x0], $0xffff;
	[tilespmem:s9+$0xFFFFFD90] =	vst v33;
	v33 =	vmul.f32 $8.000000000e+00, v37;
	v37 =	vadd.s32 v3, v49  }
0x2eb: {  	v49 =	vadd.s32 v3, v52;
	v46 =	vld.idx.msk [tilespmem:v46+s14+$0x0], $0xffff;
	[tilespmem:s9+$0xFFFFFE10] =	vst v45;
	v45 =	vadd.s32 s6, v29  }
0x2ec: {  	v52 =	vadd.s32 s0, v29;
	v48 =	vld.idx.msk [tilespmem:v48+s14+$0x0], $0xffff;
	[tilespmem:s9+$0xFFFFFE90] =	vst v33;
	v33 =	vmul.f32 $8.000000000e+00, v43;
	v43 =	vadd.s32 v4, v45  }
0x2ed: {  	v35 =	vmul.f32 $8.000000000e+00, v35;
	v45 =	vadd.s32 v4, v52;
	v52 =	vadd.s32 s10, v29;
	v42 =	vld.idx.msk [tilespmem:v42+s14+$0x0], $0xffff;
	[tilespmem:s8+$0x1E0] =	vst v55  }
0x2ee: {  	v53 =	vadd.s32 s1, v29;
	v52 =	vadd.s32 v4, v52;
	[tilespmem:s9+$0xFFFFFF10] =	vst v33;
	v33 =	vmul.f32 $8.000000000e+00, v44;
	v44 =	vld.idx.msk [tilespmem:v50+s14+$0x0], $0xffff  }
0x2ef: {  	v50 =	vadd.s32 v4, v53;
	[tilespmem:s9+$0xFFFFFC10] =	vst v35;
	v35 =	vmul.f32 $8.000000000e+00, v51;
	v51 =	vadd.s32 s23, v29;
	v37 =	vld.idx.msk [tilespmem:v37+s14+$0x0], $0xffff  }
0x2f0: {  	v53 =	vadd.s32 s13, v29;
	v47 =	vmul.f32 $8.000000000e+00, v47;
	v49 =	vld.idx.msk [tilespmem:v49+s14+$0x0], $0xffff;
	v51 =	vadd.s32 v4, v51;
	[tilespmem:s9+$0xFFFFFFA0] =	vst v33  }
0x2f1: {  	v33 =	vmul.f32 $8.000000000e+00, v46;
	v46 =	vadd.s32 v4, v53;
	[tilespmem:s9+$0xFFFFFCA0] =	vst v35;
	v43 =	vld.idx.msk [tilespmem:v43+s14+$0x0], $0xffff;
	v35 =	vadd.s32 s30, v17;
	s30 =	smov.u32 s23  }
0x2f2: {  	v45 =	vld.idx.msk [tilespmem:v45+s14+$0x0], $0xffff;
	[tilespmem:s9+$0xFFFFFD20] =	vst v47;
	v47 =	vmul.f32 $8.000000000e+00, v48;
	v48 =	vadd.s32 s18, v29;
	v53 =	vadd.s32 v16, v35  }
0x2f3: {  	v35 =	vadd.s32 s31, v29;
	v52 =	vld.idx.msk [tilespmem:v52+s14+$0x0], $0xffff;
	[tilespmem:s9+$0xFFFFFDA0] =	vst v33;
	v33 =	vmul.f32 $8.000000000e+00, v42;
	v42 =	vadd.s32 v4, v48  }
0x2f4: {  	v48 =	vadd.s32 v4, v35;
	v35 =	vmul.f32 $8.000000000e+00, v44;
	v50 =	vld.idx.msk [tilespmem:v50+s14+$0x0], $0xffff;
	[tilespmem:s9+$0xFFFFFE20] =	vst v47;
	v47 =	vadd.s32 s6, v28  }
0x2f5: {  	v44 =	vadd.s32 s0, v28;
	v51 =	vld.idx.msk [tilespmem:v51+s14+$0x0], $0xffff;
	[tilespmem:s9+$0xFFFFFEA0] =	vst v33;
	v33 =	vmul.f32 $8.000000000e+00, v37;
	v37 =	vadd.s32 v5, v47  }
0x2f6: {  	v44 =	vadd.s32 v5, v44;
	v47 =	vmul.f32 $8.000000000e+00, v49;
	v49 =	vadd.s32 s10, v28;
	v46 =	vld.idx.msk [tilespmem:v46+s14+$0x0], $0xffff;
	[tilespmem:s8+$0x260] =	vst v41  }
0x2f7: {  	v41 =	vadd.s32 v5, v49;
	v49 =	vadd.s32 s1, v28;
	[tilespmem:s9+$0xFFFFFF20] =	vst v33;
	v33 =	vmul.f32 $8.000000000e+00, v43;
	v43 =	vld.idx.msk [tilespmem:v53+s14+$0x0], $0xffff  }
0x2f8: {  	v45 =	vmul.f32 $8.000000000e+00, v45;
	[tilespmem:s9+$0xFFFFFC20] =	vst v47;
	v47 =	vadd.s32 v5, v49;
	v49 =	vadd.s32 s30, v28;
	v42 =	vld.idx.msk [tilespmem:v42+s14+$0x0], $0xffff  }
0x2f9: {  	v53 =	vadd.s32 s13, v28;
	v52 =	vmul.f32 $8.000000000e+00, v52;
	v48 =	vld.idx.msk [tilespmem:v48+s14+$0x0], $0xffff;
	v49 =	vadd.s32 v5, v49;
	[tilespmem:s9+$0xFFFFFFB0] =	vst v33  }
0x2fa: {  	v33 =	vmul.f32 $8.000000000e+00, v50;
	[tilespmem:s9+$0xFFFFFCB0] =	vst v45;
	v45 =	vadd.s32 v5, v53;
	v50 =	vld.idx.msk [tilespmem:v37+s14+$0x0], $0xffff;
	v37 =	vadd.s32 s29, v17;
	s29 =	smov.u32 s13  }
0x2fb: {  	v51 =	vmul.f32 $8.000000000e+00, v51;
	v44 =	vld.idx.msk [tilespmem:v44+s14+$0x0], $0xffff;
	[tilespmem:s9+$0xFFFFFD30] =	vst v52;
	v52 =	vadd.s32 s18, v28;
	v53 =	vadd.s32 v16, v37  }
0x2fc: {  	v37 =	vadd.s32 s31, v28;
	v41 =	vld.idx.msk [tilespmem:v41+s14+$0x0], $0xffff;
	[tilespmem:s9+$0xFFFFFDB0] =	vst v33;
	v33 =	vmul.f32 $8.000000000e+00, v46;
	v46 =	vadd.s32 v5, v52  }
0x2fd: {  	v52 =	vadd.s32 v5, v37;
	v37 =	vmul.f32 $8.000000000e+00, v43;
	v47 =	vld.idx.msk [tilespmem:v47+s14+$0x0], $0xffff;
	[tilespmem:s9+$0xFFFFFE30] =	vst v51;
	v51 =	vadd.s32 s6, v27  }
0x2fe: {  	v43 =	vadd.s32 s0, v27;
	v49 =	vld.idx.msk [tilespmem:v49+s14+$0x0], $0xffff;
	[tilespmem:s9+$0xFFFFFEB0] =	vst v33;
	v33 =	vmul.f32 $8.000000000e+00, v42;
	v42 =	vadd.s32 v6, v51  }
0x2ff: {  	v43 =	vadd.s32 v6, v43;
	v48 =	vmul.f32 $8.000000000e+00, v48;
	v51 =	vadd.s32 s10, v27;
	v45 =	vld.idx.msk [tilespmem:v45+s14+$0x0], $0xffff;
	[tilespmem:s8+$0x2E0] =	vst v38  }
0x300: {  	v38 =	vadd.s32 v6, v51;
	v51 =	vadd.s32 s1, v27;
	[tilespmem:s9+$0xFFFFFF30] =	vst v33;
	v33 =	vmul.f32 $8.000000000e+00, v50;
	v50 =	vld.idx.msk [tilespmem:v53+s14+$0x0], $0xffff  }
0x301: {  	v44 =	vmul.f32 $8.000000000e+00, v44;
	[tilespmem:s9+$0xFFFFFC30] =	vst v48;
	v48 =	vadd.s32 v6, v51;
	v51 =	vadd.s32 s30, v27;
	v46 =	vld.idx.msk [tilespmem:v46+s14+$0x0], $0xffff  }
0x302: {  	v53 =	vadd.s32 s29, v27;
	v41 =	vmul.f32 $8.000000000e+00, v41;
	v52 =	vld.idx.msk [tilespmem:v52+s14+$0x0], $0xffff;
	v51 =	vadd.s32 v6, v51;
	[tilespmem:s9+$0xFFFFFFC0] =	vst v33  }
0x303: {  	v33 =	vmul.f32 $8.000000000e+00, v47;
	v47 =	vadd.s32 s28, v17;
	s28 =	smov.u32 s18;
	[tilespmem:s9+$0xFFFFFCC0] =	vst v44;
	v44 =	vadd.s32 v6, v53;
	v42 =	vld.idx.msk [tilespmem:v42+s14+$0x0], $0xffff  }
0x304: {  	v47 =	vadd.s32 v16, v47;
	v43 =	vld.idx.msk [tilespmem:v43+s14+$0x0], $0xffff;
	[tilespmem:s9+$0xFFFFFD40] =	vst v41;
	v41 =	vmul.f32 $8.000000000e+00, v49;
	v49 =	vadd.s32 s28, v27  }
0x305: {  	v53 =	vadd.s32 s31, v27;
	v54 =	vld.idx.msk [tilespmem:v38+s14+$0x0], $0xffff;
	[tilespmem:s9+$0xFFFFFDC0] =	vst v33;
	v33 =	vmul.f32 $8.000000000e+00, v45;
	v45 =	vadd.s32 v6, v49  }
0x306: {  	v49 =	vadd.s32 v6, v53;
	v38 =	vmul.f32 $8.000000000e+00, v50;
	v48 =	vld.idx.msk [tilespmem:v48+s14+$0x0], $0xffff;
	[tilespmem:s9+$0xFFFFFE40] =	vst v41;
	v41 =	vadd.s32 s6, v26  }
0x307: {  	v50 =	vadd.s32 s0, v26;
	v51 =	vld.idx.msk [tilespmem:v51+s14+$0x0], $0xffff;
	[tilespmem:s9+$0xFFFFFEC0] =	vst v33;
	v33 =	vmul.f32 $8.000000000e+00, v46;
	v41 =	vadd.s32 v7, v41  }
0x308: {  	v50 =	vadd.s32 v7, v50;
	v46 =	vmul.f32 $8.000000000e+00, v52;
	v52 =	vadd.s32 s10, v26;
	v44 =	vld.idx.msk [tilespmem:v44+s14+$0x0], $0xffff;
	[tilespmem:s8+$0x360] =	vst v39  }
0x309: {  	v39 =	vadd.s32 v7, v52;
	v52 =	vadd.s32 s1, v26;
	[tilespmem:s9+$0xFFFFFF40] =	vst v33;
	v33 =	vmul.f32 $8.000000000e+00, v42;
	v42 =	vld.idx.msk [tilespmem:v47+s14+$0x0], $0xffff  }
0x30a: {  	v43 =	vmul.f32 $8.000000000e+00, v43;
	v47 =	vadd.s32 s30, v26;
	[tilespmem:s9+$0xFFFFFC40] =	vst v46;
	v46 =	vadd.s32 v7, v52;
	v45 =	vld.idx.msk [tilespmem:v45+s14+$0x0], $0xffff  }
0x30b: {  	v53 =	vadd.s32 s29, v26;
	v52 =	vmul.f32 $8.000000000e+00, v54;
	v47 =	vadd.s32 v7, v47;
	v49 =	vld.idx.msk [tilespmem:v49+s14+$0x0], $0xffff;
	[tilespmem:s9+$0xFFFFFFD0] =	vst v33  }
0x30c: {  	v33 =	vmul.f32 $8.000000000e+00, v48;
	v48 =	vadd.s32 s26, v17;
	s26 =	smov.u32 s31;
	s31 =	smov.u32 s21;
	[tilespmem:s9+$0xFFFFFCD0] =	vst v43;
	v43 =	vadd.s32 v7, v53;
	v41 =	vld.idx.msk [tilespmem:v41+s14+$0x0], $0xffff  }
0x30d: {  	v51 =	vmul.f32 $8.000000000e+00, v51;
	v48 =	vadd.s32 v16, v48;
	v50 =	vld.idx.msk [tilespmem:v50+s14+$0x0], $0xffff;
	[tilespmem:s9+$0xFFFFFD50] =	vst v52;
	v52 =	vadd.s32 s28, v26  }
0x30e: {  	v53 =	vadd.s32 s26, v26;
	v54 =	vld.idx.msk [tilespmem:v39+s14+$0x0], $0xffff;
	[tilespmem:s9+$0xFFFFFDD0] =	vst v33;
	v33 =	vmul.f32 $8.000000000e+00, v44;
	v44 =	vadd.s32 v7, v52  }
0x30f: {  	v52 =	vadd.s32 v7, v53;
	v39 =	vmul.f32 $8.000000000e+00, v42;
	v46 =	vld.idx.msk [tilespmem:v46+s14+$0x0], $0xffff;
	[tilespmem:s9+$0xFFFFFE50] =	vst v51;
	v51 =	vadd.s32 s6, v25  }
0x310: {  	v42 =	vadd.s32 s0, v25;
	v47 =	vld.idx.msk [tilespmem:v47+s14+$0x0], $0xffff;
	[tilespmem:s9+$0xFFFFFED0] =	vst v33;
	v33 =	vmul.f32 $8.000000000e+00, v45;
	v45 =	vadd.s32 v8, v51  }
0x311: {  	v42 =	vadd.s32 v8, v42;
	v49 =	vmul.f32 $8.000000000e+00, v49;
	v51 =	vadd.s32 s10, v25;
	v43 =	vld.idx.msk [tilespmem:v43+s14+$0x0], $0xffff;
	[tilespmem:s8+$0x60] =	vst v40  }
0x312: {  	v40 =	vadd.s32 v8, v51;
	v51 =	vadd.s32 s1, v25;
	[tilespmem:s9+$0xFFFFFF50] =	vst v33;
	v33 =	vmul.f32 $8.000000000e+00, v41;
	v41 =	vld.idx.msk [tilespmem:v48+s14+$0x0], $0xffff  }
0x313: {  	v48 =	vmul.f32 $8.000000000e+00, v50;
	v50 =	vadd.s32 s30, v25;
	[tilespmem:s9+$0xFFFFFC50] =	vst v49;
	v49 =	vadd.s32 v8, v51;
	v44 =	vld.idx.msk [tilespmem:v44+s14+$0x0], $0xffff  }
0x314: {  	v53 =	vadd.s32 s29, v25;
	v50 =	vadd.s32 v8, v50;
	v51 =	vld.idx.msk [tilespmem:v52+s14+$0x0], $0xffff;
	v52 =	vmul.f32 $8.000000000e+00, v54;
	[tilespmem:s9+$0xFFFFFFE0] =	vst v33  }
0x315: {  	v33 =	vadd.s32 s21, v32;
	v46 =	vmul.f32 $8.000000000e+00, v46;
	[tilespmem:s9+$0xFFFFFCE0] =	vst v48;
	v48 =	vadd.s32 v8, v53;
	v45 =	vld.idx.msk [tilespmem:v45+s14+$0x0], $0xffff  }
0x316: {  	v33 =	vadd.s32 v0, v33;
	v47 =	vmul.f32 $8.000000000e+00, v47;
	v42 =	vld.idx.msk [tilespmem:v42+s14+$0x0], $0xffff;
	[tilespmem:s9+$0xFFFFFD60] =	vst v52;
	v52 =	vadd.s32 s28, v25  }
0x317: {  	v53 =	vadd.s32 s26, v25;
	v43 =	vmul.f32 $8.000000000e+00, v43;
	v40 =	vld.idx.msk [tilespmem:v40+s14+$0x0], $0xffff;
	[tilespmem:s9+$0xFFFFFDE0] =	vst v46;
	v46 =	vadd.s32 v8, v52  }
0x318: {  	v52 =	vadd.s32 v8, v53;
	v41 =	vmul.f32 $8.000000000e+00, v41;
	v49 =	vld.idx.msk [tilespmem:v49+s14+$0x0], $0xffff;
	[tilespmem:s9+$0xFFFFFE60] =	vst v47;
	v47 =	vadd.s32 s6, v24  }
0x319: {  	v53 =	vadd.s32 s0, v24;
	v50 =	vld.idx.msk [tilespmem:v50+s14+$0x0], $0xffff;
	[tilespmem:s9+$0xFFFFFEE0] =	vst v43;
	v43 =	vmul.f32 $8.000000000e+00, v44;
	v44 =	vadd.s32 v9, v47  }
0x31a: {  	v47 =	vmul.f32 $8.000000000e+00, v51;
	v51 =	vadd.s32 v9, v53;
	v53 =	vadd.s32 s10, v24;
	v48 =	vld.idx.msk [tilespmem:v48+s14+$0x0], $0xffff;
	[tilespmem:s8+$0xF0] =	vst v36  }
0x31b: {  	v36 =	vadd.s32 v9, v53;
	v53 =	vadd.s32 s1, v24;
	v33 =	vld.idx.msk [tilespmem:v33+s14+$0x0], $0xffff;
	[tilespmem:s9+$0xFFFFFF60] =	vst v43;
	v43 =	vmul.f32 $8.000000000e+00, v45  }
0x31c: {  	v42 =	vmul.f32 $8.000000000e+00, v42;
	v45 =	vadd.s32 v9, v53;
	[tilespmem:s9+$0xFFFFFC60] =	vst v47;
	v47 =	vadd.s32 s30, v24;
	v46 =	vld.idx.msk [tilespmem:v46+s14+$0x0], $0xffff  }
0x31d: {  	s2 =	sadd.s32 $0x1, s21;
	v53 =	vadd.s32 s29, v24;
	v40 =	vmul.f32 $8.000000000e+00, v40;
	v52 =	vld.idx.msk [tilespmem:v52+s14+$0x0], $0xffff;
	v47 =	vadd.s32 v9, v47;
	[tilespmem:s9+$0xFFFFFFF0] =	vst v43  }
0x31e: {  	v43 =	vadd.s32 s2, v32;
	[tilespmem:s9+$0xFFFFFCF0] =	vst v42;
	v42 =	vmul.f32 $8.000000000e+00, v49;
	v49 =	vadd.s32 v9, v53;
	v44 =	vld.idx.msk [tilespmem:v44+s14+$0x0], $0xffff  }
0x31f: {  	v43 =	vadd.s32 v0, v43;
	v51 =	vld.idx.msk [tilespmem:v51+s14+$0x0], $0xffff;
	[tilespmem:s9+$0xFFFFFD70] =	vst v40;
	v40 =	vmul.f32 $8.000000000e+00, v50;
	v50 =	vadd.s32 s28, v24  }
0x320: {  	v53 =	vadd.s32 s26, v24;
	v36 =	vld.idx.msk [tilespmem:v36+s14+$0x0], $0xffff;
	[tilespmem:s9+$0xFFFFFDF0] =	vst v42;
	v42 =	vmul.f32 $8.000000000e+00, v48;
	v48 =	vadd.s32 v9, v50  }
0x321: {  	v50 =	vadd.s32 v9, v53;
	v45 =	vld.idx.msk [tilespmem:v45+s14+$0x0], $0xffff;
	[tilespmem:s9+$0xFFFFFE70] =	vst v40;
	v40 =	vadd.s32 s6, v23  }
0x322: {  	v53 =	vadd.s32 s0, v23;
	v47 =	vld.idx.msk [tilespmem:v47+s14+$0x0], $0xffff;
	[tilespmem:s9+$0xFFFFFEF0] =	vst v42;
	v42 =	vmul.f32 $8.000000000e+00, v46;
	v40 =	vadd.s32 v10, v40  }
0x323: {  	v46 =	vmul.f32 $8.000000000e+00, v52;
	v52 =	vadd.s32 v10, v53;
	v53 =	vadd.s32 s10, v23;
	v49 =	vld.idx.msk [tilespmem:v49+s14+$0x0], $0xffff;
	[tilespmem:s8+$0x170] =	vst v34  }
0x324: {  	v34 =	vld.idx.msk [tilespmem:v43+s14+$0x0], $0xffff;
	v43 =	vadd.s32 v10, v53;
	v53 =	vadd.s32 s1, v23;
	[tilespmem:s9+$0xFFFFFF70] =	vst v42;
	v42 =	vmul.f32 $8.000000000e+00, v44  }
0x325: {  	v44 =	vmul.f32 $8.000000000e+00, v51;
	v51 =	vadd.s32 s30, v23;
	[tilespmem:s9+$0xFFFFFC70] =	vst v46;
	v46 =	vadd.s32 v10, v53;
	v48 =	vld.idx.msk [tilespmem:v48+s14+$0x0], $0xffff  }
0x326: {  	s11 =	sadd.s32 $0x2, s21;
	v36 =	vmul.f32 $8.000000000e+00, v36;
	v51 =	vadd.s32 v10, v51;
	v53 =	vadd.s32 s29, v23;
	v50 =	vld.idx.msk [tilespmem:v50+s14+$0x0], $0xffff;
	[tilespmem:s9+$0x380] =	vst v42  }
0x327: {  	v42 =	vadd.s32 s11, v32;
	[tilespmem:s9+$0x80] =	vst v44;
	v44 =	vmul.f32 $8.000000000e+00, v45;
	v45 =	vadd.s32 v10, v53;
	v40 =	vld.idx.msk [tilespmem:v40+s14+$0x0], $0xffff  }
0x328: {  	v42 =	vadd.s32 v0, v42;
	v52 =	vld.idx.msk [tilespmem:v52+s14+$0x0], $0xffff;
	[tilespmem:s9+$0x100] =	vst v36;
	v36 =	vmul.f32 $8.000000000e+00, v47;
	v47 =	vadd.s32 s28, v23  }
0x329: {  	v53 =	vadd.s32 s26, v23;
	v43 =	vld.idx.msk [tilespmem:v43+s14+$0x0], $0xffff;
	[tilespmem:s9+$0x180] =	vst v44;
	v44 =	vmul.f32 $8.000000000e+00, v49;
	v47 =	vadd.s32 v10, v47  }
0x32a: {  	v49 =	vadd.s32 v10, v53;
	v46 =	vld.idx.msk [tilespmem:v46+s14+$0x0], $0xffff;
	[tilespmem:s9+$0x200] =	vst v36;
	v36 =	vadd.s32 s6, v22  }
0x32b: {  	v53 =	vadd.s32 s0, v22;
	v51 =	vld.idx.msk [tilespmem:v51+s14+$0x0], $0xffff;
	[tilespmem:s9+$0x280] =	vst v44;
	v44 =	vmul.f32 $8.000000000e+00, v48;
	v48 =	vadd.s32 v11, v36  }
0x32c: {  	v54 =	vadd.s32 s10, v22;
	v53 =	vadd.s32 v11, v53;
	v50 =	vmul.f32 $8.000000000e+00, v50;
	v45 =	vld.idx.msk [tilespmem:v45+s14+$0x0], $0xffff;
	[tilespmem:s8+$0x1F0] =	vst v35  }
0x32d: {  	v35 =	vadd.s32 v11, v54;
	v40 =	vmul.f32 $8.000000000e+00, v40;
	v36 =	vld.idx.msk [tilespmem:v42+s14+$0x0], $0xffff;
	v42 =	vadd.s32 s1, v22;
	[tilespmem:s9+$0x300] =	vst v44  }
0x32e: {  	v44 =	vmul.f32 $8.000000000e+00, v52;
	[tilespmem:s9+$0x0] =	vst v50;
	v42 =	vadd.s32 v11, v42;
	v50 =	vadd.s32 s30, v22;
	v47 =	vld.idx.msk [tilespmem:v47+s14+$0x0], $0xffff  }
0x32f: {  	s22 =	sadd.s32 $0x3, s21;
	v52 =	vadd.s32 s29, v22;
	v43 =	vmul.f32 $8.000000000e+00, v43;
	v49 =	vld.idx.msk [tilespmem:v49+s14+$0x0], $0xffff;
	v50 =	vadd.s32 v11, v50;
	[tilespmem:s9+$0x390] =	vst v40  }
0x330: {  	v40 =	vadd.s32 s22, v32;
	[tilespmem:s9+$0x90] =	vst v44;
	v44 =	vmul.f32 $8.000000000e+00, v46;
	v46 =	vadd.s32 v11, v52;
	v48 =	vld.idx.msk [tilespmem:v48+s14+$0x0], $0xffff  }
0x331: {  	v40 =	vadd.s32 v0, v40;
	v52 =	vld.idx.msk [tilespmem:v53+s14+$0x0], $0xffff;
	[tilespmem:s9+$0x110] =	vst v43;
	v43 =	vmul.f32 $8.000000000e+00, v51;
	v51 =	vadd.s32 s28, v22  }
0x332: {  	v53 =	vadd.s32 s26, v22;
	v54 =	vld.idx.msk [tilespmem:v35+s14+$0x0], $0xffff;
	[tilespmem:s9+$0x190] =	vst v44;
	v44 =	vmul.f32 $8.000000000e+00, v45;
	v45 =	vadd.s32 v11, v51  }
0x333: {  	v51 =	vadd.s32 v11, v53;
	v35 =	vadd.s32 s26, v18;
	v42 =	vld.idx.msk [tilespmem:v42+s14+$0x0], $0xffff;
	[tilespmem:s9+$0x210] =	vst v43;
	v43 =	vadd.s32 s6, v21  }
0x334: {  	v53 =	vadd.s32 s0, v21;
	v50 =	vld.idx.msk [tilespmem:v50+s14+$0x0], $0xffff;
	[tilespmem:s9+$0x290] =	vst v44;
	v44 =	vmul.f32 $8.000000000e+00, v47;
	v43 =	vadd.s32 v12, v43  }
0x335: {  	v47 =	vmul.f32 $8.000000000e+00, v49;
	v49 =	vadd.s32 v12, v53;
	v53 =	vadd.s32 s10, v21;
	v46 =	vld.idx.msk [tilespmem:v46+s14+$0x0], $0xffff;
	[tilespmem:s8+$0x270] =	vst v37  }
0x336: {  	v37 =	vld.idx.msk [tilespmem:v40+s14+$0x0], $0xffff;
	v40 =	vadd.s32 v12, v53;
	v53 =	vadd.s32 s1, v21;
	[tilespmem:s9+$0x310] =	vst v44;
	v44 =	vmul.f32 $8.000000000e+00, v48  }
0x337: {  	[tilespmem:s9+$0x10] =	vst v47;
	v47 =	vmul.f32 $8.000000000e+00, v52;
	v48 =	vadd.s32 v12, v53;
	v52 =	vadd.s32 s30, v21;
	v45 =	vld.idx.msk [tilespmem:v45+s14+$0x0], $0xffff  }
0x338: {  	s23 =	sadd.s32 $0x4, s21;
	v53 =	vmul.f32 $8.000000000e+00, v54;
	v54 =	vadd.s32 s29, v21;
	v51 =	vld.idx.msk [tilespmem:v51+s14+$0x0], $0xffff;
	v52 =	vadd.s32 v12, v52;
	[tilespmem:s9+$0x3A0] =	vst v44  }
0x339: {  	v44 =	vadd.s32 s23, v32;
	v42 =	vmul.f32 $8.000000000e+00, v42;
	[tilespmem:s9+$0xA0] =	vst v47;
	v47 =	vadd.s32 v12, v54;
	v43 =	vld.idx.msk [tilespmem:v43+s14+$0x0], $0xffff  }
0x33a: {  	v44 =	vadd.s32 v0, v44;
	v50 =	vmul.f32 $8.000000000e+00, v50;
	v49 =	vld.idx.msk [tilespmem:v49+s14+$0x0], $0xffff;
	[tilespmem:s9+$0x120] =	vst v53;
	v53 =	vadd.s32 s28, v21  }
0x33b: {  	v54 =	vadd.s32 s26, v21;
	v55 =	vld.idx.msk [tilespmem:v40+s14+$0x0], $0xffff;
	[tilespmem:s9+$0x1A0] =	vst v42;
	v40 =	vmul.f32 $8.000000000e+00, v46;
	v42 =	vadd.s32 v12, v53  }
0x33c: {  	v46 =	vadd.s32 v12, v54;
	v53 =	vadd.s32 s26, v19;
	v48 =	vld.idx.msk [tilespmem:v48+s14+$0x0], $0xffff;
	[tilespmem:s9+$0x220] =	vst v50;
	v50 =	vadd.s32 s6, v20  }
0x33d: {  	v54 =	vadd.s32 s0, v20;
	v45 =	vmul.f32 $8.000000000e+00, v45;
	v52 =	vld.idx.msk [tilespmem:v52+s14+$0x0], $0xffff;
	[tilespmem:s9+$0x2A0] =	vst v40;
	v50 =	vadd.s32 v13, v50  }
0x33e: {  	v56 =	vadd.s32 s10, v20;
	v54 =	vadd.s32 v13, v54;
	v51 =	vmul.f32 $8.000000000e+00, v51;
	v47 =	vld.idx.msk [tilespmem:v47+s14+$0x0], $0xffff;
	[tilespmem:s8+$0x2F0] =	vst v38  }
0x33f: {  	v38 =	vadd.s32 v13, v56;
	v43 =	vmul.f32 $8.000000000e+00, v43;
	v40 =	vld.idx.msk [tilespmem:v44+s14+$0x0], $0xffff;
	v44 =	vadd.s32 s1, v20;
	[tilespmem:s9+$0x320] =	vst v45  }
0x340: {  	v45 =	vmul.f32 $8.000000000e+00, v49;
	v49 =	vadd.s32 s30, v20;
	[tilespmem:s9+$0x20] =	vst v51;
	v44 =	vadd.s32 v13, v44;
	v51 =	vld.idx.msk [tilespmem:v42+s14+$0x0], $0xffff  }
0x341: {  	s13 =	sadd.s32 $0x5, s21;
	v42 =	vmul.f32 $8.000000000e+00, v55;
	v49 =	vadd.s32 v13, v49;
	v55 =	vadd.s32 s29, v20;
	v46 =	vld.idx.msk [tilespmem:v46+s14+$0x0], $0xffff;
	[tilespmem:s9+$0x3B0] =	vst v43  }
0x342: {  	v43 =	vadd.s32 s13, v32;
	[tilespmem:s9+$0xB0] =	vst v45;
	v45 =	vmul.f32 $8.000000000e+00, v48;
	v48 =	vadd.s32 v13, v55;
	v50 =	vld.idx.msk [tilespmem:v50+s14+$0x0], $0xffff  }
0x343: {  	v43 =	vadd.s32 v0, v43;
	v52 =	vmul.f32 $8.000000000e+00, v52;
	v54 =	vld.idx.msk [tilespmem:v54+s14+$0x0], $0xffff;
	[tilespmem:s9+$0x130] =	vst v42;
	v42 =	vadd.s32 s28, v20  }
0x344: {  	v55 =	vadd.s32 s26, v20;
	v38 =	vld.idx.msk [tilespmem:v38+s14+$0x0], $0xffff;
	[tilespmem:s9+$0x1B0] =	vst v45;
	v45 =	vmul.f32 $8.000000000e+00, v47;
	v47 =	vadd.s32 v13, v42  }
0x345: {  	v55 =	vadd.s32 v13, v55;
	v42 =	vadd.s32 s21, v31;
	v44 =	vld.idx.msk [tilespmem:v44+s14+$0x0], $0xffff;
	[tilespmem:s9+$0x230] =	vst v52;
	v52 =	vadd.s32 s6, v19  }
0x346: {  	v56 =	vadd.s32 s0, v19;
	v49 =	vld.idx.msk [tilespmem:v49+s14+$0x0], $0xffff;
	[tilespmem:s9+$0x2B0] =	vst v45;
	v45 =	vmul.f32 $8.000000000e+00, v51;
	v51 =	vadd.s32 v14, v52  }
0x347: {  	v46 =	vmul.f32 $8.000000000e+00, v46;
	v52 =	vadd.s32 v14, v56;
	v56 =	vadd.s32 s10, v19;
	v48 =	vld.idx.msk [tilespmem:v48+s14+$0x0], $0xffff;
	[tilespmem:s8+$0x370] =	vst v39  }
0x348: {  	v56 =	vadd.s32 v14, v56;
	v39 =	vadd.s32 s1, v19;
	v43 =	vld.idx.msk [tilespmem:v43+s14+$0x0], $0xffff;
	[tilespmem:s9+$0x330] =	vst v45;
	v45 =	vmul.f32 $8.000000000e+00, v50  }
0x349: {  	[tilespmem:s9+$0x30] =	vst v46;
	v46 =	vmul.f32 $8.000000000e+00, v54;
	v54 =	vadd.s32 v14, v39;
	v39 =	vadd.s32 s30, v19;
	v57 =	vld.idx.msk [tilespmem:v47+s14+$0x0], $0xffff  }
0x34a: {  	s18 =	sadd.s32 $0x6, s21;
	v38 =	vmul.f32 $8.000000000e+00, v38;
	v58 =	vld.idx.msk [tilespmem:v55+s14+$0x0], $0xffff;
	v55 =	vadd.s32 v14, v39;
	v39 =	vadd.s32 s29, v19;
	[tilespmem:s9+$0x3C0] =	vst v45  }
0x34b: {  	v45 =	vadd.s32 s18, v32;
	v50 =	vmul.f32 $8.000000000e+00, v44;
	[tilespmem:s9+$0xC0] =	vst v46;
	v59 =	vadd.s32 v14, v39;
	v46 =	vld.idx.msk [tilespmem:v51+s14+$0x0], $0xffff  }
.Ltmp7:
0x34c: {  	v44 =	vadd.s32 v0, v45;
	v45 =	vld.idx.msk [tilespmem:v52+s14+$0x0], $0xffff;
	[tilespmem:s9+$0x140] =	vst v38;
	v52 =	vmul.f32 $8.000000000e+00, v49;
	v38 =	vadd.s32 s28, v19;
	(pc) =	sbr.rel @p0 .LBB2_15-.Ltmp7, $4  }
0x34d: {  	v39 =	vadd.s32 s0, v17;
	v47 =	vld.idx.msk [tilespmem:v56+s14+$0x0], $0xffff;
	[tilespmem:s9+$0x1C0] =	vst v50;
	v56 =	vmul.f32 $8.000000000e+00, v48;
	v50 =	vadd.s32 v14, v38  }
0x34e: {  	v51 =	vadd.s32 v14, v53;
	v38 =	vadd.s32 s10, v17;
	v49 =	vld.idx.msk [tilespmem:v54+s14+$0x0], $0xffff;
	[tilespmem:s9+$0x240] =	vst v52;
	v52 =	vadd.s32 s6, v18  }
0x34f: {  	v54 =	vadd.s32 s0, v18;
	s0 =	smov.u32 s2;
	v48 =	vld.idx.msk [tilespmem:v55+s14+$0x0], $0xffff;
	[tilespmem:s9+$0x2C0] =	vst v56;
	v55 =	vmul.f32 $8.000000000e+00, v57;
	v53 =	vadd.s32 v15, v52  }
0x350: {  	s21 =	sadd.s32 $0x8, s21;
	s2 =	sadd.s32 $0x7, s31;
	v56 =	vmul.f32 $8.000000000e+00, v58;
	v54 =	vadd.s32 v15, v54;
	v57 =	vadd.s32 s10, v18;
	v52 =	vld.idx.msk [tilespmem:v59+s14+$0x0], $0xffff;
	[tilespmem:s8+$0x70] =	vst v41;
	s8 =	smov.u32 s9  }
0x351: {  	[tilespmem:s9+$0x340] =	vst v55;
	v46 =	vmul.f32 $8.000000000e+00, v46  }
0x352: {  	v45 =	vmul.f32 $8.000000000e+00, v45;
	[tilespmem:s9+$0x40] =	vst v56  }
0x353: {  	v32 =	vadd.s32 s2, v32;
	v34 =	vmul.f32 $8.000000000e+00, v34;
	[tilespmem:s9+$0x3D0] =	vst v46  }
0x354: {  	s21 =	sadd.s32 $0x800, s9;
	v36 =	vmul.f32 $8.000000000e+00, v36;
	v32 =	vadd.s32 v0, v32;
	[tilespmem:s9+$0xD0] =	vst v45  }
0x355: {  	v59 =	vadd.s32 s6, v17;
	v50 =	vld.idx.msk [tilespmem:v50+s14+$0x0], $0xffff;
	v47 =	vmul.f32 $8.000000000e+00, v47;
	[tilespmem:s21+$0xFFFFFC80] =	vst v34  }
0x356: {  	v41 =	vadd.s32 v15, v57;
	v61 =	vadd.s32 v16, v59;
	v59 =	vmul.f32 $8.000000000e+00, v37;
	v51 =	vld.idx.msk [tilespmem:v51+s14+$0x0], $0xffff;
	[tilespmem:s21+$0xFFFFFD00] =	vst v36  }
0x357: {  	v55 =	vmul.f32 $8.000000000e+00, v49;
	v46 =	vld.idx.msk [tilespmem:v53+s14+$0x0], $0xffff;
	[tilespmem:s9+$0x150] =	vst v47  }
0x358: {  	v56 =	vld.idx.msk [tilespmem:v54+s14+$0x0], $0xffff;
	v57 =	vmul.f32 $8.000000000e+00, v48;
	v53 =	vadd.s32 s0, v31;
	[tilespmem:s21+$0xFFFFFD80] =	vst v59  }
0x359: {  	v63 =	vadd.s32 s2, v31;
	[tilespmem:s9+$0x1D0] =	vst v55;
	v58 =	vmul.f32 $8.000000000e+00, v52;
	v49 =	vadd.s32 v2, v53;
	v32 =	vld.idx.msk [tilespmem:v32+s14+$0x0], $0xffff  }
0x35a: {  	v42 =	vadd.s32 v2, v42;
	v55 =	vadd.s32 s22, v31;
	[tilespmem:s9+$0x250] =	vst v57;
	v60 =	vmul.f32 $8.000000000e+00, v50  }
0x35b: {  	v33 =	vmul.f32 $8.000000000e+00, v33;
	v41 =	vld.idx.msk [tilespmem:v41+s14+$0x0], $0xffff;
	v47 =	vadd.s32 v2, v55;
	[tilespmem:s9+$0x2D0] =	vst v58;
	v62 =	vmul.f32 $8.000000000e+00, v51  }
0x35c: {  	v48 =	vadd.s32 v2, v63;
	v57 =	vadd.s32 s23, v31;
	[tilespmem:s9+$0x350] =	vst v60;
	v46 =	vmul.f32 $8.000000000e+00, v46  }
0x35d: {  	v54 =	vadd.s32 s11, v31;
	v52 =	vmul.f32 $8.000000000e+00, v56;
	v56 =	vld.idx.msk [tilespmem:v44+s14+$0x0], $0xffff;
	v44 =	vadd.s32 v2, v57;
	[tilespmem:s9+$0x50] =	vst v62  }
0x35e: {  	v60 =	vadd.s32 s1, v18;
	v62 =	vld.idx.msk [tilespmem:v49+s14+$0x0], $0xffff;
	[tilespmem:s9+$0x3E0] =	vst v46;
	v46 =	vadd.s32 v2, v54;
	v32 =	vmul.f32 $8.000000000e+00, v32  }
0x35f: {  	v63 =	vadd.s32 s18, v31;
	v37 =	vadd.s32 v15, v60;
	[tilespmem:s9+$0xE0] =	vst v52;
	v45 =	vld.idx.msk [tilespmem:v61+s14+$0x0], $0xffff;
	v61 =	vmul.f32 $8.000000000e+00, v40  }
0x360: {  	v53 =	vadd.s32 s2, v30;
	v55 =	vadd.s32 s0, v30;
	v41 =	vmul.f32 $8.000000000e+00, v41;
	v52 =	vld.idx.msk [tilespmem:v47+s14+$0x0], $0xffff;
	[tilespmem:s21+$0xFFFFFF80] =	vst v32  }
0x361: {  	v58 =	vadd.s32 s13, v31;
	v31 =	vadd.s32 v2, v63;
	v49 =	vmul.f32 $8.000000000e+00, v43;
	[tilespmem:s21+$0xFFFFFE00] =	vst v61;
	v48 =	vld.idx.msk [tilespmem:v48+s14+$0x0], $0xffff  }
0x362: {  	[tilespmem:s8+$0x160] =	vst v41;
	v41 =	vadd.s32 v3, v55;
	v55 =	vadd.s32 s31, v30;
	v32 =	vadd.s32 v2, v58;
	v44 =	vld.idx.msk [tilespmem:v44+s14+$0x0], $0xffff  }
0x363: {  	[tilespmem:s21+$0xFFFFFC00] =	vst v33;
	v54 =	vmul.f32 $8.000000000e+00, v56;
	v56 =	vadd.s32 s11, v30;
	v58 =	vadd.s32 s22, v30;
	v50 =	vld.idx.msk [tilespmem:v46+s14+$0x0], $0xffff  }
0x364: {  	[tilespmem:s21+$0xFFFFFE80] =	vst v49;
	v61 =	vadd.s32 s23, v30;
	v37 =	vld.idx.msk [tilespmem:v37+s14+$0x0], $0xffff;
	v59 =	vmul.f32 $8.000000000e+00, v62;
	v60 =	vadd.s32 v3, v58  }
0x365: {  	v36 =	vadd.s32 v3, v56;
	v62 =	vld.idx.msk [tilespmem:v42+s14+$0x0], $0xffff;
	v46 =	vadd.s32 v3, v53;
	[tilespmem:s21+$0xFFFFFF00] =	vst v54;
	v51 =	vmul.f32 $8.000000000e+00, v45  }
0x366: {  	v63 =	vadd.s32 v3, v61;
	v49 =	vmul.f32 $8.000000000e+00, v52;
	v53 =	vadd.s32 s18, v30;
	v31 =	vld.idx.msk [tilespmem:v31+s14+$0x0], $0xffff;
	[tilespmem:s21+$0xFFFFFC90] =	vst v59  }
0x367: {  	[tilespmem:s8+$0x3F0] =	vst v51;
	v32 =	vld.idx.msk [tilespmem:v32+s14+$0x0], $0xffff;
	v57 =	vmul.f32 $8.000000000e+00, v48;
	v48 =	vadd.s32 s13, v30;
	v51 =	vmul.f32 $8.000000000e+00, v44  }
0x368: {  	v41 =	vld.idx.msk [tilespmem:v41+s14+$0x0], $0xffff;
	[tilespmem:s21+$0xFFFFFD90] =	vst v49;
	v30 =	vadd.s32 v3, v55;
	v43 =	vmul.f32 $8.000000000e+00, v50;
	v50 =	vadd.s32 s30, v18  }
0x369: {  	v40 =	vld.idx.msk [tilespmem:v60+s14+$0x0], $0xffff;
	[tilespmem:s21+$0xFFFFFF90] =	vst v57;
	v52 =	vadd.s32 v15, v50  }
0x36a: {  	v58 =	vadd.s32 s0, v29;
	v34 =	vmul.f32 $8.000000000e+00, v62;
	v47 =	vadd.s32 v3, v48;
	[tilespmem:s21+$0xFFFFFE10] =	vst v51;
	v46 =	vld.idx.msk [tilespmem:v46+s14+$0x0], $0xffff  }
0x36b: {  	v56 =	vadd.s32 v3, v53;
	v54 =	vmul.f32 $8.000000000e+00, v37;
	v62 =	vadd.s32 s22, v29;
	[tilespmem:s21+$0xFFFFFD10] =	vst v43;
	v42 =	vld.idx.msk [tilespmem:v63+s14+$0x0], $0xffff  }
0x36c: {  	v48 =	vadd.s32 v4, v62;
	v57 =	vadd.s32 s2, v29;
	[tilespmem:s21+$0xFFFFFC10] =	vst v34;
	v32 =	vmul.f32 $8.000000000e+00, v32;
	v36 =	vld.idx.msk [tilespmem:v36+s14+$0x0], $0xffff  }
0x36d: {  	v59 =	vadd.s32 s11, v29;
	v31 =	vmul.f32 $8.000000000e+00, v31;
	[tilespmem:s8+$0x1E0] =	vst v54;
	v43 =	vadd.s32 v4, v57;
	v30 =	vld.idx.msk [tilespmem:v30+s14+$0x0], $0xffff  }
0x36e: {  	v49 =	vadd.s32 s23, v29;
	[tilespmem:s21+$0xFFFFFE90] =	vst v32;
	v32 =	vadd.s32 v4, v58;
	v44 =	vld.idx.msk [tilespmem:v52+s14+$0x0], $0xffff;
	v52 =	vmul.f32 $8.000000000e+00, v40  }
0x36f: {  	v53 =	vadd.s32 s29, v18;
	v50 =	vadd.s32 v4, v49;
	[tilespmem:s21+$0xFFFFFF10] =	vst v31;
	v60 =	vld.idx.msk [tilespmem:v47+s14+$0x0], $0xffff;
	v61 =	vmul.f32 $8.000000000e+00, v46  }
0x370: {  	v33 =	vadd.s32 v4, v59;
	v55 =	vadd.s32 s18, v29;
	v63 =	vmul.f32 $8.000000000e+00, v41;
	v37 =	vld.idx.msk [tilespmem:v56+s14+$0x0], $0xffff;
	[tilespmem:s21+$0xFFFFFDA0] =	vst v52  }
0x371: {  	v57 =	vadd.s32 s31, v29;
	v40 =	vadd.s32 v15, v53;
	v54 =	vmul.f32 $8.000000000e+00, v42;
	[tilespmem:s21+$0xFFFFFFA0] =	vst v61;
	v58 =	vld.idx.msk [tilespmem:v48+s14+$0x0], $0xffff  }
0x372: {  	v51 =	vadd.s32 s13, v29;
	v29 =	vadd.s32 v4, v57;
	[tilespmem:s21+$0xFFFFFCA0] =	vst v63;
	v36 =	vmul.f32 $8.000000000e+00, v36;
	v43 =	vld.idx.msk [tilespmem:v43+s14+$0x0], $0xffff  }
0x373: {  	v59 =	vadd.s32 s2, v28;
	v46 =	vadd.s32 v4, v51;
	[tilespmem:s21+$0xFFFFFE20] =	vst v54;
	v30 =	vmul.f32 $8.000000000e+00, v30;
	v32 =	vld.idx.msk [tilespmem:v32+s14+$0x0], $0xffff  }
0x374: {  	v62 =	vadd.s32 s11, v28;
	v42 =	vadd.s32 v4, v55;
	[tilespmem:s21+$0xFFFFFD20] =	vst v36;
	v31 =	vld.idx.msk [tilespmem:v50+s14+$0x0], $0xffff;
	v56 =	vmul.f32 $8.000000000e+00, v60  }
0x375: {  	v41 =	vadd.s32 v5, v59;
	v61 =	vadd.s32 s0, v28;
	v44 =	vmul.f32 $8.000000000e+00, v44;
	v33 =	vld.idx.msk [tilespmem:v33+s14+$0x0], $0xffff;
	[tilespmem:s21+$0xFFFFFC20] =	vst v30  }
0x376: {  	v53 =	vadd.s32 s23, v28;
	v60 =	vmul.f32 $8.000000000e+00, v37;
	v37 =	vadd.s32 v5, v61;
	v40 =	vld.idx.msk [tilespmem:v40+s14+$0x0], $0xffff;
	[tilespmem:s21+$0xFFFFFEA0] =	vst v56  }
0x377: {  	v49 =	vadd.s32 v5, v62;
	v54 =	vadd.s32 v5, v53;
	v29 =	vld.idx.msk [tilespmem:v29+s14+$0x0], $0xffff;
	[tilespmem:s8+$0x260] =	vst v44;
	v48 =	vmul.f32 $8.000000000e+00, v43  }
0x378: {  	v62 =	vadd.s32 s31, v28;
	v50 =	vadd.s32 s22, v28;
	[tilespmem:s21+$0xFFFFFF20] =	vst v60;
	v63 =	vld.idx.msk [tilespmem:v46+s14+$0x0], $0xffff;
	v51 =	vmul.f32 $8.000000000e+00, v32  }
0x379: {  	v57 =	vadd.s32 s28, v18;
	v52 =	vadd.s32 v5, v50;
	v42 =	vld.idx.msk [tilespmem:v42+s14+$0x0], $0xffff;
	v31 =	vmul.f32 $8.000000000e+00, v31;
	[tilespmem:s21+$0xFFFFFFB0] =	vst v48  }
0x37a: {  	v56 =	vmul.f32 $8.000000000e+00, v58;
	v58 =	vadd.s32 v15, v57;
	v33 =	vmul.f32 $8.000000000e+00, v33;
	[tilespmem:s21+$0xFFFFFCB0] =	vst v51;
	v41 =	vld.idx.msk [tilespmem:v41+s14+$0x0], $0xffff  }
0x37b: {  	v55 =	vadd.s32 s13, v28;
	v60 =	vadd.s32 s18, v28;
	v28 =	vadd.s32 v5, v62;
	[tilespmem:s21+$0xFFFFFE30] =	vst v31;
	v59 =	vld.idx.msk [tilespmem:v37+s14+$0x0], $0xffff  }
0x37c: {  	v44 =	vadd.s32 v5, v55;
	v40 =	vmul.f32 $8.000000000e+00, v40;
	[tilespmem:s21+$0xFFFFFD30] =	vst v33;
	v34 =	vld.idx.msk [tilespmem:v54+s14+$0x0], $0xffff  }
0x37d: {  	[tilespmem:s21+$0xFFFFFDB0] =	vst v56;
	v48 =	vadd.s32 s2, v27;
	v29 =	vmul.f32 $8.000000000e+00, v29;
	v37 =	vadd.s32 v5, v60;
	v43 =	vld.idx.msk [tilespmem:v49+s14+$0x0], $0xffff  }
0x37e: {  	v50 =	vadd.s32 s0, v27;
	v32 =	vadd.s32 v6, v48;
	[tilespmem:s8+$0x2E0] =	vst v40;
	v61 =	vmul.f32 $8.000000000e+00, v63;
	v63 =	vld.idx.msk [tilespmem:v52+s14+$0x0], $0xffff  }
0x37f: {  	v51 =	vadd.s32 v6, v50;
	v49 =	vmul.f32 $8.000000000e+00, v42;
	v52 =	vadd.s32 s11, v27;
	v33 =	vld.idx.msk [tilespmem:v58+s14+$0x0], $0xffff;
	[tilespmem:s21+$0xFFFFFC30] =	vst v29  }
0x380: {  	v55 =	vadd.s32 s22, v27;
	v54 =	vadd.s32 v6, v52;
	v28 =	vld.idx.msk [tilespmem:v28+s14+$0x0], $0xffff;
	[tilespmem:s21+$0xFFFFFEB0] =	vst v61;
	v53 =	vmul.f32 $8.000000000e+00, v41  }
0x381: {  	v35 =	vadd.s32 v15, v35;
	v57 =	vadd.s32 v6, v55;
	[tilespmem:s21+$0xFFFFFF30] =	vst v49;
	v44 =	vld.idx.msk [tilespmem:v44+s14+$0x0], $0xffff;
	v56 =	vmul.f32 $8.000000000e+00, v59  }
0x382: {  	v39 =	vadd.s32 v16, v39;
	v58 =	vadd.s32 s23, v27;
	v37 =	vld.idx.msk [tilespmem:v37+s14+$0x0], $0xffff;
	v43 =	vmul.f32 $8.000000000e+00, v43;
	[tilespmem:s21+$0xFFFFFFC0] =	vst v53  }
0x383: {  	v46 =	vadd.s32 s31, v27;
	v59 =	vadd.s32 v6, v58;
	v61 =	vmul.f32 $8.000000000e+00, v63;
	[tilespmem:s21+$0xFFFFFCC0] =	vst v56;
	v32 =	vld.idx.msk [tilespmem:v32+s14+$0x0], $0xffff  }
0x384: {  	v50 =	vadd.s32 s0, v26;
	v60 =	vadd.s32 s13, v27;
	v34 =	vmul.f32 $8.000000000e+00, v34;
	[tilespmem:s21+$0xFFFFFD40] =	vst v43;
	v40 =	vld.idx.msk [tilespmem:v51+s14+$0x0], $0xffff  }
0x385: {  	v63 =	vadd.s32 s18, v27;
	v33 =	vmul.f32 $8.000000000e+00, v33;
	v27 =	vadd.s32 v6, v46;
	[tilespmem:s21+$0xFFFFFDC0] =	vst v61;
	v41 =	vld.idx.msk [tilespmem:v54+s14+$0x0], $0xffff  }
0x386: {  	v48 =	vadd.s32 s2, v26;
	v62 =	vadd.s32 v6, v60;
	[tilespmem:s21+$0xFFFFFE40] =	vst v34;
	v28 =	vmul.f32 $8.000000000e+00, v28;
	v47 =	vld.idx.msk [tilespmem:v57+s14+$0x0], $0xffff  }
0x387: {  	v36 =	vadd.s32 v7, v48;
	v42 =	vadd.s32 v6, v63;
	[tilespmem:s8+$0x360] =	vst v33;
	v45 =	vmul.f32 $8.000000000e+00, v44;
	v54 =	vld.idx.msk [tilespmem:v35+s14+$0x0], $0xffff  }
0x388: {  	v52 =	vadd.s32 s11, v26;
	v56 =	vadd.s32 s22, v26;
	[tilespmem:s21+$0xFFFFFC40] =	vst v28;
	v49 =	vmul.f32 $8.000000000e+00, v37;
	v30 =	vld.idx.msk [tilespmem:v59+s14+$0x0], $0xffff  }
0x389: {  	v51 =	vadd.s32 v7, v50;
	v37 =	vadd.s32 v7, v56;
	v56 =	vld.idx.msk [tilespmem:v39+s14+$0x0], $0xffff;
	[tilespmem:s21+$0xFFFFFEC0] =	vst v45;
	v53 =	vmul.f32 $8.000000000e+00, v32  }
0x38a: {  	v55 =	vadd.s32 v7, v52;
	v27 =	vld.idx.msk [tilespmem:v27+s14+$0x0], $0xffff;
	[tilespmem:s21+$0xFFFFFF40] =	vst v49;
	v57 =	vmul.f32 $8.000000000e+00, v40  }
0x38b: {  	v60 =	vadd.s32 s13, v26;
	v58 =	vadd.s32 s23, v26;
	v31 =	vld.idx.msk [tilespmem:v62+s14+$0x0], $0xffff;
	v41 =	vmul.f32 $8.000000000e+00, v41;
	[tilespmem:s21+$0xFFFFFFD0] =	vst v53  }
0x38c: {  	v46 =	vadd.s32 s31, v26;
	v59 =	vadd.s32 v7, v58;
	v42 =	vld.idx.msk [tilespmem:v42+s14+$0x0], $0xffff;
	v61 =	vmul.f32 $8.000000000e+00, v47;
	[tilespmem:s21+$0xFFFFFCD0] =	vst v57  }
0x38d: {  	v63 =	vadd.s32 s18, v26;
	v26 =	vadd.s32 v7, v46;
	v45 =	vmul.f32 $8.000000000e+00, v54;
	v36 =	vld.idx.msk [tilespmem:v36+s14+$0x0], $0xffff;
	[tilespmem:s21+$0xFFFFFD50] =	vst v41  }
0x38e: {  	v62 =	vadd.s32 v7, v60;
	v30 =	vmul.f32 $8.000000000e+00, v30;
	v33 =	vld.idx.msk [tilespmem:v51+s14+$0x0], $0xffff;
	[tilespmem:s21+$0xFFFFFDD0] =	vst v61  }
0x38f: {  	v48 =	vadd.s32 v7, v63;
	v27 =	vmul.f32 $8.000000000e+00, v27;
	[tilespmem:s8+$0x60] =	vst v45;
	v47 =	vld.idx.msk [tilespmem:v55+s14+$0x0], $0xffff  }
0x390: {  	v50 =	vadd.s32 s2, v25;
	v44 =	vmul.f32 $8.000000000e+00, v31;
	[tilespmem:s21+$0xFFFFFE50] =	vst v30;
	v49 =	vld.idx.msk [tilespmem:v37+s14+$0x0], $0xffff  }
0x391: {  	v52 =	vadd.s32 s0, v25;
	v37 =	vadd.s32 v8, v50;
	v51 =	vmul.f32 $8.000000000e+00, v42;
	v29 =	vld.idx.msk [tilespmem:v59+s14+$0x0], $0xffff;
	[tilespmem:s21+$0xFFFFFC50] =	vst v27  }
0x392: {  	v46 =	vadd.s32 s18, v25;
	v53 =	vadd.s32 v8, v52;
	[tilespmem:s21+$0xFFFFFED0] =	vst v44;
	v26 =	vld.idx.msk [tilespmem:v26+s14+$0x0], $0xffff;
	v55 =	vmul.f32 $8.000000000e+00, v36  }
0x393: {  	v54 =	vadd.s32 s11, v25;
	v45 =	vadd.s32 v16, v38;
	v34 =	vld.idx.msk [tilespmem:v62+s14+$0x0], $0xffff;
	[tilespmem:s21+$0xFFFFFF50] =	vst v51;
	v59 =	vmul.f32 $8.000000000e+00, v33  }
0x394: {  	v58 =	vadd.s32 s22, v25;
	v57 =	vadd.s32 v8, v54;
	v35 =	vld.idx.msk [tilespmem:v48+s14+$0x0], $0xffff;
	v48 =	vmul.f32 $8.000000000e+00, v56;
	[tilespmem:s21+$0xFFFFFFE0] =	vst v55  }
0x395: {  	v60 =	vadd.s32 v8, v58;
	v61 =	vadd.s32 s23, v25;
	v32 =	vmul.f32 $8.000000000e+00, v47;
	[tilespmem:s21+$0xFFFFFCE0] =	vst v59  }
0x396: {  	v63 =	vadd.s32 s13, v25;
	v62 =	vadd.s32 v8, v61;
	v43 =	vmul.f32 $8.000000000e+00, v49;
	[tilespmem:s8+$0xF0] =	vst v48;
	v37 =	vld.idx.msk [tilespmem:v37+s14+$0x0], $0xffff  }
0x397: {  	v44 =	vadd.s32 v8, v63;
	v49 =	vadd.s32 s31, v25;
	v29 =	vmul.f32 $8.000000000e+00, v29;
	[tilespmem:s21+$0xFFFFFD60] =	vst v32;
	v31 =	vld.idx.msk [tilespmem:v53+s14+$0x0], $0xffff  }
0x398: {  	v39 =	vadd.s32 s18, v23;
	v25 =	vadd.s32 v8, v49;
	[tilespmem:s21+$0xFFFFFDE0] =	vst v43;
	v26 =	vmul.f32 $8.000000000e+00, v26;
	v32 =	vld.idx.msk [tilespmem:v45+s14+$0x0], $0xffff  }
0x399: {  	v38 =	vadd.s32 v8, v46;
	v41 =	vadd.s32 s1, v17;
	v47 =	vmul.f32 $8.000000000e+00, v34;
	v50 =	vld.idx.msk [tilespmem:v57+s14+$0x0], $0xffff;
	[tilespmem:s21+$0xFFFFFE60] =	vst v29  }
0x39a: {  	v52 =	vadd.s32 s2, v24;
	v51 =	vld.idx.msk [tilespmem:v60+s14+$0x0], $0xffff;
	v29 =	vadd.s32 v16, v41;
	v53 =	vmul.f32 $8.000000000e+00, v35;
	[tilespmem:s21+$0xFFFFFC60] =	vst v26  }
0x39b: {  	v54 =	vadd.s32 s0, v24;
	v33 =	vadd.s32 v9, v52;
	v28 =	vld.idx.msk [tilespmem:v62+s14+$0x0], $0xffff;
	[tilespmem:s21+$0xFFFFFEE0] =	vst v47;
	v57 =	vmul.f32 $8.000000000e+00, v37  }
0x39c: {  	v56 =	vadd.s32 s11, v24;
	v55 =	vadd.s32 v9, v54;
	v30 =	vld.idx.msk [tilespmem:v44+s14+$0x0], $0xffff;
	[tilespmem:s21+$0xFFFFFF60] =	vst v53;
	v59 =	vmul.f32 $8.000000000e+00, v31  }
0x39d: {  	v58 =	vadd.s32 s22, v24;
	v35 =	vadd.s32 v9, v56;
	v25 =	vld.idx.msk [tilespmem:v25+s14+$0x0], $0xffff;
	v44 =	vmul.f32 $8.000000000e+00, v32;
	[tilespmem:s21+$0xFFFFFFF0] =	vst v57  }
0x39e: {  	v61 =	vadd.s32 s23, v24;
	v60 =	vadd.s32 v9, v58;
	v38 =	vld.idx.msk [tilespmem:v38+s14+$0x0], $0xffff;
	v36 =	vmul.f32 $8.000000000e+00, v50;
	[tilespmem:s21+$0xFFFFFCF0] =	vst v59  }
0x39f: {  	v63 =	vadd.s32 s13, v24;
	v62 =	vadd.s32 v9, v61;
	v40 =	vmul.f32 $8.000000000e+00, v51;
	v29 =	vld.idx.msk [tilespmem:v29+s14+$0x0], $0xffff;
	[tilespmem:s8+$0x170] =	vst v44  }
0x3a0: {  	v45 =	vadd.s32 s31, v24;
	v37 =	vadd.s32 v9, v63;
	v28 =	vmul.f32 $8.000000000e+00, v28;
	v33 =	vld.idx.msk [tilespmem:v33+s14+$0x0], $0xffff;
	[tilespmem:s21+$0xFFFFFD70] =	vst v36  }
0x3a1: {  	v42 =	vadd.s32 s18, v24;
	v24 =	vadd.s32 v9, v45;
	v34 =	vld.idx.msk [tilespmem:v55+s14+$0x0], $0xffff;
	[tilespmem:s21+$0xFFFFFDF0] =	vst v40;
	v43 =	vmul.f32 $8.000000000e+00, v30  }
0x3a2: {  	v47 =	vadd.s32 v9, v42;
	v63 =	vadd.s32 s30, v17;
	v46 =	vld.idx.msk [tilespmem:v35+s14+$0x0], $0xffff;
	[tilespmem:s21+$0xFFFFFE70] =	vst v28;
	v25 =	vmul.f32 $8.000000000e+00, v25  }
0x3a3: {  	v49 =	vadd.s32 s2, v23;
	v48 =	vld.idx.msk [tilespmem:v60+s14+$0x0], $0xffff;
	v28 =	vadd.s32 v16, v63;
	v50 =	vmul.f32 $8.000000000e+00, v38;
	[tilespmem:s21+$0xFFFFFEF0] =	vst v43  }
0x3a4: {  	v31 =	vadd.s32 v10, v49;
	v51 =	vadd.s32 s0, v23;
	v27 =	vld.idx.msk [tilespmem:v62+s14+$0x0], $0xffff;
	[tilespmem:s21+$0xFFFFFC70] =	vst v25;
	v29 =	vmul.f32 $8.000000000e+00, v29  }
0x3a5: {  	v53 =	vadd.s32 s11, v23;
	v52 =	vadd.s32 v10, v51;
	v37 =	vld.idx.msk [tilespmem:v37+s14+$0x0], $0xffff;
	[tilespmem:s21+$0xFFFFFF70] =	vst v50;
	v54 =	vmul.f32 $8.000000000e+00, v33  }
0x3a6: {  	v56 =	vadd.s32 s22, v23;
	v55 =	vadd.s32 v10, v53;
	v24 =	vld.idx.msk [tilespmem:v24+s14+$0x0], $0xffff;
	v57 =	vmul.f32 $8.000000000e+00, v34;
	[tilespmem:s8+$0x1F0] =	vst v29  }
0x3a7: {  	v58 =	vadd.s32 v10, v56;
	v59 =	vadd.s32 s23, v23;
	v35 =	vld.idx.msk [tilespmem:v47+s14+$0x0], $0xffff;
	v32 =	vmul.f32 $8.000000000e+00, v46;
	[tilespmem:s21+$0x380] =	vst v54  }
0x3a8: {  	v61 =	vadd.s32 s13, v23;
	v60 =	vadd.s32 v10, v59;
	v62 =	vmul.f32 $8.000000000e+00, v48;
	v28 =	vld.idx.msk [tilespmem:v28+s14+$0x0], $0xffff;
	[tilespmem:s21+$0x80] =	vst v57  }
0x3a9: {  	v41 =	vadd.s32 s31, v23;
	v36 =	vadd.s32 v10, v61;
	v27 =	vmul.f32 $8.000000000e+00, v27;
	v31 =	vld.idx.msk [tilespmem:v31+s14+$0x0], $0xffff;
	[tilespmem:s21+$0x100] =	vst v32  }
0x3aa: {  	v45 =	vadd.s32 s0, v22;
	v23 =	vadd.s32 v10, v41;
	v30 =	vld.idx.msk [tilespmem:v52+s14+$0x0], $0xffff;
	[tilespmem:s21+$0x180] =	vst v62;
	v40 =	vmul.f32 $8.000000000e+00, v37  }
0x3ab: {  	v57 =	vadd.s32 s29, v17;
	v32 =	vadd.s32 v10, v39;
	v33 =	vld.idx.msk [tilespmem:v55+s14+$0x0], $0xffff;
	[tilespmem:s21+$0x200] =	vst v27;
	v24 =	vmul.f32 $8.000000000e+00, v24  }
0x3ac: {  	v43 =	vadd.s32 s2, v22;
	v42 =	vld.idx.msk [tilespmem:v58+s14+$0x0], $0xffff;
	v27 =	vadd.s32 v16, v57;
	v44 =	vmul.f32 $8.000000000e+00, v35;
	[tilespmem:s21+$0x280] =	vst v40  }
0x3ad: {  	v53 =	vadd.s32 s23, v22;
	v34 =	vadd.s32 v11, v43;
	v26 =	vld.idx.msk [tilespmem:v60+s14+$0x0], $0xffff;
	[tilespmem:s21+$0x0] =	vst v24;
	v28 =	vmul.f32 $8.000000000e+00, v28  }
0x3ae: {  	v47 =	vadd.s32 s11, v22;
	v46 =	vadd.s32 v11, v45;
	v36 =	vld.idx.msk [tilespmem:v36+s14+$0x0], $0xffff;
	[tilespmem:s21+$0x300] =	vst v44;
	v48 =	vmul.f32 $8.000000000e+00, v31  }
0x3af: {  	v50 =	vadd.s32 s22, v22;
	v49 =	vadd.s32 v11, v47;
	v23 =	vld.idx.msk [tilespmem:v23+s14+$0x0], $0xffff;
	v51 =	vmul.f32 $8.000000000e+00, v30;
	[tilespmem:s8+$0x270] =	vst v28  }
0x3b0: {  	v38 =	vadd.s32 s11, v21;
	v52 =	vadd.s32 v11, v50;
	v32 =	vld.idx.msk [tilespmem:v32+s14+$0x0], $0xffff;
	v33 =	vmul.f32 $8.000000000e+00, v33;
	[tilespmem:s21+$0x390] =	vst v48  }
0x3b1: {  	v54 =	vadd.s32 v11, v53;
	v55 =	vadd.s32 s13, v22;
	v56 =	vmul.f32 $8.000000000e+00, v42;
	v27 =	vld.idx.msk [tilespmem:v27+s14+$0x0], $0xffff;
	[tilespmem:s21+$0x90] =	vst v51  }
0x3b2: {  	v35 =	vadd.s32 v11, v55;
	v60 =	vadd.s32 s31, v22;
	v26 =	vmul.f32 $8.000000000e+00, v26;
	v34 =	vld.idx.msk [tilespmem:v34+s14+$0x0], $0xffff;
	[tilespmem:s21+$0x110] =	vst v33  }
0x3b3: {  	v58 =	vadd.s32 s18, v22;
	v22 =	vadd.s32 v11, v60;
	v29 =	vld.idx.msk [tilespmem:v46+s14+$0x0], $0xffff;
	[tilespmem:s21+$0x190] =	vst v56;
	v59 =	vmul.f32 $8.000000000e+00, v36  }
0x3b4: {  	v47 =	vadd.s32 s28, v17;
	v33 =	vadd.s32 v11, v58;
	v31 =	vld.idx.msk [tilespmem:v49+s14+$0x0], $0xffff;
	[tilespmem:s21+$0x210] =	vst v26;
	v23 =	vmul.f32 $8.000000000e+00, v23  }
0x3b5: {  	v62 =	vadd.s32 s2, v21;
	v61 =	vld.idx.msk [tilespmem:v52+s14+$0x0], $0xffff;
	v26 =	vadd.s32 v16, v47;
	v63 =	vmul.f32 $8.000000000e+00, v32;
	[tilespmem:s21+$0x290] =	vst v59  }
0x3b6: {  	v30 =	vadd.s32 v12, v62;
	v36 =	vadd.s32 s0, v21;
	v25 =	vld.idx.msk [tilespmem:v54+s14+$0x0], $0xffff;
	[tilespmem:s21+$0x10] =	vst v23;
	v27 =	vmul.f32 $8.000000000e+00, v27  }
0x3b7: {  	v43 =	vadd.s32 s23, v21;
	v37 =	vadd.s32 v12, v36;
	v35 =	vld.idx.msk [tilespmem:v35+s14+$0x0], $0xffff;
	[tilespmem:s21+$0x310] =	vst v63;
	v39 =	vmul.f32 $8.000000000e+00, v34  }
0x3b8: {  	v40 =	vadd.s32 s22, v21;
	v32 =	vadd.s32 v12, v38;
	v22 =	vld.idx.msk [tilespmem:v22+s14+$0x0], $0xffff;
	v41 =	vmul.f32 $8.000000000e+00, v29;
	[tilespmem:s8+$0x2F0] =	vst v27  }
0x3b9: {  	v45 =	vadd.s32 s13, v21;
	v42 =	vadd.s32 v12, v40;
	v33 =	vld.idx.msk [tilespmem:v33+s14+$0x0], $0xffff;
	v31 =	vmul.f32 $8.000000000e+00, v31;
	[tilespmem:s21+$0x3A0] =	vst v39  }
0x3ba: {  	v50 =	vadd.s32 s31, v21;
	v44 =	vadd.s32 v12, v43;
	v46 =	vmul.f32 $8.000000000e+00, v61;
	v26 =	vld.idx.msk [tilespmem:v26+s14+$0x0], $0xffff;
	[tilespmem:s21+$0xA0] =	vst v41  }
0x3bb: {  	v43 =	vadd.s32 s2, v19;
	v34 =	vadd.s32 v12, v45;
	v25 =	vmul.f32 $8.000000000e+00, v25;
	v30 =	vld.idx.msk [tilespmem:v30+s14+$0x0], $0xffff;
	[tilespmem:s21+$0x120] =	vst v31  }
0x3bc: {  	v48 =	vadd.s32 s18, v21;
	v21 =	vadd.s32 v12, v50;
	v28 =	vld.idx.msk [tilespmem:v37+s14+$0x0], $0xffff;
	[tilespmem:s21+$0x1A0] =	vst v46;
	v49 =	vmul.f32 $8.000000000e+00, v35  }
0x3bd: {  	v38 =	vadd.s32 s26, v17;
	v31 =	vadd.s32 v12, v48;
	v32 =	vld.idx.msk [tilespmem:v32+s14+$0x0], $0xffff;
	[tilespmem:s21+$0x220] =	vst v25;
	v22 =	vmul.f32 $8.000000000e+00, v22  }
0x3be: {  	v52 =	vadd.s32 s2, v20;
	v51 =	vld.idx.msk [tilespmem:v42+s14+$0x0], $0xffff;
	v25 =	vadd.s32 v16, v38;
	v53 =	vmul.f32 $8.000000000e+00, v33;
	[tilespmem:s21+$0x2A0] =	vst v49  }
0x3bf: {  	v54 =	vadd.s32 s0, v20;
	v29 =	vadd.s32 v13, v52;
	v24 =	vld.idx.msk [tilespmem:v44+s14+$0x0], $0xffff;
	[tilespmem:s21+$0x20] =	vst v22;
	v26 =	vmul.f32 $8.000000000e+00, v26  }
0x3c0: {  	v56 =	vadd.s32 s11, v20;
	v55 =	vadd.s32 v13, v54;
	v34 =	vld.idx.msk [tilespmem:v34+s14+$0x0], $0xffff;
	[tilespmem:s21+$0x320] =	vst v53;
	v57 =	vmul.f32 $8.000000000e+00, v30  }
0x3c1: {  	v58 =	vadd.s32 v13, v56;
	v59 =	vadd.s32 s22, v20;
	v21 =	vld.idx.msk [tilespmem:v21+s14+$0x0], $0xffff;
	v60 =	vmul.f32 $8.000000000e+00, v28;
	[tilespmem:s8+$0x370] =	vst v26  }
0x3c2: {  	v62 =	vadd.s32 s23, v20;
	v61 =	vadd.s32 v13, v59;
	v31 =	vld.idx.msk [tilespmem:v31+s14+$0x0], $0xffff;
	v32 =	vmul.f32 $8.000000000e+00, v32;
	[tilespmem:s21+$0x3B0] =	vst v57  }
0x3c3: {  	v36 =	vadd.s32 s13, v20;
	v63 =	vadd.s32 v13, v62;
	v37 =	vmul.f32 $8.000000000e+00, v51;
	v25 =	vld.idx.msk [tilespmem:v25+s14+$0x0], $0xffff;
	[tilespmem:s21+$0xB0] =	vst v60  }
0x3c4: {  	v41 =	vadd.s32 s31, v20;
	v33 =	vadd.s32 v13, v36;
	v24 =	vmul.f32 $8.000000000e+00, v24;
	v29 =	vld.idx.msk [tilespmem:v29+s14+$0x0], $0xffff;
	[tilespmem:s21+$0x130] =	vst v32  }
0x3c5: {  	v39 =	vadd.s32 s18, v20;
	v20 =	vadd.s32 v13, v41;
	v27 =	vld.idx.msk [tilespmem:v55+s14+$0x0], $0xffff;
	[tilespmem:s21+$0x1B0] =	vst v37;
	v40 =	vmul.f32 $8.000000000e+00, v34  }
0x3c6: {  	v47 =	vadd.s32 s11, v19;
	v32 =	vadd.s32 v13, v39;
	v30 =	vld.idx.msk [tilespmem:v58+s14+$0x0], $0xffff;
	[tilespmem:s21+$0x230] =	vst v24;
	v21 =	vmul.f32 $8.000000000e+00, v21  }
0x3c7: {  	v45 =	vadd.s32 s0, v19;
	v28 =	vadd.s32 v14, v43;
	v42 =	vld.idx.msk [tilespmem:v61+s14+$0x0], $0xffff;
	v44 =	vmul.f32 $8.000000000e+00, v31;
	[tilespmem:s21+$0x2B0] =	vst v40  }
0x3c8: {  	v50 =	vadd.s32 s22, v19;
	v46 =	vadd.s32 v14, v45;
	v23 =	vld.idx.msk [tilespmem:v63+s14+$0x0], $0xffff;
	[tilespmem:s21+$0x30] =	vst v21;
	v25 =	vmul.f32 $8.000000000e+00, v25  }
0x3c9: {  	v52 =	vadd.s32 v14, v50;
	v49 =	vadd.s32 v14, v47;
	v33 =	vld.idx.msk [tilespmem:v33+s14+$0x0], $0xffff;
	[tilespmem:s21+$0x330] =	vst v44;
	v48 =	vmul.f32 $8.000000000e+00, v29  }
0x3ca: {  	v53 =	vadd.s32 s23, v19;
	v55 =	vadd.s32 s13, v19;
	v20 =	vld.idx.msk [tilespmem:v20+s14+$0x0], $0xffff;
	v51 =	vmul.f32 $8.000000000e+00, v27;
	[tilespmem:s8+$0x70] =	vst v25  }
0x3cb: {  	v54 =	vadd.s32 v14, v53;
	v57 =	vadd.s32 v14, v55;
	v32 =	vld.idx.msk [tilespmem:v32+s14+$0x0], $0xffff;
	v30 =	vmul.f32 $8.000000000e+00, v30;
	[tilespmem:s21+$0x3C0] =	vst v48  }
0x3cc: {  	v58 =	vadd.s32 s18, v19;
	v19 =	vadd.s32 s31, v19;
	v56 =	vmul.f32 $8.000000000e+00, v42;
	[tilespmem:s21+$0xC0] =	vst v51;
	v28 =	vld.idx.msk [tilespmem:v28+s14+$0x0], $0xffff  }
0x3cd: {  	v41 =	vadd.s32 s23, v18;
	v19 =	vadd.s32 v14, v19;
	v23 =	vmul.f32 $8.000000000e+00, v23;
	[tilespmem:s21+$0x140] =	vst v30;
	v26 =	vld.idx.msk [tilespmem:v46+s14+$0x0], $0xffff  }
0x3ce: {  	v60 =	vadd.s32 s2, v18;
	[tilespmem:s21+$0x1C0] =	vst v56;
	v30 =	vadd.s32 v14, v58;
	v59 =	vmul.f32 $8.000000000e+00, v33;
	v29 =	vld.idx.msk [tilespmem:v49+s14+$0x0], $0xffff  }
0x3cf: {  	v61 =	vadd.s32 s0, v18;
	[tilespmem:s21+$0x240] =	vst v23;
	v27 =	vld.idx.msk [tilespmem:v52+s14+$0x0], $0xffff;
	v23 =	vadd.s32 v15, v60;
	v20 =	vmul.f32 $8.000000000e+00, v20  }
0x3d0: {  	v31 =	vadd.s32 v15, v61;
	v63 =	vadd.s32 s11, v18;
	v62 =	vmul.f32 $8.000000000e+00, v32;
	v22 =	vld.idx.msk [tilespmem:v54+s14+$0x0], $0xffff;
	[tilespmem:s21+$0x2C0] =	vst v59  }
0x3d1: {  	v38 =	vadd.s32 s22, v18;
	v36 =	vadd.s32 v15, v63;
	[tilespmem:s21+$0x40] =	vst v20;
	v24 =	vld.idx.msk [tilespmem:v57+s14+$0x0], $0xffff;
	v37 =	vmul.f32 $8.000000000e+00, v28  }
0x3d2: {  	v43 =	vadd.s32 s13, v18;
	[tilespmem:s21+$0x340] =	vst v62;
	v19 =	vld.idx.msk [tilespmem:v19+s14+$0x0], $0xffff;
	v39 =	vmul.f32 $8.000000000e+00, v26;
	v28 =	vadd.s32 v15, v38  }
0x3d3: {  	v45 =	vadd.s32 v15, v43;
	v42 =	vadd.s32 v15, v41;
	v40 =	vld.idx.msk [tilespmem:v30+s14+$0x0], $0xffff;
	v29 =	vmul.f32 $8.000000000e+00, v29;
	[tilespmem:s21+$0x3D0] =	vst v37  }
0x3d4: {  	v46 =	vadd.s32 s18, v18;
	v18 =	vadd.s32 s31, v18;
	v44 =	vmul.f32 $8.000000000e+00, v27;
	[tilespmem:s21+$0xD0] =	vst v39;
	v23 =	vld.idx.msk [tilespmem:v23+s14+$0x0], $0xffff  }
0x3d5: {  	v50 =	vadd.s32 s0, v17;
	v18 =	vadd.s32 v15, v18;
	v22 =	vmul.f32 $8.000000000e+00, v22;
	v31 =	vld.idx.msk [tilespmem:v31+s14+$0x0], $0xffff;
	[tilespmem:s21+$0x150] =	vst v29  }
0x3d6: {  	v47 =	vadd.s32 v15, v46;
	v49 =	vadd.s32 s2, v17;
	[tilespmem:s21+$0x1D0] =	vst v44;
	v25 =	vld.idx.msk [tilespmem:v36+s14+$0x0], $0xffff;
	v48 =	vmul.f32 $8.000000000e+00, v24  }
0x3d7: {  	v53 =	vadd.s32 v16, v50;
	[tilespmem:s21+$0x250] =	vst v22;
	v24 =	vadd.s32 v16, v49;
	v19 =	vmul.f32 $8.000000000e+00, v19;
	v51 =	vld.idx.msk [tilespmem:v28+s14+$0x0], $0xffff  }
0x3d8: {  	v55 =	vadd.s32 s23, v17;
	v52 =	vadd.s32 s11, v17;
	v26 =	vmul.f32 $8.000000000e+00, v40;
	v21 =	vld.idx.msk [tilespmem:v42+s14+$0x0], $0xffff;
	[tilespmem:s21+$0x2D0] =	vst v48  }
0x3d9: {  	v54 =	vadd.s32 s22, v17;
	v28 =	vadd.s32 v16, v52;
	[tilespmem:s21+$0x50] =	vst v19;
	v27 =	vld.idx.msk [tilespmem:v45+s14+$0x0], $0xffff;
	v23 =	vmul.f32 $8.000000000e+00, v23  }
0x3da: {  	v56 =	vadd.s32 v16, v55;
	[tilespmem:s21+$0x350] =	vst v26;
	v26 =	vadd.s32 v16, v54;
	v18 =	vld.idx.msk [tilespmem:v18+s14+$0x0], $0xffff;
	v19 =	vmul.f32 $8.000000000e+00, v31  }
0x3db: {  	v59 =	vadd.s32 s18, v17;
	v57 =	vadd.s32 s13, v17;
	v29 =	vld.idx.msk [tilespmem:v47+s14+$0x0], $0xffff;
	v25 =	vmul.f32 $8.000000000e+00, v25;
	[tilespmem:s21+$0x3E0] =	vst v23  }
0x3dc: {  	v17 =	vadd.s32 s31, v17;
	v58 =	vadd.s32 v16, v57;
	[tilespmem:s21+$0xE0] =	vst v19;
	v22 =	vmul.f32 $8.000000000e+00, v51;
	v19 =	vld.idx.msk [tilespmem:v24+s14+$0x0], $0xffff  }
0x3dd: {  	v17 =	vadd.s32 v16, v17;
	v21 =	vmul.f32 $8.000000000e+00, v21;
	v20 =	vld.idx.msk [tilespmem:v53+s14+$0x0], $0xffff;
	[tilespmem:s21+$0x160] =	vst v25  }
0x3de: {  	v60 =	vadd.s32 v16, v59;
	v28 =	vld.idx.msk [tilespmem:v28+s14+$0x0], $0xffff;
	v27 =	vmul.f32 $8.000000000e+00, v27;
	[tilespmem:s21+$0x1E0] =	vst v22  }
0x3df: {  	[tilespmem:s21+$0x260] =	vst v21;
	v18 =	vmul.f32 $8.000000000e+00, v18;
	v26 =	vld.idx.msk [tilespmem:v26+s14+$0x0], $0xffff  }
0x3e0: {  	v61 =	vmul.f32 $8.000000000e+00, v29;
	v21 =	vld.idx.msk [tilespmem:v56+s14+$0x0], $0xffff;
	[tilespmem:s21+$0x2E0] =	vst v27  }
0x3e1: {  	[tilespmem:s21+$0x60] =	vst v18;
	v62 =	vld.idx.msk [tilespmem:v58+s14+$0x0], $0xffff;
	v19 =	vmul.f32 $8.000000000e+00, v19  }
0x3e2: {  	[tilespmem:s21+$0x360] =	vst v61;
	v17 =	vld.idx.msk [tilespmem:v17+s14+$0x0], $0xffff;
	v20 =	vmul.f32 $8.000000000e+00, v20  }
0x3e3: {  	v22 =	vld.idx.msk [tilespmem:v60+s14+$0x0], $0xffff;
	v18 =	vmul.f32 $8.000000000e+00, v28;
	[tilespmem:s21+$0x3F0] =	vst v19  }
0x3e4: {  	v19 =	vmul.f32 $8.000000000e+00, v26;
	[tilespmem:s21+$0xF0] =	vst v20  }
0x3e5: {  	s24 =	sadd.s32 $0x1, s24;
	v63 =	vmul.f32 $8.000000000e+00, v21;
	[tilespmem:s21+$0x170] =	vst v18  }
0x3e6: {  	p0 =	sne.s32 s24, $0x32;
	v18 =	vmul.f32 $8.000000000e+00, v62;
	[tilespmem:s21+$0x1F0] =	vst v19  }
.Ltmp8:
0x3e7: {  	[tilespmem:s21+$0x270] =	vst v63;
	v17 =	vmul.f32 $8.000000000e+00, v17;
	(pc) =	sbr.rel @p0 .LBB2_4-.Ltmp8, $4  }
0x3e8: {  	s29 =	sor.u32 s7, s25;
	v19 =	vmul.f32 $8.000000000e+00, v22;
	[tilespmem:s21+$0x2F0] =	vst v18  }
0x3e9: {  	s30 =	rddreg [dreg:$0x1];
	s0 =	sshrl.u32 s29, $0x3;
	[tilespmem:s21+$0x70] =	vst v17  }
0x3ea: {  	s0 =	sadd.s32 s30, s0;
	s31 =	simm.s32 $0x1A800;
	[tilespmem:s21+$0x370] =	vst v19  }
0x3eb: {  	[hbm4b:s0+s16] =	stream.strided.scatter [tilespmem:s31], [sflag:$0x4], $0x4000, s17, s16, $0x38;
	[tilespmem:$0x1E800] =	vst v63  }
0x3ec: {  	s0 =	simm.s32 $0x3  }
0x3ed: {  	_ =	swait.ge [sflag:s0], $0x4000  }
0x3ee: {  	[sflag:s0] =	ssyncset.done $0x0  }
0x3ef: {  	[sflag:s0] =	ssyncadd.s32 $0xFFFFC000  }
0x3f0: {  	_ =	swait.ge [sflag:s20], $0x4000  }
0x3f1: {  	s1 =	rddreg [dreg:$0x5]  }
0x3f2: {  	s31 =	rddreg [dreg:$0x4];
	s1 =	sadd.s32 $0x1, s1  }
0x3f3: {  	p0 =	sne.s32 s1, s31  }
.Ltmp9:
0x3f4: {  	_ = 	snop;
	(pc) =	sbr.rel @p0 .LBB2_1-.Ltmp9, $3  }
0x3f5: {  	_ =	sdelay $0x1  }
0x3f6: {  	[sflag:s20] =	ssyncset.done $0x0  }
0x3f7: {  	[sflag:s20] =	ssyncadd.s32 $0xFFFFC000  }
0x3f8: {  	_ =	sfence.sel $0x180000  }
0x3f9: {  	[bflag:$0x0] =	sbarrier.arrive $0xFFFF  }
0x3fa: {  	_ =	strace $0x90000047  }
0x3fb: {  	s0 =	stileid.u32;
	[bflag:$0x2] =	sbarrier.arrive $0xFFFF  }
0x3fc: {  	p0 =	sne.s32 s0, $0x0;
	s0 =	rddreg [dreg:$0x2]  }
0x3fd: {  	s0 =	sadd.s32 @!p0 $0x100000, s0  }
0x3fe: {  	[sflag:s0] =	ssyncadd.tile.s32 @!p0 $0x1;
	_ =	shalt  }
.Lfunc_end2:
_tile_overlayer_lowered:
.L_overlay_start_2:
0x3ff: {  	(tag) =	ssettag $0x2  }
0x400: {  	s0 =	rddreg [dreg:$0x0];
	s2 =	stileid.u32  }
0x401: {  	s1 =	rddreg [dreg:$0x1];
	p0 =	sne.s32 s2, $0x0  }
0x402: {  	s3 =	rddreg [dreg:$0x2];
	[bflag:$0x3] =	sbarrier.arrive $0xFFFF;
	s2 =	simm.s32 @!p0 $0x1C05  }
0x403: {  	[timem:s3], [sflag:s2] =	dma.local @!p0 [hbm:s0], s1  }
0x404: {  	s0 =	simm.s32 @!p0 $0x5  }
0x405: {  	_ =	swait.ge @!p0 [sflag:s0], s1  }
0x406: {  	s1 =	ssub.s32 @!p0 $0x0, s1;
	[sflag:s0] =	ssyncset.done @!p0 $0x0  }
0x407: {  	[sflag:s0] =	ssyncadd.s32 @!p0 s1  }
0x408: {  	[bflag:$0x3] =	sbarrier.arrive $0xFFFF  }
0x409: {  	_ =	shalt  }

</sc_bundles>
